<compile_context>
chip_gen: v7x
topology: tpu7x:2x2x1
jax: 0.10.2.dev20260603
libtpu: 0.0.44.dev20260713+nightly
codegen_flags: <defaults>
</compile_context>

<pallas_src>
import functools

import jax
import jax.numpy as jnp
from jax import lax
from jax.experimental import pallas as pl
from jax.experimental.pallas import tpu as pltpu
from jax.experimental.pallas import tpu_sc as plsc

_INFO = plsc.get_sparse_core_info()
_NC, _NS = _INFO.num_cores, _INFO.num_subcores
_NW = _NC * _NS

BATCH = 16384
FEAT = 32
_B_PER_W = BATCH // _NW
_DEPTH = 8
_NGROUPS = _B_PER_W // 16


@functools.partial(
    pl.kernel,
    mesh=plsc.VectorSubcoreMesh(core_axis_name="c", subcore_axis_name="s"),
    out_type=jax.ShapeDtypeStruct((FEAT, BATCH), jnp.float32),
    scratch_types=[
        pltpu.VMEM((_B_PER_W + 16,), jnp.int32),
        pltpu.VMEM((_DEPTH, FEAT, 128), jnp.float32),
        pltpu.VMEM((FEAT, _B_PER_W), jnp.float32),
        pltpu.SemaphoreType.DMA((_DEPTH,)),
    ],
    compiler_params=pltpu.CompilerParams(needs_layout_passes=False),
)
def _gather_kernel(tablet_hbm, idx_hbm, out_hbm, idx_v, blk_v, cols_v, sem):
    wid = lax.axis_index("s") * _NC + lax.axis_index("c")
    base = wid * _B_PER_W
    pltpu.sync_copy(idx_hbm.at[pl.ds(base, _B_PER_W)], idx_v.at[pl.ds(0, _B_PER_W)])
    idx_v[pl.ds(_B_PER_W, 16)] = jnp.zeros((16,), jnp.int32)

    iota16 = lax.iota(jnp.int32, 16)

    def fire(i, bank):
        start = pl.multiple_of((i // 128) * 128, 128)
        pltpu.make_async_copy(
            tablet_hbm.at[:, pl.ds(start, 128)], blk_v.at[bank], sem.at[bank]
        ).start()

    def drain(bank):
        pltpu.make_async_copy(
            tablet_hbm.at[:, pl.ds(0, 128)], blk_v.at[bank], sem.at[bank]
        ).wait()

    vec0 = idx_v[pl.ds(0, 16)]
    for k in range(_DEPTH):
        fire(vec0[k], k)

    def body(g, carry):
        vec = idx_v[pl.ds(g * 16, 16)]
        vecn = idx_v[pl.ds(g * 16 + 16, 16)]
        for k in range(16):
            e = g * 16 + k
            bank = k % _DEPTH
            drain(bank)
            c_vec = jnp.full((16,), lax.rem(vec[k], 128), jnp.int32)
            b_vec = jnp.full((16,), bank, jnp.int32)
            e_vec = jnp.full((16,), e, jnp.int32)
            va = plsc.load_gather(blk_v, [b_vec, iota16, c_vec])
            vb = plsc.load_gather(blk_v, [b_vec, iota16 + 16, c_vec])
            plsc.store_scatter(cols_v, [iota16, e_vec], va)
            plsc.store_scatter(cols_v, [iota16 + 16, e_vec], vb)
            nk = k + _DEPTH
            fire(vec[nk] if nk < 16 else vecn[nk - 16], bank)
        return carry

    lax.fori_loop(0, _NGROUPS, body, 0)
    for k in range(_DEPTH):
        drain(k)
    pltpu.sync_copy(cols_v, out_hbm.at[:, pl.ds(base, _B_PER_W)])


def kernel(idx, representations):
    out_t = _gather_kernel(representations.T, idx.astype(jnp.int32))
    return out_t.T

# --- scband reference (transcript-rebuilt; emitter-appended) ---
"""Pipeline reference for scband-instance-representation-11811160064491 (READ-ONLY COPY).

The authoritative reference and input builder live on the scoring server;
editing this copy changes nothing except your own understanding.
"""

import jax, jax.numpy as jnp
import numpy as np

NUM_SUBJECTS = 1000000
FEAT_SIZE = 32
FEAT_STD = 1.0
BATCH = 16384

def setup_inputs(seed: int = 0) -> dict:
    key = jax.random.key(seed)
    k_idx, k_rep = jax.random.split(key)
    idx = jax.random.randint(k_idx, (BATCH,), 0, NUM_SUBJECTS, dtype=jnp.int64 if jax.config.jax_enable_x64 else jnp.int32)
    representations = FEAT_STD * jax.random.normal(k_rep, (NUM_SUBJECTS, FEAT_SIZE), dtype=jnp.float32)
    return {"idx": idx, "representations": representations}

def reference(idx, representations):
    # Faithful translation of: return self.representations[idx]
    return jnp.take(representations, idx, axis=0)

if __name__ == "__main__":
    import jax
    _d = setup_inputs()
    print(jax.jit(kernel)(*tuple(_d.values())))

</pallas_src>

<mosaic_0001>
#map = affine_map<(d0, d1) -> (0, 0)>
#map1 = affine_map<(d0, d1) -> (0)>
module attributes {stable_mosaic.version = 14 : i64} {
  func.func @_gather_kernel(%arg0: i32, %arg1: i32, %arg2: memref<32x1000000xf32, #tpu.memory_space<hbm>>, %arg3: memref<16384xi32, #tpu.memory_space<hbm>>, %arg4: memref<32x16384xf32, #tpu.memory_space<hbm>>, %arg5: memref<528xi32, #tpu.memory_space<vmem>>, %arg6: memref<8x32x128xf32, #tpu.memory_space<vmem>>, %arg7: memref<32x512xf32, #tpu.memory_space<vmem>>, %arg8: memref<8x!tpu.dma_semaphore, #tpu.memory_space<semaphore_mem>>) attributes {dimension_semantics = [#tpu.dimension_semantics<core_parallel>, #tpu.dimension_semantics<subcore_parallel>], iteration_bounds = array<i64: 2, 16>, scalar_prefetch = 0 : i64, scratch_operands = 4 : i64, tpu.core_type = #tpu.core_type<sc_vector_subcore>, window_params = [{transform_indices = #map}, {transform_indices = #map1}, {transform_indices = #map}]} {
    %mul3A = arith.constant 2 : i32
    %mul3A_0 = arith.muli %arg1, %mul3A : i32
    %add3A = arith.addi %mul3A_0, %arg0 : i32
    %mul3A_1 = arith.constant 512 : i32
    %mul3A_2 = arith.muli %add3A, %mul3A_1 : i32
    "tpu.region"() ({
      %run_scoped3A = tpu.sem_alloc : memref<!tpu.dma_semaphore, #tpu.memory_space<semaphore_mem>>
      %dma_start3A_502 = arith.constant 0 : i32
      %dma_start3A_503 = tpu.memref_slice %arg5[%dma_start3A_502] : memref<528xi32, #tpu.memory_space<vmem>> -> memref<512xi32, #tpu.memory_space<vmem>>
      %dma_start3A_504 = tpu.memref_slice %arg3[%mul3A_2] : memref<16384xi32, #tpu.memory_space<hbm>> -> memref<512xi32, #tpu.memory_space<hbm>>
      %dma_start3A_505 = arith.constant 0 : i32
      %dma_start3A_506 = tpu.memref_slice %arg5[%dma_start3A_505] : memref<528xi32, #tpu.memory_space<vmem>> -> memref<512xi32, #tpu.memory_space<vmem>>
      %dma_start3A_507 = tpu.memref_slice %arg3[%mul3A_2] : memref<16384xi32, #tpu.memory_space<hbm>> -> memref<512xi32, #tpu.memory_space<hbm>>
      tpu.enqueue_dma source(%dma_start3A_507 : memref<512xi32, #tpu.memory_space<hbm>>) target(%dma_start3A_506 : memref<512xi32, #tpu.memory_space<vmem>>) target_semaphore(%run_scoped3A : memref<!tpu.dma_semaphore, #tpu.memory_space<semaphore_mem>>)
      %dma_wait3A_508 = arith.constant 0 : i32
      %dma_wait3A_509 = tpu.memref_slice %arg5[%dma_wait3A_508] : memref<528xi32, #tpu.memory_space<vmem>> -> memref<512xi32, #tpu.memory_space<vmem>>
      %dma_wait3A_510 = tpu.memref_slice %arg3[%mul3A_2] : memref<16384xi32, #tpu.memory_space<hbm>> -> memref<512xi32, #tpu.memory_space<hbm>>
      %dma_wait3A_511 = arith.constant 0 : i32
      %dma_wait3A_512 = tpu.memref_slice %arg5[%dma_wait3A_511] : memref<528xi32, #tpu.memory_space<vmem>> -> memref<512xi32, #tpu.memory_space<vmem>>
      %dma_wait3A_513 = tpu.memref_slice %arg3[%mul3A_2] : memref<16384xi32, #tpu.memory_space<hbm>> -> memref<512xi32, #tpu.memory_space<hbm>>
      tpu.wait_dma2 semaphore(%run_scoped3A : memref<!tpu.dma_semaphore, #tpu.memory_space<semaphore_mem>>) src(%dma_wait3A_513 : memref<512xi32, #tpu.memory_space<hbm>>) dst(%dma_wait3A_512 : memref<512xi32, #tpu.memory_space<vmem>>)
      tpu.yield
    }) : () -> ()
    %broadcast_in_dim3A = arith.constant 0 : i32
    %broadcast_in_dim3A_3 = vector.broadcast %broadcast_in_dim3A : i32 to vector<16xi32>
    %swap3A = arith.constant 512 : index
    %swap3A_4 = tpu.vector_load %arg5[%swap3A] {strides = array<i32>} : memref<528xi32, #tpu.memory_space<vmem>>, vector<16xi32>,
    tpu.vector_store %arg5[%swap3A], %broadcast_in_dim3A_3 {strides = array<i32>} : memref<528xi32, #tpu.memory_space<vmem>>, vector<16xi32>,
    %iota3A = tpu.iota {dimensions = array<i32: 0>} : vector<16xi32>
    %get3A = arith.constant 0 : index
    %get3A_5 = tpu.vector_load %arg5[%get3A] {strides = array<i32>} : memref<528xi32, #tpu.memory_space<vmem>>, vector<16xi32>,
    %slice3A = vector.extract_strided_slice %get3A_5 {offsets = [0], sizes = [1], strides = [1]} : vector<16xi32> to vector<1xi32>
    %squeeze3A = vector.extract %slice3A[0] : i32 from vector<1xi32>
    %jit3A = arith.constant 128 : i32
    %div3A = arith.divsi %squeeze3A, %jit3A : i32
    %sign3A = arith.constant 0 : i32
    %sign3A_6 = arith.cmpi sgt, %squeeze3A, %sign3A : i32
    %sign3A_7 = arith.extui %sign3A_6 : i1 to i32
    %sign3A_8 = arith.constant 0 : i32
    %sign3A_9 = arith.cmpi slt, %squeeze3A, %sign3A_8 : i32
    %sign3A_10 = arith.extui %sign3A_9 : i1 to i32
    %sign3A_11 = arith.subi %sign3A_7, %sign3A_10 : i32
    %sign3A_12 = arith.constant 0 : i32
    %sign3A_13 = arith.cmpi sgt, %jit3A, %sign3A_12 : i32
    %sign3A_14 = arith.extui %sign3A_13 : i1 to i32
    %sign3A_15 = arith.constant 0 : i32
    %sign3A_16 = arith.cmpi slt, %jit3A, %sign3A_15 : i32
    %sign3A_17 = arith.extui %sign3A_16 : i1 to i32
    %sign3A_18 = arith.subi %sign3A_14, %sign3A_17 : i32
    %ne3A = arith.cmpi ne, %sign3A_11, %sign3A_18 : i32
    %rem3A = arith.remsi %squeeze3A, %jit3A : i32
    %ne3A_19 = arith.constant 0 : i32
    %ne3A_20 = arith.cmpi ne, %rem3A, %ne3A_19 : i32
    %and3A = arith.andi %ne3A, %ne3A_20 : i1
    %sub3A = arith.constant 1 : i32
    %sub3A_21 = arith.subi %div3A, %sub3A : i32
    %select_n3A = arith.select %and3A, %sub3A_21, %div3A : i32
    %mul3A_22 = arith.constant 128 : i32
    %mul3A_23 = arith.muli %select_n3A, %mul3A_22 : i32
    %multiple_of3A = tpu.assume_multiple %mul3A_23, 128 : i32
    %dma_start3A = arith.constant 0 : i32
    %dma_start3A_24 = arith.constant 0 : i32
    %dma_start3A_25 = arith.constant 0 : i32
    %dma_start3A_26 = arith.constant 0 : i32
    %dma_start3A_27 = tpu.memref_slice %arg6[%dma_start3A, %dma_start3A_25, %dma_start3A_26] : memref<8x32x128xf32, #tpu.memory_space<vmem>> -> memref<1x32x128xf32, #tpu.memory_space<vmem>>
    %dma_start3A_28 = tpu.memref_squeeze %dma_start3A_27 : memref<1x32x128xf32, #tpu.memory_space<vmem>> -> memref<32x128xf32, #tpu.memory_space<vmem>>
    %dma_start3A_29 = arith.constant 0 : i32
    %dma_start3A_30 = tpu.memref_slice %arg2[%dma_start3A_29, %multiple_of3A] : memref<32x1000000xf32, #tpu.memory_space<hbm>> -> memref<32x128xf32, #tpu.memory_space<hbm>>
    %dma_start3A_31 = tpu.memref_slice %arg8[%dma_start3A_24] : memref<8x!tpu.dma_semaphore, #tpu.memory_space<semaphore_mem>> -> memref<1x!tpu.dma_semaphore, #tpu.memory_space<semaphore_mem>>
    %dma_start3A_32 = tpu.memref_squeeze %dma_start3A_31 : memref<1x!tpu.dma_semaphore, #tpu.memory_space<semaphore_mem>> -> memref<!tpu.dma_semaphore, #tpu.memory_space<semaphore_mem>>
    %dma_start3A_33 = arith.constant 0 : i32
    %dma_start3A_34 = arith.constant 0 : i32
    %dma_start3A_35 = tpu.memref_slice %arg6[%dma_start3A, %dma_start3A_33, %dma_start3A_34] : memref<8x32x128xf32, #tpu.memory_space<vmem>> -> memref<1x32x128xf32, #tpu.memory_space<vmem>>
    %dma_start3A_36 = tpu.memref_squeeze %dma_start3A_35 : memref<1x32x128xf32, #tpu.memory_space<vmem>> -> memref<32x128xf32, #tpu.memory_space<vmem>>
    %dma_start3A_37 = arith.constant 0 : i32
    %dma_start3A_38 = tpu.memref_slice %arg2[%dma_start3A_37, %multiple_of3A] : memref<32x1000000xf32, #tpu.memory_space<hbm>> -> memref<32x128xf32, #tpu.memory_space<hbm>>
    tpu.enqueue_dma source(%dma_start3A_38 : memref<32x128xf32, #tpu.memory_space<hbm>>) target(%dma_start3A_36 : memref<32x128xf32, #tpu.memory_space<vmem>>) target_semaphore(%dma_start3A_32 : memref<!tpu.dma_semaphore, #tpu.memory_space<semaphore_mem>>)
    %slice3A_39 = vector.extract_strided_slice %get3A_5 {offsets = [1], sizes = [1], strides = [1]} : vector<16xi32> to vector<1xi32>
    %squeeze3A_40 = vector.extract %slice3A_39[0] : i32 from vector<1xi32>
    %jit3A_41 = arith.constant 128 : i32
    %div3A_42 = arith.divsi %squeeze3A_40, %jit3A_41 : i32
    %sign3A_43 = arith.constant 0 : i32
    %sign3A_44 = arith.cmpi sgt, %squeeze3A_40, %sign3A_43 : i32
    %sign3A_45 = arith.extui %sign3A_44 : i1 to i32
    %sign3A_46 = arith.constant 0 : i32
    %sign3A_47 = arith.cmpi slt, %squeeze3A_40, %sign3A_46 : i32
    %sign3A_48 = arith.extui %sign3A_47 : i1 to i32
    %sign3A_49 = arith.subi %sign3A_45, %sign3A_48 : i32
    %sign3A_50 = arith.constant 0 : i32
    %sign3A_51 = arith.cmpi sgt, %jit3A_41, %sign3A_50 : i32
    %sign3A_52 = arith.extui %sign3A_51 : i1 to i32
    %sign3A_53 = arith.constant 0 : i32
    %sign3A_54 = arith.cmpi slt, %jit3A_41, %sign3A_53 : i32
    %sign3A_55 = arith.extui %sign3A_54 : i1 to i32
    %sign3A_56 = arith.subi %sign3A_52, %sign3A_55 : i32
    %ne3A_57 = arith.cmpi ne, %sign3A_49, %sign3A_56 : i32
    %rem3A_58 = arith.remsi %squeeze3A_40, %jit3A_41 : i32
    %ne3A_59 = arith.constant 0 : i32
    %ne3A_60 = arith.cmpi ne, %rem3A_58, %ne3A_59 : i32
    %and3A_61 = arith.andi %ne3A_57, %ne3A_60 : i1
    %sub3A_62 = arith.constant 1 : i32
    %sub3A_63 = arith.subi %div3A_42, %sub3A_62 : i32
    %select_n3A_64 = arith.select %and3A_61, %sub3A_63, %div3A_42 : i32
    %mul3A_65 = arith.constant 128 : i32
    %mul3A_66 = arith.muli %select_n3A_64, %mul3A_65 : i32
    %multiple_of3A_67 = tpu.assume_multiple %mul3A_66, 128 : i32
    %dma_start3A_68 = arith.constant 1 : i32
    %dma_start3A_69 = arith.constant 1 : i32
    %dma_start3A_70 = arith.constant 0 : i32
    %dma_start3A_71 = arith.constant 0 : i32
    %dma_start3A_72 = tpu.memref_slice %arg6[%dma_start3A_68, %dma_start3A_70, %dma_start3A_71] : memref<8x32x128xf32, #tpu.memory_space<vmem>> -> memref<1x32x128xf32, #tpu.memory_space<vmem>>
    %dma_start3A_73 = tpu.memref_squeeze %dma_start3A_72 : memref<1x32x128xf32, #tpu.memory_space<vmem>> -> memref<32x128xf32, #tpu.memory_space<vmem>>
    %dma_start3A_74 = arith.constant 0 : i32
    %dma_start3A_75 = tpu.memref_slice %arg2[%dma_start3A_74, %multiple_of3A_67] : memref<32x1000000xf32, #tpu.memory_space<hbm>> -> memref<32x128xf32, #tpu.memory_space<hbm>>
    %dma_start3A_76 = tpu.memref_slice %arg8[%dma_start3A_69] : memref<8x!tpu.dma_semaphore, #tpu.memory_space<semaphore_mem>> -> memref<1x!tpu.dma_semaphore, #tpu.memory_space<semaphore_mem>>
    %dma_start3A_77 = tpu.memref_squeeze %dma_start3A_76 : memref<1x!tpu.dma_semaphore, #tpu.memory_space<semaphore_mem>> -> memref<!tpu.dma_semaphore, #tpu.memory_space<semaphore_mem>>
    %dma_start3A_78 = arith.constant 0 : i32
    %dma_start3A_79 = arith.constant 0 : i32
    %dma_start3A_80 = tpu.memref_slice %arg6[%dma_start3A_68, %dma_start3A_78, %dma_start3A_79] : memref<8x32x128xf32, #tpu.memory_space<vmem>> -> memref<1x32x128xf32, #tpu.memory_space<vmem>>
    %dma_start3A_81 = tpu.memref_squeeze %dma_start3A_80 : memref<1x32x128xf32, #tpu.memory_space<vmem>> -> memref<32x128xf32, #tpu.memory_space<vmem>>
    %dma_start3A_82 = arith.constant 0 : i32
    %dma_start3A_83 = tpu.memref_slice %arg2[%dma_start3A_82, %multiple_of3A_67] : memref<32x1000000xf32, #tpu.memory_space<hbm>> -> memref<32x128xf32, #tpu.memory_space<hbm>>
    tpu.enqueue_dma source(%dma_start3A_83 : memref<32x128xf32, #tpu.memory_space<hbm>>) target(%dma_start3A_81 : memref<32x128xf32, #tpu.memory_space<vmem>>) target_semaphore(%dma_start3A_77 : memref<!tpu.dma_semaphore, #tpu.memory_space<semaphore_mem>>)
    %slice3A_84 = vector.extract_strided_slice %get3A_5 {offsets = [2], sizes = [1], strides = [1]} : vector<16xi32> to vector<1xi32>
    %squeeze3A_85 = vector.extract %slice3A_84[0] : i32 from vector<1xi32>
    %jit3A_86 = arith.constant 128 : i32
    %div3A_87 = arith.divsi %squeeze3A_85, %jit3A_86 : i32
    %sign3A_88 = arith.constant 0 : i32
    %sign3A_89 = arith.cmpi sgt, %squeeze3A_85, %sign3A_88 : i32
    %sign3A_90 = arith.extui %sign3A_89 : i1 to i32
    %sign3A_91 = arith.constant 0 : i32
    %sign3A_92 = arith.cmpi slt, %squeeze3A_85, %sign3A_91 : i32
    %sign3A_93 = arith.extui %sign3A_92 : i1 to i32
    %sign3A_94 = arith.subi %sign3A_90, %sign3A_93 : i32
    %sign3A_95 = arith.constant 0 : i32
    %sign3A_96 = arith.cmpi sgt, %jit3A_86, %sign3A_95 : i32
    %sign3A_97 = arith.extui %sign3A_96 : i1 to i32
    %sign3A_98 = arith.constant 0 : i32
    %sign3A_99 = arith.cmpi slt, %jit3A_86, %sign3A_98 : i32
    %sign3A_100 = arith.extui %sign3A_99 : i1 to i32
    %sign3A_101 = arith.subi %sign3A_97, %sign3A_100 : i32
    %ne3A_102 = arith.cmpi ne, %sign3A_94, %sign3A_101 : i32
    %rem3A_103 = arith.remsi %squeeze3A_85, %jit3A_86 : i32
    %ne3A_104 = arith.constant 0 : i32
    %ne3A_105 = arith.cmpi ne, %rem3A_103, %ne3A_104 : i32
    %and3A_106 = arith.andi %ne3A_102, %ne3A_105 : i1
    %sub3A_107 = arith.constant 1 : i32
    %sub3A_108 = arith.subi %div3A_87, %sub3A_107 : i32
    %select_n3A_109 = arith.select %and3A_106, %sub3A_108, %div3A_87 : i32
    %mul3A_110 = arith.constant 128 : i32
    %mul3A_111 = arith.muli %select_n3A_109, %mul3A_110 : i32
    %multiple_of3A_112 = tpu.assume_multiple %mul3A_111, 128 : i32
    %dma_start3A_113 = arith.constant 2 : i32
    %dma_start3A_114 = arith.constant 2 : i32
    %dma_start3A_115 = arith.constant 0 : i32
    %dma_start3A_116 = arith.constant 0 : i32
    %dma_start3A_117 = tpu.memref_slice %arg6[%dma_start3A_113, %dma_start3A_115, %dma_start3A_116] : memref<8x32x128xf32, #tpu.memory_space<vmem>> -> memref<1x32x128xf32, #tpu.memory_space<vmem>>
    %dma_start3A_118 = tpu.memref_squeeze %dma_start3A_117 : memref<1x32x128xf32, #tpu.memory_space<vmem>> -> memref<32x128xf32, #tpu.memory_space<vmem>>
    %dma_start3A_119 = arith.constant 0 : i32
    %dma_start3A_120 = tpu.memref_slice %arg2[%dma_start3A_119, %multiple_of3A_112] : memref<32x1000000xf32, #tpu.memory_space<hbm>> -> memref<32x128xf32, #tpu.memory_space<hbm>>
    %dma_start3A_121 = tpu.memref_slice %arg8[%dma_start3A_114] : memref<8x!tpu.dma_semaphore, #tpu.memory_space<semaphore_mem>> -> memref<1x!tpu.dma_semaphore, #tpu.memory_space<semaphore_mem>>
    %dma_start3A_122 = tpu.memref_squeeze %dma_start3A_121 : memref<1x!tpu.dma_semaphore, #tpu.memory_space<semaphore_mem>> -> memref<!tpu.dma_semaphore, #tpu.memory_space<semaphore_mem>>
    %dma_start3A_123 = arith.constant 0 : i32
    %dma_start3A_124 = arith.constant 0 : i32
    %dma_start3A_125 = tpu.memref_slice %arg6[%dma_start3A_113, %dma_start3A_123, %dma_start3A_124] : memref<8x32x128xf32, #tpu.memory_space<vmem>> -> memref<1x32x128xf32, #tpu.memory_space<vmem>>
    %dma_start3A_126 = tpu.memref_squeeze %dma_start3A_125 : memref<1x32x128xf32, #tpu.memory_space<vmem>> -> memref<32x128xf32, #tpu.memory_space<vmem>>
    %dma_start3A_127 = arith.constant 0 : i32
    %dma_start3A_128 = tpu.memref_slice %arg2[%dma_start3A_127, %multiple_of3A_112] : memref<32x1000000xf32, #tpu.memory_space<hbm>> -> memref<32x128xf32, #tpu.memory_space<hbm>>
    tpu.enqueue_dma source(%dma_start3A_128 : memref<32x128xf32, #tpu.memory_space<hbm>>) target(%dma_start3A_126 : memref<32x128xf32, #tpu.memory_space<vmem>>) target_semaphore(%dma_start3A_122 : memref<!tpu.dma_semaphore, #tpu.memory_space<semaphore_mem>>)
    %slice3A_129 = vector.extract_strided_slice %get3A_5 {offsets = [3], sizes = [1], strides = [1]} : vector<16xi32> to vector<1xi32>
    %squeeze3A_130 = vector.extract %slice3A_129[0] : i32 from vector<1xi32>
    %jit3A_131 = arith.constant 128 : i32
    %div3A_132 = arith.divsi %squeeze3A_130, %jit3A_131 : i32
    %sign3A_133 = arith.constant 0 : i32
    %sign3A_134 = arith.cmpi sgt, %squeeze3A_130, %sign3A_133 : i32
    %sign3A_135 = arith.extui %sign3A_134 : i1 to i32
    %sign3A_136 = arith.constant 0 : i32
    %sign3A_137 = arith.cmpi slt, %squeeze3A_130, %sign3A_136 : i32
    %sign3A_138 = arith.extui %sign3A_137 : i1 to i32
    %sign3A_139 = arith.subi %sign3A_135, %sign3A_138 : i32
    %sign3A_140 = arith.constant 0 : i32
    %sign3A_141 = arith.cmpi sgt, %jit3A_131, %sign3A_140 : i32
    %sign3A_142 = arith.extui %sign3A_141 : i1 to i32
    %sign3A_143 = arith.constant 0 : i32
    %sign3A_144 = arith.cmpi slt, %jit3A_131, %sign3A_143 : i32
    %sign3A_145 = arith.extui %sign3A_144 : i1 to i32
    %sign3A_146 = arith.subi %sign3A_142, %sign3A_145 : i32
    %ne3A_147 = arith.cmpi ne, %sign3A_139, %sign3A_146 : i32
    %rem3A_148 = arith.remsi %squeeze3A_130, %jit3A_131 : i32
    %ne3A_149 = arith.constant 0 : i32
    %ne3A_150 = arith.cmpi ne, %rem3A_148, %ne3A_149 : i32
    %and3A_151 = arith.andi %ne3A_147, %ne3A_150 : i1
    %sub3A_152 = arith.constant 1 : i32
    %sub3A_153 = arith.subi %div3A_132, %sub3A_152 : i32
    %select_n3A_154 = arith.select %and3A_151, %sub3A_153, %div3A_132 : i32
    %mul3A_155 = arith.constant 128 : i32
    %mul3A_156 = arith.muli %select_n3A_154, %mul3A_155 : i32
    %multiple_of3A_157 = tpu.assume_multiple %mul3A_156, 128 : i32
    %dma_start3A_158 = arith.constant 3 : i32
    %dma_start3A_159 = arith.constant 3 : i32
    %dma_start3A_160 = arith.constant 0 : i32
    %dma_start3A_161 = arith.constant 0 : i32
    %dma_start3A_162 = tpu.memref_slice %arg6[%dma_start3A_158, %dma_start3A_160, %dma_start3A_161] : memref<8x32x128xf32, #tpu.memory_space<vmem>> -> memref<1x32x128xf32, #tpu.memory_space<vmem>>
    %dma_start3A_163 = tpu.memref_squeeze %dma_start3A_162 : memref<1x32x128xf32, #tpu.memory_space<vmem>> -> memref<32x128xf32, #tpu.memory_space<vmem>>
    %dma_start3A_164 = arith.constant 0 : i32
    %dma_start3A_165 = tpu.memref_slice %arg2[%dma_start3A_164, %multiple_of3A_157] : memref<32x1000000xf32, #tpu.memory_space<hbm>> -> memref<32x128xf32, #tpu.memory_space<hbm>>
    %dma_start3A_166 = tpu.memref_slice %arg8[%dma_start3A_159] : memref<8x!tpu.dma_semaphore, #tpu.memory_space<semaphore_mem>> -> memref<1x!tpu.dma_semaphore, #tpu.memory_space<semaphore_mem>>
    %dma_start3A_167 = tpu.memref_squeeze %dma_start3A_166 : memref<1x!tpu.dma_semaphore, #tpu.memory_space<semaphore_mem>> -> memref<!tpu.dma_semaphore, #tpu.memory_space<semaphore_mem>>
    %dma_start3A_168 = arith.constant 0 : i32
    %dma_start3A_169 = arith.constant 0 : i32
    %dma_start3A_170 = tpu.memref_slice %arg6[%dma_start3A_158, %dma_start3A_168, %dma_start3A_169] : memref<8x32x128xf32, #tpu.memory_space<vmem>> -> memref<1x32x128xf32, #tpu.memory_space<vmem>>
    %dma_start3A_171 = tpu.memref_squeeze %dma_start3A_170 : memref<1x32x128xf32, #tpu.memory_space<vmem>> -> memref<32x128xf32, #tpu.memory_space<vmem>>
    %dma_start3A_172 = arith.constant 0 : i32
    %dma_start3A_173 = tpu.memref_slice %arg2[%dma_start3A_172, %multiple_of3A_157] : memref<32x1000000xf32, #tpu.memory_space<hbm>> -> memref<32x128xf32, #tpu.memory_space<hbm>>
    tpu.enqueue_dma source(%dma_start3A_173 : memref<32x128xf32, #tpu.memory_space<hbm>>) target(%dma_start3A_171 : memref<32x128xf32, #tpu.memory_space<vmem>>) target_semaphore(%dma_start3A_167 : memref<!tpu.dma_semaphore, #tpu.memory_space<semaphore_mem>>)
    %slice3A_174 = vector.extract_strided_slice %get3A_5 {offsets = [4], sizes = [1], strides = [1]} : vector<16xi32> to vector<1xi32>
    %squeeze3A_175 = vector.extract %slice3A_174[0] : i32 from vector<1xi32>
    %jit3A_176 = arith.constant 128 : i32
    %div3A_177 = arith.divsi %squeeze3A_175, %jit3A_176 : i32
    %sign3A_178 = arith.constant 0 : i32
    %sign3A_179 = arith.cmpi sgt, %squeeze3A_175, %sign3A_178 : i32
    %sign3A_180 = arith.extui %sign3A_179 : i1 to i32
    %sign3A_181 = arith.constant 0 : i32
    %sign3A_182 = arith.cmpi slt, %squeeze3A_175, %sign3A_181 : i32
    %sign3A_183 = arith.extui %sign3A_182 : i1 to i32
    %sign3A_184 = arith.subi %sign3A_180, %sign3A_183 : i32
    %sign3A_185 = arith.constant 0 : i32
    %sign3A_186 = arith.cmpi sgt, %jit3A_176, %sign3A_185 : i32
    %sign3A_187 = arith.extui %sign3A_186 : i1 to i32
    %sign3A_188 = arith.constant 0 : i32
    %sign3A_189 = arith.cmpi slt, %jit3A_176, %sign3A_188 : i32
    %sign3A_190 = arith.extui %sign3A_189 : i1 to i32
    %sign3A_191 = arith.subi %sign3A_187, %sign3A_190 : i32
    %ne3A_192 = arith.cmpi ne, %sign3A_184, %sign3A_191 : i32
    %rem3A_193 = arith.remsi %squeeze3A_175, %jit3A_176 : i32
    %ne3A_194 = arith.constant 0 : i32
    %ne3A_195 = arith.cmpi ne, %rem3A_193, %ne3A_194 : i32
    %and3A_196 = arith.andi %ne3A_192, %ne3A_195 : i1
    %sub3A_197 = arith.constant 1 : i32
    %sub3A_198 = arith.subi %div3A_177, %sub3A_197 : i32
    %select_n3A_199 = arith.select %and3A_196, %sub3A_198, %div3A_177 : i32
    %mul3A_200 = arith.constant 128 : i32
    %mul3A_201 = arith.muli %select_n3A_199, %mul3A_200 : i32
    %multiple_of3A_202 = tpu.assume_multiple %mul3A_201, 128 : i32
    %dma_start3A_203 = arith.constant 4 : i32
    %dma_start3A_204 = arith.constant 4 : i32
    %dma_start3A_205 = arith.constant 0 : i32
    %dma_start3A_206 = arith.constant 0 : i32
    %dma_start3A_207 = tpu.memref_slice %arg6[%dma_start3A_203, %dma_start3A_205, %dma_start3A_206] : memref<8x32x128xf32, #tpu.memory_space<vmem>> -> memref<1x32x128xf32, #tpu.memory_space<vmem>>
    %dma_start3A_208 = tpu.memref_squeeze %dma_start3A_207 : memref<1x32x128xf32, #tpu.memory_space<vmem>> -> memref<32x128xf32, #tpu.memory_space<vmem>>
    %dma_start3A_209 = arith.constant 0 : i32
    %dma_start3A_210 = tpu.memref_slice %arg2[%dma_start3A_209, %multiple_of3A_202] : memref<32x1000000xf32, #tpu.memory_space<hbm>> -> memref<32x128xf32, #tpu.memory_space<hbm>>
    %dma_start3A_211 = tpu.memref_slice %arg8[%dma_start3A_204] : memref<8x!tpu.dma_semaphore, #tpu.memory_space<semaphore_mem>> -> memref<1x!tpu.dma_semaphore, #tpu.memory_space<semaphore_mem>>
    %dma_start3A_212 = tpu.memref_squeeze %dma_start3A_211 : memref<1x!tpu.dma_semaphore, #tpu.memory_space<semaphore_mem>> -> memref<!tpu.dma_semaphore, #tpu.memory_space<semaphore_mem>>
    %dma_start3A_213 = arith.constant 0 : i32
    %dma_start3A_214 = arith.constant 0 : i32
    %dma_start3A_215 = tpu.memref_slice %arg6[%dma_start3A_203, %dma_start3A_213, %dma_start3A_214] : memref<8x32x128xf32, #tpu.memory_space<vmem>> -> memref<1x32x128xf32, #tpu.memory_space<vmem>>
    %dma_start3A_216 = tpu.memref_squeeze %dma_start3A_215 : memref<1x32x128xf32, #tpu.memory_space<vmem>> -> memref<32x128xf32, #tpu.memory_space<vmem>>
    %dma_start3A_217 = arith.constant 0 : i32
    %dma_start3A_218 = tpu.memref_slice %arg2[%dma_start3A_217, %multiple_of3A_202] : memref<32x1000000xf32, #tpu.memory_space<hbm>> -> memref<32x128xf32, #tpu.memory_space<hbm>>
    tpu.enqueue_dma source(%dma_start3A_218 : memref<32x128xf32, #tpu.memory_space<hbm>>) target(%dma_start3A_216 : memref<32x128xf32, #tpu.memory_space<vmem>>) target_semaphore(%dma_start3A_212 : memref<!tpu.dma_semaphore, #tpu.memory_space<semaphore_mem>>)
    %slice3A_219 = vector.extract_strided_slice %get3A_5 {offsets = [5], sizes = [1], strides = [1]} : vector<16xi32> to vector<1xi32>
    %squeeze3A_220 = vector.extract %slice3A_219[0] : i32 from vector<1xi32>
    %jit3A_221 = arith.constant 128 : i32
    %div3A_222 = arith.divsi %squeeze3A_220, %jit3A_221 : i32
    %sign3A_223 = arith.constant 0 : i32
    %sign3A_224 = arith.cmpi sgt, %squeeze3A_220, %sign3A_223 : i32
    %sign3A_225 = arith.extui %sign3A_224 : i1 to i32
    %sign3A_226 = arith.constant 0 : i32
    %sign3A_227 = arith.cmpi slt, %squeeze3A_220, %sign3A_226 : i32
    %sign3A_228 = arith.extui %sign3A_227 : i1 to i32
    %sign3A_229 = arith.subi %sign3A_225, %sign3A_228 : i32
    %sign3A_230 = arith.constant 0 : i32
    %sign3A_231 = arith.cmpi sgt, %jit3A_221, %sign3A_230 : i32
    %sign3A_232 = arith.extui %sign3A_231 : i1 to i32
    %sign3A_233 = arith.constant 0 : i32
    %sign3A_234 = arith.cmpi slt, %jit3A_221, %sign3A_233 : i32
    %sign3A_235 = arith.extui %sign3A_234 : i1 to i32
    %sign3A_236 = arith.subi %sign3A_232, %sign3A_235 : i32
    %ne3A_237 = arith.cmpi ne, %sign3A_229, %sign3A_236 : i32
    %rem3A_238 = arith.remsi %squeeze3A_220, %jit3A_221 : i32
    %ne3A_239 = arith.constant 0 : i32
    %ne3A_240 = arith.cmpi ne, %rem3A_238, %ne3A_239 : i32
    %and3A_241 = arith.andi %ne3A_237, %ne3A_240 : i1
    %sub3A_242 = arith.constant 1 : i32
    %sub3A_243 = arith.subi %div3A_222, %sub3A_242 : i32
    %select_n3A_244 = arith.select %and3A_241, %sub3A_243, %div3A_222 : i32
    %mul3A_245 = arith.constant 128 : i32
    %mul3A_246 = arith.muli %select_n3A_244, %mul3A_245 : i32
    %multiple_of3A_247 = tpu.assume_multiple %mul3A_246, 128 : i32
    %dma_start3A_248 = arith.constant 5 : i32
    %dma_start3A_249 = arith.constant 5 : i32
    %dma_start3A_250 = arith.constant 0 : i32
    %dma_start3A_251 = arith.constant 0 : i32
    %dma_start3A_252 = tpu.memref_slice %arg6[%dma_start3A_248, %dma_start3A_250, %dma_start3A_251] : memref<8x32x128xf32, #tpu.memory_space<vmem>> -> memref<1x32x128xf32, #tpu.memory_space<vmem>>
    %dma_start3A_253 = tpu.memref_squeeze %dma_start3A_252 : memref<1x32x128xf32, #tpu.memory_space<vmem>> -> memref<32x128xf32, #tpu.memory_space<vmem>>
    %dma_start3A_254 = arith.constant 0 : i32
    %dma_start3A_255 = tpu.memref_slice %arg2[%dma_start3A_254, %multiple_of3A_247] : memref<32x1000000xf32, #tpu.memory_space<hbm>> -> memref<32x128xf32, #tpu.memory_space<hbm>>
    %dma_start3A_256 = tpu.memref_slice %arg8[%dma_start3A_249] : memref<8x!tpu.dma_semaphore, #tpu.memory_space<semaphore_mem>> -> memref<1x!tpu.dma_semaphore, #tpu.memory_space<semaphore_mem>>
    %dma_start3A_257 = tpu.memref_squeeze %dma_start3A_256 : memref<1x!tpu.dma_semaphore, #tpu.memory_space<semaphore_mem>> -> memref<!tpu.dma_semaphore, #tpu.memory_space<semaphore_mem>>
    %dma_start3A_258 = arith.constant 0 : i32
    %dma_start3A_259 = arith.constant 0 : i32
    %dma_start3A_260 = tpu.memref_slice %arg6[%dma_start3A_248, %dma_start3A_258, %dma_start3A_259] : memref<8x32x128xf32, #tpu.memory_space<vmem>> -> memref<1x32x128xf32, #tpu.memory_space<vmem>>
    %dma_start3A_261 = tpu.memref_squeeze %dma_start3A_260 : memref<1x32x128xf32, #tpu.memory_space<vmem>> -> memref<32x128xf32, #tpu.memory_space<vmem>>
    %dma_start3A_262 = arith.constant 0 : i32
    %dma_start3A_263 = tpu.memref_slice %arg2[%dma_start3A_262, %multiple_of3A_247] : memref<32x1000000xf32, #tpu.memory_space<hbm>> -> memref<32x128xf32, #tpu.memory_space<hbm>>
    tpu.enqueue_dma source(%dma_start3A_263 : memref<32x128xf32, #tpu.memory_space<hbm>>) target(%dma_start3A_261 : memref<32x128xf32, #tpu.memory_space<vmem>>) target_semaphore(%dma_start3A_257 : memref<!tpu.dma_semaphore, #tpu.memory_space<semaphore_mem>>)
    %slice3A_264 = vector.extract_strided_slice %get3A_5 {offsets = [6], sizes = [1], strides = [1]} : vector<16xi32> to vector<1xi32>
    %squeeze3A_265 = vector.extract %slice3A_264[0] : i32 from vector<1xi32>
    %jit3A_266 = arith.constant 128 : i32
    %div3A_267 = arith.divsi %squeeze3A_265, %jit3A_266 : i32
    %sign3A_268 = arith.constant 0 : i32
    %sign3A_269 = arith.cmpi sgt, %squeeze3A_265, %sign3A_268 : i32
    %sign3A_270 = arith.extui %sign3A_269 : i1 to i32
    %sign3A_271 = arith.constant 0 : i32
    %sign3A_272 = arith.cmpi slt, %squeeze3A_265, %sign3A_271 : i32
    %sign3A_273 = arith.extui %sign3A_272 : i1 to i32
    %sign3A_274 = arith.subi %sign3A_270, %sign3A_273 : i32
    %sign3A_275 = arith.constant 0 : i32
    %sign3A_276 = arith.cmpi sgt, %jit3A_266, %sign3A_275 : i32
    %sign3A_277 = arith.extui %sign3A_276 : i1 to i32
    %sign3A_278 = arith.constant 0 : i32
    %sign3A_279 = arith.cmpi slt, %jit3A_266, %sign3A_278 : i32
    %sign3A_280 = arith.extui %sign3A_279 : i1 to i32
    %sign3A_281 = arith.subi %sign3A_277, %sign3A_280 : i32
    %ne3A_282 = arith.cmpi ne, %sign3A_274, %sign3A_281 : i32
    %rem3A_283 = arith.remsi %squeeze3A_265, %jit3A_266 : i32
    %ne3A_284 = arith.constant 0 : i32
    %ne3A_285 = arith.cmpi ne, %rem3A_283, %ne3A_284 : i32
    %and3A_286 = arith.andi %ne3A_282, %ne3A_285 : i1
    %sub3A_287 = arith.constant 1 : i32
    %sub3A_288 = arith.subi %div3A_267, %sub3A_287 : i32
    %select_n3A_289 = arith.select %and3A_286, %sub3A_288, %div3A_267 : i32
    %mul3A_290 = arith.constant 128 : i32
    %mul3A_291 = arith.muli %select_n3A_289, %mul3A_290 : i32
    %multiple_of3A_292 = tpu.assume_multiple %mul3A_291, 128 : i32
    %dma_start3A_293 = arith.constant 6 : i32
    %dma_start3A_294 = arith.constant 6 : i32
    %dma_start3A_295 = arith.constant 0 : i32
    %dma_start3A_296 = arith.constant 0 : i32
    %dma_start3A_297 = tpu.memref_slice %arg6[%dma_start3A_293, %dma_start3A_295, %dma_start3A_296] : memref<8x32x128xf32, #tpu.memory_space<vmem>> -> memref<1x32x128xf32, #tpu.memory_space<vmem>>
    %dma_start3A_298 = tpu.memref_squeeze %dma_start3A_297 : memref<1x32x128xf32, #tpu.memory_space<vmem>> -> memref<32x128xf32, #tpu.memory_space<vmem>>
    %dma_start3A_299 = arith.constant 0 : i32
    %dma_start3A_300 = tpu.memref_slice %arg2[%dma_start3A_299, %multiple_of3A_292] : memref<32x1000000xf32, #tpu.memory_space<hbm>> -> memref<32x128xf32, #tpu.memory_space<hbm>>
    %dma_start3A_301 = tpu.memref_slice %arg8[%dma_start3A_294] : memref<8x!tpu.dma_semaphore, #tpu.memory_space<semaphore_mem>> -> memref<1x!tpu.dma_semaphore, #tpu.memory_space<semaphore_mem>>
    %dma_start3A_302 = tpu.memref_squeeze %dma_start3A_301 : memref<1x!tpu.dma_semaphore, #tpu.memory_space<semaphore_mem>> -> memref<!tpu.dma_semaphore, #tpu.memory_space<semaphore_mem>>
    %dma_start3A_303 = arith.constant 0 : i32
    %dma_start3A_304 = arith.constant 0 : i32
    %dma_start3A_305 = tpu.memref_slice %arg6[%dma_start3A_293, %dma_start3A_303, %dma_start3A_304] : memref<8x32x128xf32, #tpu.memory_space<vmem>> -> memref<1x32x128xf32, #tpu.memory_space<vmem>>
    %dma_start3A_306 = tpu.memref_squeeze %dma_start3A_305 : memref<1x32x128xf32, #tpu.memory_space<vmem>> -> memref<32x128xf32, #tpu.memory_space<vmem>>
    %dma_start3A_307 = arith.constant 0 : i32
    %dma_start3A_308 = tpu.memref_slice %arg2[%dma_start3A_307, %multiple_of3A_292] : memref<32x1000000xf32, #tpu.memory_space<hbm>> -> memref<32x128xf32, #tpu.memory_space<hbm>>
    tpu.enqueue_dma source(%dma_start3A_308 : memref<32x128xf32, #tpu.memory_space<hbm>>) target(%dma_start3A_306 : memref<32x128xf32, #tpu.memory_space<vmem>>) target_semaphore(%dma_start3A_302 : memref<!tpu.dma_semaphore, #tpu.memory_space<semaphore_mem>>)
    %slice3A_309 = vector.extract_strided_slice %get3A_5 {offsets = [7], sizes = [1], strides = [1]} : vector<16xi32> to vector<1xi32>
    %squeeze3A_310 = vector.extract %slice3A_309[0] : i32 from vector<1xi32>
    %jit3A_311 = arith.constant 128 : i32
    %div3A_312 = arith.divsi %squeeze3A_310, %jit3A_311 : i32
    %sign3A_313 = arith.constant 0 : i32
    %sign3A_314 = arith.cmpi sgt, %squeeze3A_310, %sign3A_313 : i32
    %sign3A_315 = arith.extui %sign3A_314 : i1 to i32
    %sign3A_316 = arith.constant 0 : i32
    %sign3A_317 = arith.cmpi slt, %squeeze3A_310, %sign3A_316 : i32
    %sign3A_318 = arith.extui %sign3A_317 : i1 to i32
    %sign3A_319 = arith.subi %sign3A_315, %sign3A_318 : i32
    %sign3A_320 = arith.constant 0 : i32
    %sign3A_321 = arith.cmpi sgt, %jit3A_311, %sign3A_320 : i32
    %sign3A_322 = arith.extui %sign3A_321 : i1 to i32
    %sign3A_323 = arith.constant 0 : i32
    %sign3A_324 = arith.cmpi slt, %jit3A_311, %sign3A_323 : i32
    %sign3A_325 = arith.extui %sign3A_324 : i1 to i32
    %sign3A_326 = arith.subi %sign3A_322, %sign3A_325 : i32
    %ne3A_327 = arith.cmpi ne, %sign3A_319, %sign3A_326 : i32
    %rem3A_328 = arith.remsi %squeeze3A_310, %jit3A_311 : i32
    %ne3A_329 = arith.constant 0 : i32
    %ne3A_330 = arith.cmpi ne, %rem3A_328, %ne3A_329 : i32
    %and3A_331 = arith.andi %ne3A_327, %ne3A_330 : i1
    %sub3A_332 = arith.constant 1 : i32
    %sub3A_333 = arith.subi %div3A_312, %sub3A_332 : i32
    %select_n3A_334 = arith.select %and3A_331, %sub3A_333, %div3A_312 : i32
    %mul3A_335 = arith.constant 128 : i32
    %mul3A_336 = arith.muli %select_n3A_334, %mul3A_335 : i32
    %multiple_of3A_337 = tpu.assume_multiple %mul3A_336, 128 : i32
    %dma_start3A_338 = arith.constant 7 : i32
    %dma_start3A_339 = arith.constant 7 : i32
    %dma_start3A_340 = arith.constant 0 : i32
    %dma_start3A_341 = arith.constant 0 : i32
    %dma_start3A_342 = tpu.memref_slice %arg6[%dma_start3A_338, %dma_start3A_340, %dma_start3A_341] : memref<8x32x128xf32, #tpu.memory_space<vmem>> -> memref<1x32x128xf32, #tpu.memory_space<vmem>>
    %dma_start3A_343 = tpu.memref_squeeze %dma_start3A_342 : memref<1x32x128xf32, #tpu.memory_space<vmem>> -> memref<32x128xf32, #tpu.memory_space<vmem>>
    %dma_start3A_344 = arith.constant 0 : i32
    %dma_start3A_345 = tpu.memref_slice %arg2[%dma_start3A_344, %multiple_of3A_337] : memref<32x1000000xf32, #tpu.memory_space<hbm>> -> memref<32x128xf32, #tpu.memory_space<hbm>>
    %dma_start3A_346 = tpu.memref_slice %arg8[%dma_start3A_339] : memref<8x!tpu.dma_semaphore, #tpu.memory_space<semaphore_mem>> -> memref<1x!tpu.dma_semaphore, #tpu.memory_space<semaphore_mem>>
    %dma_start3A_347 = tpu.memref_squeeze %dma_start3A_346 : memref<1x!tpu.dma_semaphore, #tpu.memory_space<semaphore_mem>> -> memref<!tpu.dma_semaphore, #tpu.memory_space<semaphore_mem>>
    %dma_start3A_348 = arith.constant 0 : i32
    %dma_start3A_349 = arith.constant 0 : i32
    %dma_start3A_350 = tpu.memref_slice %arg6[%dma_start3A_338, %dma_start3A_348, %dma_start3A_349] : memref<8x32x128xf32, #tpu.memory_space<vmem>> -> memref<1x32x128xf32, #tpu.memory_space<vmem>>
    %dma_start3A_351 = tpu.memref_squeeze %dma_start3A_350 : memref<1x32x128xf32, #tpu.memory_space<vmem>> -> memref<32x128xf32, #tpu.memory_space<vmem>>
    %dma_start3A_352 = arith.constant 0 : i32
    %dma_start3A_353 = tpu.memref_slice %arg2[%dma_start3A_352, %multiple_of3A_337] : memref<32x1000000xf32, #tpu.memory_space<hbm>> -> memref<32x128xf32, #tpu.memory_space<hbm>>
    tpu.enqueue_dma source(%dma_start3A_353 : memref<32x128xf32, #tpu.memory_space<hbm>>) target(%dma_start3A_351 : memref<32x128xf32, #tpu.memory_space<vmem>>) target_semaphore(%dma_start3A_347 : memref<!tpu.dma_semaphore, #tpu.memory_space<semaphore_mem>>)
    %scan3A = arith.constant 0 : i32
    %scan3A_354 = arith.constant 0 : i32
    %scan3A_355 = arith.constant 32 : i32
    %scan3A_356 = arith.addi %scan3A_354, %scan3A_355 : i32
    %scan3A_357 = arith.constant 1 : i32
    scf.for %scan3A_502 = %scan3A_354 to %scan3A_356 step %scan3A_357  : i32 {
      %mul3A_503 = arith.constant 16 : i32
      %mul3A_504 = arith.muli %scan3A_502, %mul3A_503 : i32
      %get3A_505 = arith.index_cast %mul3A_504 : i32 to index
      %get3A_506 = tpu.vector_load %arg5[%get3A_505] {strides = array<i32>} : memref<528xi32, #tpu.memory_space<vmem>>, vector<16xi32>,
      %mul3A_507 = arith.constant 16 : i32
      %mul3A_508 = arith.muli %scan3A_502, %mul3A_507 : i32
      %add3A_509 = arith.constant 16 : i32
      %add3A_510 = arith.addi %mul3A_508, %add3A_509 : i32
      %get3A_511 = arith.index_cast %add3A_510 : i32 to index
      %get3A_512 = tpu.vector_load %arg5[%get3A_511] {strides = array<i32>} : memref<528xi32, #tpu.memory_space<vmem>>, vector<16xi32>,
      %mul3A_513 = arith.constant 16 : i32
      %mul3A_514 = arith.muli %scan3A_502, %mul3A_513 : i32
      %add3A_515 = arith.constant 0 : i32
      %add3A_516 = arith.addi %mul3A_514, %add3A_515 : i32
      %dma_wait3A_517 = arith.constant 0 : i32
      %dma_wait3A_518 = arith.constant 0 : i32
      %dma_wait3A_519 = arith.constant 0 : i32
      %dma_wait3A_520 = arith.constant 0 : i32
      %dma_wait3A_521 = tpu.memref_slice %arg6[%dma_wait3A_517, %dma_wait3A_519, %dma_wait3A_520] : memref<8x32x128xf32, #tpu.memory_space<vmem>> -> memref<1x32x128xf32, #tpu.memory_space<vmem>>
      %dma_wait3A_522 = tpu.memref_squeeze %dma_wait3A_521 : memref<1x32x128xf32, #tpu.memory_space<vmem>> -> memref<32x128xf32, #tpu.memory_space<vmem>>
      %dma_wait3A_523 = arith.constant 0 : i32
      %dma_wait3A_524 = arith.constant 0 : i32
      %dma_wait3A_525 = tpu.memref_slice %arg2[%dma_wait3A_523, %dma_wait3A_524] : memref<32x1000000xf32, #tpu.memory_space<hbm>> -> memref<32x128xf32, #tpu.memory_space<hbm>>
      %dma_wait3A_526 = tpu.memref_slice %arg8[%dma_wait3A_518] : memref<8x!tpu.dma_semaphore, #tpu.memory_space<semaphore_mem>> -> memref<1x!tpu.dma_semaphore, #tpu.memory_space<semaphore_mem>>
      %dma_wait3A_527 = tpu.memref_squeeze %dma_wait3A_526 : memref<1x!tpu.dma_semaphore, #tpu.memory_space<semaphore_mem>> -> memref<!tpu.dma_semaphore, #tpu.memory_space<semaphore_mem>>
      %dma_wait3A_528 = arith.constant 0 : i32
      %dma_wait3A_529 = arith.constant 0 : i32
      %dma_wait3A_530 = tpu.memref_slice %arg6[%dma_wait3A_517, %dma_wait3A_528, %dma_wait3A_529] : memref<8x32x128xf32, #tpu.memory_space<vmem>> -> memref<1x32x128xf32, #tpu.memory_space<vmem>>
      %dma_wait3A_531 = tpu.memref_squeeze %dma_wait3A_530 : memref<1x32x128xf32, #tpu.memory_space<vmem>> -> memref<32x128xf32, #tpu.memory_space<vmem>>
      %dma_wait3A_532 = arith.constant 0 : i32
      %dma_wait3A_533 = arith.constant 0 : i32
      %dma_wait3A_534 = tpu.memref_slice %arg2[%dma_wait3A_532, %dma_wait3A_533] : memref<32x1000000xf32, #tpu.memory_space<hbm>> -> memref<32x128xf32, #tpu.memory_space<hbm>>
      tpu.wait_dma2 semaphore(%dma_wait3A_527 : memref<!tpu.dma_semaphore, #tpu.memory_space<semaphore_mem>>) src(%dma_wait3A_534 : memref<32x128xf32, #tpu.memory_space<hbm>>) dst(%dma_wait3A_531 : memref<32x128xf32, #tpu.memory_space<vmem>>)
      %slice3A_535 = vector.extract_strided_slice %get3A_506 {offsets = [0], sizes = [1], strides = [1]} : vector<16xi32> to vector<1xi32>
      %squeeze3A_536 = vector.extract %slice3A_535[0] : i32 from vector<1xi32>
      %rem3A_537 = arith.constant 128 : i32
      %rem3A_538 = arith.remsi %squeeze3A_536, %rem3A_537 : i32
      %broadcast_in_dim3A_539 = vector.broadcast %rem3A_538 : i32 to vector<16xi32>
      %broadcast_in_dim3A_540 = arith.constant 0 : i32
      %broadcast_in_dim3A_541 = vector.broadcast %broadcast_in_dim3A_540 : i32 to vector<16xi32>
      %broadcast_in_dim3A_542 = vector.broadcast %add3A_516 : i32 to vector<16xi32>
      %gather3A = tpu.vector_load_idx %arg6[%broadcast_in_dim3A_541, %iota3A, %broadcast_in_dim3A_539] : memref<8x32x128xf32, #tpu.memory_space<vmem>>[vector<16xi32>, vector<16xi32>, vector<16xi32>], vector<16xf32>,
      %add3A_543 = arith.constant 16 : i32
      %add3A_544 = vector.broadcast %add3A_543 : i32 to vector<16xi32>
      %add3A_545 = arith.addi %iota3A, %add3A_544 : vector<16xi32>
      %gather3A_546 = tpu.vector_load_idx %arg6[%broadcast_in_dim3A_541, %add3A_545, %broadcast_in_dim3A_539] : memref<8x32x128xf32, #tpu.memory_space<vmem>>[vector<16xi32>, vector<16xi32>, vector<16xi32>], vector<16xf32>,
      tpu.vector_store_idx %arg7[%iota3A, %broadcast_in_dim3A_542], %gather3A : memref<32x512xf32, #tpu.memory_space<vmem>>[vector<16xi32>, vector<16xi32>], vector<16xf32>,
      %add3A_547 = arith.constant 16 : i32
      %add3A_548 = vector.broadcast %add3A_547 : i32 to vector<16xi32>
      %add3A_549 = arith.addi %iota3A, %add3A_548 : vector<16xi32>
      tpu.vector_store_idx %arg7[%add3A_549, %broadcast_in_dim3A_542], %gather3A_546 : memref<32x512xf32, #tpu.memory_space<vmem>>[vector<16xi32>, vector<16xi32>], vector<16xf32>,
      %slice3A_550 = vector.extract_strided_slice %get3A_506 {offsets = [8], sizes = [1], strides = [1]} : vector<16xi32> to vector<1xi32>
      %squeeze3A_551 = vector.extract %slice3A_550[0] : i32 from vector<1xi32>
      %jit3A_552 = arith.constant 128 : i32
      %div3A_553 = arith.divsi %squeeze3A_551, %jit3A_552 : i32
      %sign3A_554 = arith.constant 0 : i32
      %sign3A_555 = arith.cmpi sgt, %squeeze3A_551, %sign3A_554 : i32
      %sign3A_556 = arith.extui %sign3A_555 : i1 to i32
      %sign3A_557 = arith.constant 0 : i32
      %sign3A_558 = arith.cmpi slt, %squeeze3A_551, %sign3A_557 : i32
      %sign3A_559 = arith.extui %sign3A_558 : i1 to i32
      %sign3A_560 = arith.subi %sign3A_556, %sign3A_559 : i32
      %sign3A_561 = arith.constant 0 : i32
      %sign3A_562 = arith.cmpi sgt, %jit3A_552, %sign3A_561 : i32
      %sign3A_563 = arith.extui %sign3A_562 : i1 to i32
      %sign3A_564 = arith.constant 0 : i32
      %sign3A_565 = arith.cmpi slt, %jit3A_552, %sign3A_564 : i32
      %sign3A_566 = arith.extui %sign3A_565 : i1 to i32
      %sign3A_567 = arith.subi %sign3A_563, %sign3A_566 : i32
      %ne3A_568 = arith.cmpi ne, %sign3A_560, %sign3A_567 : i32
      %rem3A_569 = arith.remsi %squeeze3A_551, %jit3A_552 : i32
      %ne3A_570 = arith.constant 0 : i32
      %ne3A_571 = arith.cmpi ne, %rem3A_569, %ne3A_570 : i32
      %and3A_572 = arith.andi %ne3A_568, %ne3A_571 : i1
      %sub3A_573 = arith.constant 1 : i32
      %sub3A_574 = arith.subi %div3A_553, %sub3A_573 : i32
      %select_n3A_575 = arith.select %and3A_572, %sub3A_574, %div3A_553 : i32
      %mul3A_576 = arith.constant 128 : i32
      %mul3A_577 = arith.muli %select_n3A_575, %mul3A_576 : i32
      %multiple_of3A_578 = tpu.assume_multiple %mul3A_577, 128 : i32
      %dma_start3A_579 = arith.constant 0 : i32
      %dma_start3A_580 = arith.constant 0 : i32
      %dma_start3A_581 = arith.constant 0 : i32
      %dma_start3A_582 = arith.constant 0 : i32
      %dma_start3A_583 = tpu.memref_slice %arg6[%dma_start3A_579, %dma_start3A_581, %dma_start3A_582] : memref<8x32x128xf32, #tpu.memory_space<vmem>> -> memref<1x32x128xf32, #tpu.memory_space<vmem>>
      %dma_start3A_584 = tpu.memref_squeeze %dma_start3A_583 : memref<1x32x128xf32, #tpu.memory_space<vmem>> -> memref<32x128xf32, #tpu.memory_space<vmem>>
      %dma_start3A_585 = arith.constant 0 : i32
      %dma_start3A_586 = tpu.memref_slice %arg2[%dma_start3A_585, %multiple_of3A_578] : memref<32x1000000xf32, #tpu.memory_space<hbm>> -> memref<32x128xf32, #tpu.memory_space<hbm>>
      %dma_start3A_587 = tpu.memref_slice %arg8[%dma_start3A_580] : memref<8x!tpu.dma_semaphore, #tpu.memory_space<semaphore_mem>> -> memref<1x!tpu.dma_semaphore, #tpu.memory_space<semaphore_mem>>
      %dma_start3A_588 = tpu.memref_squeeze %dma_start3A_587 : memref<1x!tpu.dma_semaphore, #tpu.memory_space<semaphore_mem>> -> memref<!tpu.dma_semaphore, #tpu.memory_space<semaphore_mem>>
      %dma_start3A_589 = arith.constant 0 : i32
      %dma_start3A_590 = arith.constant 0 : i32
      %dma_start3A_591 = tpu.memref_slice %arg6[%dma_start3A_579, %dma_start3A_589, %dma_start3A_590] : memref<8x32x128xf32, #tpu.memory_space<vmem>> -> memref<1x32x128xf32, #tpu.memory_space<vmem>>
      %dma_start3A_592 = tpu.memref_squeeze %dma_start3A_591 : memref<1x32x128xf32, #tpu.memory_space<vmem>> -> memref<32x128xf32, #tpu.memory_space<vmem>>
      %dma_start3A_593 = arith.constant 0 : i32
      %dma_start3A_594 = tpu.memref_slice %arg2[%dma_start3A_593, %multiple_of3A_578] : memref<32x1000000xf32, #tpu.memory_space<hbm>> -> memref<32x128xf32, #tpu.memory_space<hbm>>
      tpu.enqueue_dma source(%dma_start3A_594 : memref<32x128xf32, #tpu.memory_space<hbm>>) target(%dma_start3A_592 : memref<32x128xf32, #tpu.memory_space<vmem>>) target_semaphore(%dma_start3A_588 : memref<!tpu.dma_semaphore, #tpu.memory_space<semaphore_mem>>)
      %mul3A_595 = arith.constant 16 : i32
      %mul3A_596 = arith.muli %scan3A_502, %mul3A_595 : i32
      %add3A_597 = arith.constant 1 : i32
      %add3A_598 = arith.addi %mul3A_596, %add3A_597 : i32
      %dma_wait3A_599 = arith.constant 1 : i32
      %dma_wait3A_600 = arith.constant 1 : i32
      %dma_wait3A_601 = arith.constant 0 : i32
      %dma_wait3A_602 = arith.constant 0 : i32
      %dma_wait3A_603 = tpu.memref_slice %arg6[%dma_wait3A_599, %dma_wait3A_601, %dma_wait3A_602] : memref<8x32x128xf32, #tpu.memory_space<vmem>> -> memref<1x32x128xf32, #tpu.memory_space<vmem>>
      %dma_wait3A_604 = tpu.memref_squeeze %dma_wait3A_603 : memref<1x32x128xf32, #tpu.memory_space<vmem>> -> memref<32x128xf32, #tpu.memory_space<vmem>>
      %dma_wait3A_605 = arith.constant 0 : i32
      %dma_wait3A_606 = arith.constant 0 : i32
      %dma_wait3A_607 = tpu.memref_slice %arg2[%dma_wait3A_605, %dma_wait3A_606] : memref<32x1000000xf32, #tpu.memory_space<hbm>> -> memref<32x128xf32, #tpu.memory_space<hbm>>
      %dma_wait3A_608 = tpu.memref_slice %arg8[%dma_wait3A_600] : memref<8x!tpu.dma_semaphore, #tpu.memory_space<semaphore_mem>> -> memref<1x!tpu.dma_semaphore, #tpu.memory_space<semaphore_mem>>
      %dma_wait3A_609 = tpu.memref_squeeze %dma_wait3A_608 : memref<1x!tpu.dma_semaphore, #tpu.memory_space<semaphore_mem>> -> memref<!tpu.dma_semaphore, #tpu.memory_space<semaphore_mem>>
      %dma_wait3A_610 = arith.constant 0 : i32
      %dma_wait3A_611 = arith.constant 0 : i32
      %dma_wait3A_612 = tpu.memref_slice %arg6[%dma_wait3A_599, %dma_wait3A_610, %dma_wait3A_611] : memref<8x32x128xf32, #tpu.memory_space<vmem>> -> memref<1x32x128xf32, #tpu.memory_space<vmem>>
      %dma_wait3A_613 = tpu.memref_squeeze %dma_wait3A_612 : memref<1x32x128xf32, #tpu.memory_space<vmem>> -> memref<32x128xf32, #tpu.memory_space<vmem>>
      %dma_wait3A_614 = arith.constant 0 : i32
      %dma_wait3A_615 = arith.constant 0 : i32
      %dma_wait3A_616 = tpu.memref_slice %arg2[%dma_wait3A_614, %dma_wait3A_615] : memref<32x1000000xf32, #tpu.memory_space<hbm>> -> memref<32x128xf32, #tpu.memory_space<hbm>>
      tpu.wait_dma2 semaphore(%dma_wait3A_609 : memref<!tpu.dma_semaphore, #tpu.memory_space<semaphore_mem>>) src(%dma_wait3A_616 : memref<32x128xf32, #tpu.memory_space<hbm>>) dst(%dma_wait3A_613 : memref<32x128xf32, #tpu.memory_space<vmem>>)
      %slice3A_617 = vector.extract_strided_slice %get3A_506 {offsets = [1], sizes = [1], strides = [1]} : vector<16xi32> to vector<1xi32>
      %squeeze3A_618 = vector.extract %slice3A_617[0] : i32 from vector<1xi32>
      %rem3A_619 = arith.constant 128 : i32
      %rem3A_620 = arith.remsi %squeeze3A_618, %rem3A_619 : i32
      %broadcast_in_dim3A_621 = vector.broadcast %rem3A_620 : i32 to vector<16xi32>
      %broadcast_in_dim3A_622 = arith.constant 1 : i32
      %broadcast_in_dim3A_623 = vector.broadcast %broadcast_in_dim3A_622 : i32 to vector<16xi32>
      %broadcast_in_dim3A_624 = vector.broadcast %add3A_598 : i32 to vector<16xi32>
      %gather3A_625 = tpu.vector_load_idx %arg6[%broadcast_in_dim3A_623, %iota3A, %broadcast_in_dim3A_621] : memref<8x32x128xf32, #tpu.memory_space<vmem>>[vector<16xi32>, vector<16xi32>, vector<16xi32>], vector<16xf32>,
      %add3A_626 = arith.constant 16 : i32
      %add3A_627 = vector.broadcast %add3A_626 : i32 to vector<16xi32>
      %add3A_628 = arith.addi %iota3A, %add3A_627 : vector<16xi32>
      %gather3A_629 = tpu.vector_load_idx %arg6[%broadcast_in_dim3A_623, %add3A_628, %broadcast_in_dim3A_621] : memref<8x32x128xf32, #tpu.memory_space<vmem>>[vector<16xi32>, vector<16xi32>, vector<16xi32>], vector<16xf32>,
      tpu.vector_store_idx %arg7[%iota3A, %broadcast_in_dim3A_624], %gather3A_625 : memref<32x512xf32, #tpu.memory_space<vmem>>[vector<16xi32>, vector<16xi32>], vector<16xf32>,
      %add3A_630 = arith.constant 16 : i32
      %add3A_631 = vector.broadcast %add3A_630 : i32 to vector<16xi32>
      %add3A_632 = arith.addi %iota3A, %add3A_631 : vector<16xi32>
      tpu.vector_store_idx %arg7[%add3A_632, %broadcast_in_dim3A_624], %gather3A_629 : memref<32x512xf32, #tpu.memory_space<vmem>>[vector<16xi32>, vector<16xi32>], vector<16xf32>,
      %slice3A_633 = vector.extract_strided_slice %get3A_506 {offsets = [9], sizes = [1], strides = [1]} : vector<16xi32> to vector<1xi32>
      %squeeze3A_634 = vector.extract %slice3A_633[0] : i32 from vector<1xi32>
      %jit3A_635 = arith.constant 128 : i32
      %div3A_636 = arith.divsi %squeeze3A_634, %jit3A_635 : i32
      %sign3A_637 = arith.constant 0 : i32
      %sign3A_638 = arith.cmpi sgt, %squeeze3A_634, %sign3A_637 : i32
      %sign3A_639 = arith.extui %sign3A_638 : i1 to i32
      %sign3A_640 = arith.constant 0 : i32
      %sign3A_641 = arith.cmpi slt, %squeeze3A_634, %sign3A_640 : i32
      %sign3A_642 = arith.extui %sign3A_641 : i1 to i32
      %sign3A_643 = arith.subi %sign3A_639, %sign3A_642 : i32
      %sign3A_644 = arith.constant 0 : i32
      %sign3A_645 = arith.cmpi sgt, %jit3A_635, %sign3A_644 : i32
      %sign3A_646 = arith.extui %sign3A_645 : i1 to i32
      %sign3A_647 = arith.constant 0 : i32
      %sign3A_648 = arith.cmpi slt, %jit3A_635, %sign3A_647 : i32
      %sign3A_649 = arith.extui %sign3A_648 : i1 to i32
      %sign3A_650 = arith.subi %sign3A_646, %sign3A_649 : i32
      %ne3A_651 = arith.cmpi ne, %sign3A_643, %sign3A_650 : i32
      %rem3A_652 = arith.remsi %squeeze3A_634, %jit3A_635 : i32
      %ne3A_653 = arith.constant 0 : i32
      %ne3A_654 = arith.cmpi ne, %rem3A_652, %ne3A_653 : i32
      %and3A_655 = arith.andi %ne3A_651, %ne3A_654 : i1
      %sub3A_656 = arith.constant 1 : i32
      %sub3A_657 = arith.subi %div3A_636, %sub3A_656 : i32
      %select_n3A_658 = arith.select %and3A_655, %sub3A_657, %div3A_636 : i32
      %mul3A_659 = arith.constant 128 : i32
      %mul3A_660 = arith.muli %select_n3A_658, %mul3A_659 : i32
      %multiple_of3A_661 = tpu.assume_multiple %mul3A_660, 128 : i32
      %dma_start3A_662 = arith.constant 1 : i32
      %dma_start3A_663 = arith.constant 1 : i32
      %dma_start3A_664 = arith.constant 0 : i32
      %dma_start3A_665 = arith.constant 0 : i32
      %dma_start3A_666 = tpu.memref_slice %arg6[%dma_start3A_662, %dma_start3A_664, %dma_start3A_665] : memref<8x32x128xf32, #tpu.memory_space<vmem>> -> memref<1x32x128xf32, #tpu.memory_space<vmem>>
      %dma_start3A_667 = tpu.memref_squeeze %dma_start3A_666 : memref<1x32x128xf32, #tpu.memory_space<vmem>> -> memref<32x128xf32, #tpu.memory_space<vmem>>
      %dma_start3A_668 = arith.constant 0 : i32
      %dma_start3A_669 = tpu.memref_slice %arg2[%dma_start3A_668, %multiple_of3A_661] : memref<32x1000000xf32, #tpu.memory_space<hbm>> -> memref<32x128xf32, #tpu.memory_space<hbm>>
      %dma_start3A_670 = tpu.memref_slice %arg8[%dma_start3A_663] : memref<8x!tpu.dma_semaphore, #tpu.memory_space<semaphore_mem>> -> memref<1x!tpu.dma_semaphore, #tpu.memory_space<semaphore_mem>>
      %dma_start3A_671 = tpu.memref_squeeze %dma_start3A_670 : memref<1x!tpu.dma_semaphore, #tpu.memory_space<semaphore_mem>> -> memref<!tpu.dma_semaphore, #tpu.memory_space<semaphore_mem>>
      %dma_start3A_672 = arith.constant 0 : i32
      %dma_start3A_673 = arith.constant 0 : i32
      %dma_start3A_674 = tpu.memref_slice %arg6[%dma_start3A_662, %dma_start3A_672, %dma_start3A_673] : memref<8x32x128xf32, #tpu.memory_space<vmem>> -> memref<1x32x128xf32, #tpu.memory_space<vmem>>
      %dma_start3A_675 = tpu.memref_squeeze %dma_start3A_674 : memref<1x32x128xf32, #tpu.memory_space<vmem>> -> memref<32x128xf32, #tpu.memory_space<vmem>>
      %dma_start3A_676 = arith.constant 0 : i32
      %dma_start3A_677 = tpu.memref_slice %arg2[%dma_start3A_676, %multiple_of3A_661] : memref<32x1000000xf32, #tpu.memory_space<hbm>> -> memref<32x128xf32, #tpu.memory_space<hbm>>
      tpu.enqueue_dma source(%dma_start3A_677 : memref<32x128xf32, #tpu.memory_space<hbm>>) target(%dma_start3A_675 : memref<32x128xf32, #tpu.memory_space<vmem>>) target_semaphore(%dma_start3A_671 : memref<!tpu.dma_semaphore, #tpu.memory_space<semaphore_mem>>)
      %mul3A_678 = arith.constant 16 : i32
      %mul3A_679 = arith.muli %scan3A_502, %mul3A_678 : i32
      %add3A_680 = arith.constant 2 : i32
      %add3A_681 = arith.addi %mul3A_679, %add3A_680 : i32
      %dma_wait3A_682 = arith.constant 2 : i32
      %dma_wait3A_683 = arith.constant 2 : i32
      %dma_wait3A_684 = arith.constant 0 : i32
      %dma_wait3A_685 = arith.constant 0 : i32
      %dma_wait3A_686 = tpu.memref_slice %arg6[%dma_wait3A_682, %dma_wait3A_684, %dma_wait3A_685] : memref<8x32x128xf32, #tpu.memory_space<vmem>> -> memref<1x32x128xf32, #tpu.memory_space<vmem>>
      %dma_wait3A_687 = tpu.memref_squeeze %dma_wait3A_686 : memref<1x32x128xf32, #tpu.memory_space<vmem>> -> memref<32x128xf32, #tpu.memory_space<vmem>>
      %dma_wait3A_688 = arith.constant 0 : i32
      %dma_wait3A_689 = arith.constant 0 : i32
      %dma_wait3A_690 = tpu.memref_slice %arg2[%dma_wait3A_688, %dma_wait3A_689] : memref<32x1000000xf32, #tpu.memory_space<hbm>> -> memref<32x128xf32, #tpu.memory_space<hbm>>
      %dma_wait3A_691 = tpu.memref_slice %arg8[%dma_wait3A_683] : memref<8x!tpu.dma_semaphore, #tpu.memory_space<semaphore_mem>> -> memref<1x!tpu.dma_semaphore, #tpu.memory_space<semaphore_mem>>
      %dma_wait3A_692 = tpu.memref_squeeze %dma_wait3A_691 : memref<1x!tpu.dma_semaphore, #tpu.memory_space<semaphore_mem>> -> memref<!tpu.dma_semaphore, #tpu.memory_space<semaphore_mem>>
      %dma_wait3A_693 = arith.constant 0 : i32
      %dma_wait3A_694 = arith.constant 0 : i32
      %dma_wait3A_695 = tpu.memref_slice %arg6[%dma_wait3A_682, %dma_wait3A_693, %dma_wait3A_694] : memref<8x32x128xf32, #tpu.memory_space<vmem>> -> memref<1x32x128xf32, #tpu.memory_space<vmem>>
      %dma_wait3A_696 = tpu.memref_squeeze %dma_wait3A_695 : memref<1x32x128xf32, #tpu.memory_space<vmem>> -> memref<32x128xf32, #tpu.memory_space<vmem>>
      %dma_wait3A_697 = arith.constant 0 : i32
      %dma_wait3A_698 = arith.constant 0 : i32
      %dma_wait3A_699 = tpu.memref_slice %arg2[%dma_wait3A_697, %dma_wait3A_698] : memref<32x1000000xf32, #tpu.memory_space<hbm>> -> memref<32x128xf32, #tpu.memory_space<hbm>>
      tpu.wait_dma2 semaphore(%dma_wait3A_692 : memref<!tpu.dma_semaphore, #tpu.memory_space<semaphore_mem>>) src(%dma_wait3A_699 : memref<32x128xf32, #tpu.memory_space<hbm>>) dst(%dma_wait3A_696 : memref<32x128xf32, #tpu.memory_space<vmem>>)
      %slice3A_700 = vector.extract_strided_slice %get3A_506 {offsets = [2], sizes = [1], strides = [1]} : vector<16xi32> to vector<1xi32>
      %squeeze3A_701 = vector.extract %slice3A_700[0] : i32 from vector<1xi32>
      %rem3A_702 = arith.constant 128 : i32
      %rem3A_703 = arith.remsi %squeeze3A_701, %rem3A_702 : i32
      %broadcast_in_dim3A_704 = vector.broadcast %rem3A_703 : i32 to vector<16xi32>
      %broadcast_in_dim3A_705 = arith.constant 2 : i32
      %broadcast_in_dim3A_706 = vector.broadcast %broadcast_in_dim3A_705 : i32 to vector<16xi32>
      %broadcast_in_dim3A_707 = vector.broadcast %add3A_681 : i32 to vector<16xi32>
      %gather3A_708 = tpu.vector_load_idx %arg6[%broadcast_in_dim3A_706, %iota3A, %broadcast_in_dim3A_704] : memref<8x32x128xf32, #tpu.memory_space<vmem>>[vector<16xi32>, vector<16xi32>, vector<16xi32>], vector<16xf32>,
      %add3A_709 = arith.constant 16 : i32
      %add3A_710 = vector.broadcast %add3A_709 : i32 to vector<16xi32>
      %add3A_711 = arith.addi %iota3A, %add3A_710 : vector<16xi32>
      %gather3A_712 = tpu.vector_load_idx %arg6[%broadcast_in_dim3A_706, %add3A_711, %broadcast_in_dim3A_704] : memref<8x32x128xf32, #tpu.memory_space<vmem>>[vector<16xi32>, vector<16xi32>, vector<16xi32>], vector<16xf32>,
      tpu.vector_store_idx %arg7[%iota3A, %broadcast_in_dim3A_707], %gather3A_708 : memref<32x512xf32, #tpu.memory_space<vmem>>[vector<16xi32>, vector<16xi32>], vector<16xf32>,
      %add3A_713 = arith.constant 16 : i32
      %add3A_714 = vector.broadcast %add3A_713 : i32 to vector<16xi32>
      %add3A_715 = arith.addi %iota3A, %add3A_714 : vector<16xi32>
      tpu.vector_store_idx %arg7[%add3A_715, %broadcast_in_dim3A_707], %gather3A_712 : memref<32x512xf32, #tpu.memory_space<vmem>>[vector<16xi32>, vector<16xi32>], vector<16xf32>,
      %slice3A_716 = vector.extract_strided_slice %get3A_506 {offsets = [10], sizes = [1], strides = [1]} : vector<16xi32> to vector<1xi32>
      %squeeze3A_717 = vector.extract %slice3A_716[0] : i32 from vector<1xi32>
      %jit3A_718 = arith.constant 128 : i32
      %div3A_719 = arith.divsi %squeeze3A_717, %jit3A_718 : i32
      %sign3A_720 = arith.constant 0 : i32
      %sign3A_721 = arith.cmpi sgt, %squeeze3A_717, %sign3A_720 : i32
      %sign3A_722 = arith.extui %sign3A_721 : i1 to i32
      %sign3A_723 = arith.constant 0 : i32
      %sign3A_724 = arith.cmpi slt, %squeeze3A_717, %sign3A_723 : i32
      %sign3A_725 = arith.extui %sign3A_724 : i1 to i32
      %sign3A_726 = arith.subi %sign3A_722, %sign3A_725 : i32
      %sign3A_727 = arith.constant 0 : i32
      %sign3A_728 = arith.cmpi sgt, %jit3A_718, %sign3A_727 : i32
      %sign3A_729 = arith.extui %sign3A_728 : i1 to i32
      %sign3A_730 = arith.constant 0 : i32
      %sign3A_731 = arith.cmpi slt, %jit3A_718, %sign3A_730 : i32
      %sign3A_732 = arith.extui %sign3A_731 : i1 to i32
      %sign3A_733 = arith.subi %sign3A_729, %sign3A_732 : i32
      %ne3A_734 = arith.cmpi ne, %sign3A_726, %sign3A_733 : i32
      %rem3A_735 = arith.remsi %squeeze3A_717, %jit3A_718 : i32
      %ne3A_736 = arith.constant 0 : i32
      %ne3A_737 = arith.cmpi ne, %rem3A_735, %ne3A_736 : i32
      %and3A_738 = arith.andi %ne3A_734, %ne3A_737 : i1
      %sub3A_739 = arith.constant 1 : i32
      %sub3A_740 = arith.subi %div3A_719, %sub3A_739 : i32
      %select_n3A_741 = arith.select %and3A_738, %sub3A_740, %div3A_719 : i32
      %mul3A_742 = arith.constant 128 : i32
      %mul3A_743 = arith.muli %select_n3A_741, %mul3A_742 : i32
      %multiple_of3A_744 = tpu.assume_multiple %mul3A_743, 128 : i32
      %dma_start3A_745 = arith.constant 2 : i32
      %dma_start3A_746 = arith.constant 2 : i32
      %dma_start3A_747 = arith.constant 0 : i32
      %dma_start3A_748 = arith.constant 0 : i32
      %dma_start3A_749 = tpu.memref_slice %arg6[%dma_start3A_745, %dma_start3A_747, %dma_start3A_748] : memref<8x32x128xf32, #tpu.memory_space<vmem>> -> memref<1x32x128xf32, #tpu.memory_space<vmem>>
      %dma_start3A_750 = tpu.memref_squeeze %dma_start3A_749 : memref<1x32x128xf32, #tpu.memory_space<vmem>> -> memref<32x128xf32, #tpu.memory_space<vmem>>
      %dma_start3A_751 = arith.constant 0 : i32
      %dma_start3A_752 = tpu.memref_slice %arg2[%dma_start3A_751, %multiple_of3A_744] : memref<32x1000000xf32, #tpu.memory_space<hbm>> -> memref<32x128xf32, #tpu.memory_space<hbm>>
      %dma_start3A_753 = tpu.memref_slice %arg8[%dma_start3A_746] : memref<8x!tpu.dma_semaphore, #tpu.memory_space<semaphore_mem>> -> memref<1x!tpu.dma_semaphore, #tpu.memory_space<semaphore_mem>>
      %dma_start3A_754 = tpu.memref_squeeze %dma_start3A_753 : memref<1x!tpu.dma_semaphore, #tpu.memory_space<semaphore_mem>> -> memref<!tpu.dma_semaphore, #tpu.memory_space<semaphore_mem>>
      %dma_start3A_755 = arith.constant 0 : i32
      %dma_start3A_756 = arith.constant 0 : i32
      %dma_start3A_757 = tpu.memref_slice %arg6[%dma_start3A_745, %dma_start3A_755, %dma_start3A_756] : memref<8x32x128xf32, #tpu.memory_space<vmem>> -> memref<1x32x128xf32, #tpu.memory_space<vmem>>
      %dma_start3A_758 = tpu.memref_squeeze %dma_start3A_757 : memref<1x32x128xf32, #tpu.memory_space<vmem>> -> memref<32x128xf32, #tpu.memory_space<vmem>>
      %dma_start3A_759 = arith.constant 0 : i32
      %dma_start3A_760 = tpu.memref_slice %arg2[%dma_start3A_759, %multiple_of3A_744] : memref<32x1000000xf32, #tpu.memory_space<hbm>> -> memref<32x128xf32, #tpu.memory_space<hbm>>
      tpu.enqueue_dma source(%dma_start3A_760 : memref<32x128xf32, #tpu.memory_space<hbm>>) target(%dma_start3A_758 : memref<32x128xf32, #tpu.memory_space<vmem>>) target_semaphore(%dma_start3A_754 : memref<!tpu.dma_semaphore, #tpu.memory_space<semaphore_mem>>)
      %mul3A_761 = arith.constant 16 : i32
      %mul3A_762 = arith.muli %scan3A_502, %mul3A_761 : i32
      %add3A_763 = arith.constant 3 : i32
      %add3A_764 = arith.addi %mul3A_762, %add3A_763 : i32
      %dma_wait3A_765 = arith.constant 3 : i32
      %dma_wait3A_766 = arith.constant 3 : i32
      %dma_wait3A_767 = arith.constant 0 : i32
      %dma_wait3A_768 = arith.constant 0 : i32
      %dma_wait3A_769 = tpu.memref_slice %arg6[%dma_wait3A_765, %dma_wait3A_767, %dma_wait3A_768] : memref<8x32x128xf32, #tpu.memory_space<vmem>> -> memref<1x32x128xf32, #tpu.memory_space<vmem>>
      %dma_wait3A_770 = tpu.memref_squeeze %dma_wait3A_769 : memref<1x32x128xf32, #tpu.memory_space<vmem>> -> memref<32x128xf32, #tpu.memory_space<vmem>>
      %dma_wait3A_771 = arith.constant 0 : i32
      %dma_wait3A_772 = arith.constant 0 : i32
      %dma_wait3A_773 = tpu.memref_slice %arg2[%dma_wait3A_771, %dma_wait3A_772] : memref<32x1000000xf32, #tpu.memory_space<hbm>> -> memref<32x128xf32, #tpu.memory_space<hbm>>
      %dma_wait3A_774 = tpu.memref_slice %arg8[%dma_wait3A_766] : memref<8x!tpu.dma_semaphore, #tpu.memory_space<semaphore_mem>> -> memref<1x!tpu.dma_semaphore, #tpu.memory_space<semaphore_mem>>
      %dma_wait3A_775 = tpu.memref_squeeze %dma_wait3A_774 : memref<1x!tpu.dma_semaphore, #tpu.memory_space<semaphore_mem>> -> memref<!tpu.dma_semaphore, #tpu.memory_space<semaphore_mem>>
      %dma_wait3A_776 = arith.constant 0 : i32
      %dma_wait3A_777 = arith.constant 0 : i32
      %dma_wait3A_778 = tpu.memref_slice %arg6[%dma_wait3A_765, %dma_wait3A_776, %dma_wait3A_777] : memref<8x32x128xf32, #tpu.memory_space<vmem>> -> memref<1x32x128xf32, #tpu.memory_space<vmem>>
      %dma_wait3A_779 = tpu.memref_squeeze %dma_wait3A_778 : memref<1x32x128xf32, #tpu.memory_space<vmem>> -> memref<32x128xf32, #tpu.memory_space<vmem>>
      %dma_wait3A_780 = arith.constant 0 : i32
      %dma_wait3A_781 = arith.constant 0 : i32
      %dma_wait3A_782 = tpu.memref_slice %arg2[%dma_wait3A_780, %dma_wait3A_781] : memref<32x1000000xf32, #tpu.memory_space<hbm>> -> memref<32x128xf32, #tpu.memory_space<hbm>>
      tpu.wait_dma2 semaphore(%dma_wait3A_775 : memref<!tpu.dma_semaphore, #tpu.memory_space<semaphore_mem>>) src(%dma_wait3A_782 : memref<32x128xf32, #tpu.memory_space<hbm>>) dst(%dma_wait3A_779 : memref<32x128xf32, #tpu.memory_space<vmem>>)
      %slice3A_783 = vector.extract_strided_slice %get3A_506 {offsets = [3], sizes = [1], strides = [1]} : vector<16xi32> to vector<1xi32>
      %squeeze3A_784 = vector.extract %slice3A_783[0] : i32 from vector<1xi32>
      %rem3A_785 = arith.constant 128 : i32
      %rem3A_786 = arith.remsi %squeeze3A_784, %rem3A_785 : i32
      %broadcast_in_dim3A_787 = vector.broadcast %rem3A_786 : i32 to vector<16xi32>
      %broadcast_in_dim3A_788 = arith.constant 3 : i32
      %broadcast_in_dim3A_789 = vector.broadcast %broadcast_in_dim3A_788 : i32 to vector<16xi32>
      %broadcast_in_dim3A_790 = vector.broadcast %add3A_764 : i32 to vector<16xi32>
      %gather3A_791 = tpu.vector_load_idx %arg6[%broadcast_in_dim3A_789, %iota3A, %broadcast_in_dim3A_787] : memref<8x32x128xf32, #tpu.memory_space<vmem>>[vector<16xi32>, vector<16xi32>, vector<16xi32>], vector<16xf32>,
      %add3A_792 = arith.constant 16 : i32
      %add3A_793 = vector.broadcast %add3A_792 : i32 to vector<16xi32>
      %add3A_794 = arith.addi %iota3A, %add3A_793 : vector<16xi32>
      %gather3A_795 = tpu.vector_load_idx %arg6[%broadcast_in_dim3A_789, %add3A_794, %broadcast_in_dim3A_787] : memref<8x32x128xf32, #tpu.memory_space<vmem>>[vector<16xi32>, vector<16xi32>, vector<16xi32>], vector<16xf32>,
      tpu.vector_store_idx %arg7[%iota3A, %broadcast_in_dim3A_790], %gather3A_791 : memref<32x512xf32, #tpu.memory_space<vmem>>[vector<16xi32>, vector<16xi32>], vector<16xf32>,
      %add3A_796 = arith.constant 16 : i32
      %add3A_797 = vector.broadcast %add3A_796 : i32 to vector<16xi32>
      %add3A_798 = arith.addi %iota3A, %add3A_797 : vector<16xi32>
      tpu.vector_store_idx %arg7[%add3A_798, %broadcast_in_dim3A_790], %gather3A_795 : memref<32x512xf32, #tpu.memory_space<vmem>>[vector<16xi32>, vector<16xi32>], vector<16xf32>,
      %slice3A_799 = vector.extract_strided_slice %get3A_506 {offsets = [11], sizes = [1], strides = [1]} : vector<16xi32> to vector<1xi32>
      %squeeze3A_800 = vector.extract %slice3A_799[0] : i32 from vector<1xi32>
      %jit3A_801 = arith.constant 128 : i32
      %div3A_802 = arith.divsi %squeeze3A_800, %jit3A_801 : i32
      %sign3A_803 = arith.constant 0 : i32
      %sign3A_804 = arith.cmpi sgt, %squeeze3A_800, %sign3A_803 : i32
      %sign3A_805 = arith.extui %sign3A_804 : i1 to i32
      %sign3A_806 = arith.constant 0 : i32
      %sign3A_807 = arith.cmpi slt, %squeeze3A_800, %sign3A_806 : i32
      %sign3A_808 = arith.extui %sign3A_807 : i1 to i32
      %sign3A_809 = arith.subi %sign3A_805, %sign3A_808 : i32
      %sign3A_810 = arith.constant 0 : i32
      %sign3A_811 = arith.cmpi sgt, %jit3A_801, %sign3A_810 : i32
      %sign3A_812 = arith.extui %sign3A_811 : i1 to i32
      %sign3A_813 = arith.constant 0 : i32
      %sign3A_814 = arith.cmpi slt, %jit3A_801, %sign3A_813 : i32
      %sign3A_815 = arith.extui %sign3A_814 : i1 to i32
      %sign3A_816 = arith.subi %sign3A_812, %sign3A_815 : i32
      %ne3A_817 = arith.cmpi ne, %sign3A_809, %sign3A_816 : i32
      %rem3A_818 = arith.remsi %squeeze3A_800, %jit3A_801 : i32
      %ne3A_819 = arith.constant 0 : i32
      %ne3A_820 = arith.cmpi ne, %rem3A_818, %ne3A_819 : i32
      %and3A_821 = arith.andi %ne3A_817, %ne3A_820 : i1
      %sub3A_822 = arith.constant 1 : i32
      %sub3A_823 = arith.subi %div3A_802, %sub3A_822 : i32
      %select_n3A_824 = arith.select %and3A_821, %sub3A_823, %div3A_802 : i32
      %mul3A_825 = arith.constant 128 : i32
      %mul3A_826 = arith.muli %select_n3A_824, %mul3A_825 : i32
      %multiple_of3A_827 = tpu.assume_multiple %mul3A_826, 128 : i32
      %dma_start3A_828 = arith.constant 3 : i32
      %dma_start3A_829 = arith.constant 3 : i32
      %dma_start3A_830 = arith.constant 0 : i32
      %dma_start3A_831 = arith.constant 0 : i32
      %dma_start3A_832 = tpu.memref_slice %arg6[%dma_start3A_828, %dma_start3A_830, %dma_start3A_831] : memref<8x32x128xf32, #tpu.memory_space<vmem>> -> memref<1x32x128xf32, #tpu.memory_space<vmem>>
      %dma_start3A_833 = tpu.memref_squeeze %dma_start3A_832 : memref<1x32x128xf32, #tpu.memory_space<vmem>> -> memref<32x128xf32, #tpu.memory_space<vmem>>
      %dma_start3A_834 = arith.constant 0 : i32
      %dma_start3A_835 = tpu.memref_slice %arg2[%dma_start3A_834, %multiple_of3A_827] : memref<32x1000000xf32, #tpu.memory_space<hbm>> -> memref<32x128xf32, #tpu.memory_space<hbm>>
      %dma_start3A_836 = tpu.memref_slice %arg8[%dma_start3A_829] : memref<8x!tpu.dma_semaphore, #tpu.memory_space<semaphore_mem>> -> memref<1x!tpu.dma_semaphore, #tpu.memory_space<semaphore_mem>>
      %dma_start3A_837 = tpu.memref_squeeze %dma_start3A_836 : memref<1x!tpu.dma_semaphore, #tpu.memory_space<semaphore_mem>> -> memref<!tpu.dma_semaphore, #tpu.memory_space<semaphore_mem>>
      %dma_start3A_838 = arith.constant 0 : i32
      %dma_start3A_839 = arith.constant 0 : i32
      %dma_start3A_840 = tpu.memref_slice %arg6[%dma_start3A_828, %dma_start3A_838, %dma_start3A_839] : memref<8x32x128xf32, #tpu.memory_space<vmem>> -> memref<1x32x128xf32, #tpu.memory_space<vmem>>
      %dma_start3A_841 = tpu.memref_squeeze %dma_start3A_840 : memref<1x32x128xf32, #tpu.memory_space<vmem>> -> memref<32x128xf32, #tpu.memory_space<vmem>>
      %dma_start3A_842 = arith.constant 0 : i32
      %dma_start3A_843 = tpu.memref_slice %arg2[%dma_start3A_842, %multiple_of3A_827] : memref<32x1000000xf32, #tpu.memory_space<hbm>> -> memref<32x128xf32, #tpu.memory_space<hbm>>
      tpu.enqueue_dma source(%dma_start3A_843 : memref<32x128xf32, #tpu.memory_space<hbm>>) target(%dma_start3A_841 : memref<32x128xf32, #tpu.memory_space<vmem>>) target_semaphore(%dma_start3A_837 : memref<!tpu.dma_semaphore, #tpu.memory_space<semaphore_mem>>)
      %mul3A_844 = arith.constant 16 : i32
      %mul3A_845 = arith.muli %scan3A_502, %mul3A_844 : i32
      %add3A_846 = arith.constant 4 : i32
      %add3A_847 = arith.addi %mul3A_845, %add3A_846 : i32
      %dma_wait3A_848 = arith.constant 4 : i32
      %dma_wait3A_849 = arith.constant 4 : i32
      %dma_wait3A_850 = arith.constant 0 : i32
      %dma_wait3A_851 = arith.constant 0 : i32
      %dma_wait3A_852 = tpu.memref_slice %arg6[%dma_wait3A_848, %dma_wait3A_850, %dma_wait3A_851] : memref<8x32x128xf32, #tpu.memory_space<vmem>> -> memref<1x32x128xf32, #tpu.memory_space<vmem>>
      %dma_wait3A_853 = tpu.memref_squeeze %dma_wait3A_852 : memref<1x32x128xf32, #tpu.memory_space<vmem>> -> memref<32x128xf32, #tpu.memory_space<vmem>>
      %dma_wait3A_854 = arith.constant 0 : i32
      %dma_wait3A_855 = arith.constant 0 : i32
      %dma_wait3A_856 = tpu.memref_slice %arg2[%dma_wait3A_854, %dma_wait3A_855] : memref<32x1000000xf32, #tpu.memory_space<hbm>> -> memref<32x128xf32, #tpu.memory_space<hbm>>
      %dma_wait3A_857 = tpu.memref_slice %arg8[%dma_wait3A_849] : memref<8x!tpu.dma_semaphore, #tpu.memory_space<semaphore_mem>> -> memref<1x!tpu.dma_semaphore, #tpu.memory_space<semaphore_mem>>
      %dma_wait3A_858 = tpu.memref_squeeze %dma_wait3A_857 : memref<1x!tpu.dma_semaphore, #tpu.memory_space<semaphore_mem>> -> memref<!tpu.dma_semaphore, #tpu.memory_space<semaphore_mem>>
      %dma_wait3A_859 = arith.constant 0 : i32
      %dma_wait3A_860 = arith.constant 0 : i32
      %dma_wait3A_861 = tpu.memref_slice %arg6[%dma_wait3A_848, %dma_wait3A_859, %dma_wait3A_860] : memref<8x32x128xf32, #tpu.memory_space<vmem>> -> memref<1x32x128xf32, #tpu.memory_space<vmem>>
      %dma_wait3A_862 = tpu.memref_squeeze %dma_wait3A_861 : memref<1x32x128xf32, #tpu.memory_space<vmem>> -> memref<32x128xf32, #tpu.memory_space<vmem>>
      %dma_wait3A_863 = arith.constant 0 : i32
      %dma_wait3A_864 = arith.constant 0 : i32
      %dma_wait3A_865 = tpu.memref_slice %arg2[%dma_wait3A_863, %dma_wait3A_864] : memref<32x1000000xf32, #tpu.memory_space<hbm>> -> memref<32x128xf32, #tpu.memory_space<hbm>>
      tpu.wait_dma2 semaphore(%dma_wait3A_858 : memref<!tpu.dma_semaphore, #tpu.memory_space<semaphore_mem>>) src(%dma_wait3A_865 : memref<32x128xf32, #tpu.memory_space<hbm>>) dst(%dma_wait3A_862 : memref<32x128xf32, #tpu.memory_space<vmem>>)
      %slice3A_866 = vector.extract_strided_slice %get3A_506 {offsets = [4], sizes = [1], strides = [1]} : vector<16xi32> to vector<1xi32>
      %squeeze3A_867 = vector.extract %slice3A_866[0] : i32 from vector<1xi32>
      %rem3A_868 = arith.constant 128 : i32
      %rem3A_869 = arith.remsi %squeeze3A_867, %rem3A_868 : i32
      %broadcast_in_dim3A_870 = vector.broadcast %rem3A_869 : i32 to vector<16xi32>
      %broadcast_in_dim3A_871 = arith.constant 4 : i32
      %broadcast_in_dim3A_872 = vector.broadcast %broadcast_in_dim3A_871 : i32 to vector<16xi32>
      %broadcast_in_dim3A_873 = vector.broadcast %add3A_847 : i32 to vector<16xi32>
      %gather3A_874 = tpu.vector_load_idx %arg6[%broadcast_in_dim3A_872, %iota3A, %broadcast_in_dim3A_870] : memref<8x32x128xf32, #tpu.memory_space<vmem>>[vector<16xi32>, vector<16xi32>, vector<16xi32>], vector<16xf32>,
      %add3A_875 = arith.constant 16 : i32
      %add3A_876 = vector.broadcast %add3A_875 : i32 to vector<16xi32>
      %add3A_877 = arith.addi %iota3A, %add3A_876 : vector<16xi32>
      %gather3A_878 = tpu.vector_load_idx %arg6[%broadcast_in_dim3A_872, %add3A_877, %broadcast_in_dim3A_870] : memref<8x32x128xf32, #tpu.memory_space<vmem>>[vector<16xi32>, vector<16xi32>, vector<16xi32>], vector<16xf32>,
      tpu.vector_store_idx %arg7[%iota3A, %broadcast_in_dim3A_873], %gather3A_874 : memref<32x512xf32, #tpu.memory_space<vmem>>[vector<16xi32>, vector<16xi32>], vector<16xf32>,
      %add3A_879 = arith.constant 16 : i32
      %add3A_880 = vector.broadcast %add3A_879 : i32 to vector<16xi32>
      %add3A_881 = arith.addi %iota3A, %add3A_880 : vector<16xi32>
      tpu.vector_store_idx %arg7[%add3A_881, %broadcast_in_dim3A_873], %gather3A_878 : memref<32x512xf32, #tpu.memory_space<vmem>>[vector<16xi32>, vector<16xi32>], vector<16xf32>,
      %slice3A_882 = vector.extract_strided_slice %get3A_506 {offsets = [12], sizes = [1], strides = [1]} : vector<16xi32> to vector<1xi32>
      %squeeze3A_883 = vector.extract %slice3A_882[0] : i32 from vector<1xi32>
      %jit3A_884 = arith.constant 128 : i32
      %div3A_885 = arith.divsi %squeeze3A_883, %jit3A_884 : i32
      %sign3A_886 = arith.constant 0 : i32
      %sign3A_887 = arith.cmpi sgt, %squeeze3A_883, %sign3A_886 : i32
      %sign3A_888 = arith.extui %sign3A_887 : i1 to i32
      %sign3A_889 = arith.constant 0 : i32
      %sign3A_890 = arith.cmpi slt, %squeeze3A_883, %sign3A_889 : i32
      %sign3A_891 = arith.extui %sign3A_890 : i1 to i32
      %sign3A_892 = arith.subi %sign3A_888, %sign3A_891 : i32
      %sign3A_893 = arith.constant 0 : i32
      %sign3A_894 = arith.cmpi sgt, %jit3A_884, %sign3A_893 : i32
      %sign3A_895 = arith.extui %sign3A_894 : i1 to i32
      %sign3A_896 = arith.constant 0 : i32
      %sign3A_897 = arith.cmpi slt, %jit3A_884, %sign3A_896 : i32
      %sign3A_898 = arith.extui %sign3A_897 : i1 to i32
      %sign3A_899 = arith.subi %sign3A_895, %sign3A_898 : i32
      %ne3A_900 = arith.cmpi ne, %sign3A_892, %sign3A_899 : i32
      %rem3A_901 = arith.remsi %squeeze3A_883, %jit3A_884 : i32
      %ne3A_902 = arith.constant 0 : i32
      %ne3A_903 = arith.cmpi ne, %rem3A_901, %ne3A_902 : i32
      %and3A_904 = arith.andi %ne3A_900, %ne3A_903 : i1
      %sub3A_905 = arith.constant 1 : i32
      %sub3A_906 = arith.subi %div3A_885, %sub3A_905 : i32
      %select_n3A_907 = arith.select %and3A_904, %sub3A_906, %div3A_885 : i32
      %mul3A_908 = arith.constant 128 : i32
      %mul3A_909 = arith.muli %select_n3A_907, %mul3A_908 : i32
      %multiple_of3A_910 = tpu.assume_multiple %mul3A_909, 128 : i32
      %dma_start3A_911 = arith.constant 4 : i32
      %dma_start3A_912 = arith.constant 4 : i32
      %dma_start3A_913 = arith.constant 0 : i32
      %dma_start3A_914 = arith.constant 0 : i32
      %dma_start3A_915 = tpu.memref_slice %arg6[%dma_start3A_911, %dma_start3A_913, %dma_start3A_914] : memref<8x32x128xf32, #tpu.memory_space<vmem>> -> memref<1x32x128xf32, #tpu.memory_space<vmem>>
      %dma_start3A_916 = tpu.memref_squeeze %dma_start3A_915 : memref<1x32x128xf32, #tpu.memory_space<vmem>> -> memref<32x128xf32, #tpu.memory_space<vmem>>
      %dma_start3A_917 = arith.constant 0 : i32
      %dma_start3A_918 = tpu.memref_slice %arg2[%dma_start3A_917, %multiple_of3A_910] : memref<32x1000000xf32, #tpu.memory_space<hbm>> -> memref<32x128xf32, #tpu.memory_space<hbm>>
      %dma_start3A_919 = tpu.memref_slice %arg8[%dma_start3A_912] : memref<8x!tpu.dma_semaphore, #tpu.memory_space<semaphore_mem>> -> memref<1x!tpu.dma_semaphore, #tpu.memory_space<semaphore_mem>>
      %dma_start3A_920 = tpu.memref_squeeze %dma_start3A_919 : memref<1x!tpu.dma_semaphore, #tpu.memory_space<semaphore_mem>> -> memref<!tpu.dma_semaphore, #tpu.memory_space<semaphore_mem>>
      %dma_start3A_921 = arith.constant 0 : i32
      %dma_start3A_922 = arith.constant 0 : i32
      %dma_start3A_923 = tpu.memref_slice %arg6[%dma_start3A_911, %dma_start3A_921, %dma_start3A_922] : memref<8x32x128xf32, #tpu.memory_space<vmem>> -> memref<1x32x128xf32, #tpu.memory_space<vmem>>
      %dma_start3A_924 = tpu.memref_squeeze %dma_start3A_923 : memref<1x32x128xf32, #tpu.memory_space<vmem>> -> memref<32x128xf32, #tpu.memory_space<vmem>>
      %dma_start3A_925 = arith.constant 0 : i32
      %dma_start3A_926 = tpu.memref_slice %arg2[%dma_start3A_925, %multiple_of3A_910] : memref<32x1000000xf32, #tpu.memory_space<hbm>> -> memref<32x128xf32, #tpu.memory_space<hbm>>
      tpu.enqueue_dma source(%dma_start3A_926 : memref<32x128xf32, #tpu.memory_space<hbm>>) target(%dma_start3A_924 : memref<32x128xf32, #tpu.memory_space<vmem>>) target_semaphore(%dma_start3A_920 : memref<!tpu.dma_semaphore, #tpu.memory_space<semaphore_mem>>)
      %mul3A_927 = arith.constant 16 : i32
      %mul3A_928 = arith.muli %scan3A_502, %mul3A_927 : i32
      %add3A_929 = arith.constant 5 : i32
      %add3A_930 = arith.addi %mul3A_928, %add3A_929 : i32
      %dma_wait3A_931 = arith.constant 5 : i32
      %dma_wait3A_932 = arith.constant 5 : i32
      %dma_wait3A_933 = arith.constant 0 : i32
      %dma_wait3A_934 = arith.constant 0 : i32
      %dma_wait3A_935 = tpu.memref_slice %arg6[%dma_wait3A_931, %dma_wait3A_933, %dma_wait3A_934] : memref<8x32x128xf32, #tpu.memory_space<vmem>> -> memref<1x32x128xf32, #tpu.memory_space<vmem>>
      %dma_wait3A_936 = tpu.memref_squeeze %dma_wait3A_935 : memref<1x32x128xf32, #tpu.memory_space<vmem>> -> memref<32x128xf32, #tpu.memory_space<vmem>>
      %dma_wait3A_937 = arith.constant 0 : i32
      %dma_wait3A_938 = arith.constant 0 : i32
      %dma_wait3A_939 = tpu.memref_slice %arg2[%dma_wait3A_937, %dma_wait3A_938] : memref<32x1000000xf32, #tpu.memory_space<hbm>> -> memref<32x128xf32, #tpu.memory_space<hbm>>
      %dma_wait3A_940 = tpu.memref_slice %arg8[%dma_wait3A_932] : memref<8x!tpu.dma_semaphore, #tpu.memory_space<semaphore_mem>> -> memref<1x!tpu.dma_semaphore, #tpu.memory_space<semaphore_mem>>
      %dma_wait3A_941 = tpu.memref_squeeze %dma_wait3A_940 : memref<1x!tpu.dma_semaphore, #tpu.memory_space<semaphore_mem>> -> memref<!tpu.dma_semaphore, #tpu.memory_space<semaphore_mem>>
      %dma_wait3A_942 = arith.constant 0 : i32
      %dma_wait3A_943 = arith.constant 0 : i32
      %dma_wait3A_944 = tpu.memref_slice %arg6[%dma_wait3A_931, %dma_wait3A_942, %dma_wait3A_943] : memref<8x32x128xf32, #tpu.memory_space<vmem>> -> memref<1x32x128xf32, #tpu.memory_space<vmem>>
      %dma_wait3A_945 = tpu.memref_squeeze %dma_wait3A_944 : memref<1x32x128xf32, #tpu.memory_space<vmem>> -> memref<32x128xf32, #tpu.memory_space<vmem>>
      %dma_wait3A_946 = arith.constant 0 : i32
      %dma_wait3A_947 = arith.constant 0 : i32
      %dma_wait3A_948 = tpu.memref_slice %arg2[%dma_wait3A_946, %dma_wait3A_947] : memref<32x1000000xf32, #tpu.memory_space<hbm>> -> memref<32x128xf32, #tpu.memory_space<hbm>>
      tpu.wait_dma2 semaphore(%dma_wait3A_941 : memref<!tpu.dma_semaphore, #tpu.memory_space<semaphore_mem>>) src(%dma_wait3A_948 : memref<32x128xf32, #tpu.memory_space<hbm>>) dst(%dma_wait3A_945 : memref<32x128xf32, #tpu.memory_space<vmem>>)
      %slice3A_949 = vector.extract_strided_slice %get3A_506 {offsets = [5], sizes = [1], strides = [1]} : vector<16xi32> to vector<1xi32>
      %squeeze3A_950 = vector.extract %slice3A_949[0] : i32 from vector<1xi32>
      %rem3A_951 = arith.constant 128 : i32
      %rem3A_952 = arith.remsi %squeeze3A_950, %rem3A_951 : i32
      %broadcast_in_dim3A_953 = vector.broadcast %rem3A_952 : i32 to vector<16xi32>
      %broadcast_in_dim3A_954 = arith.constant 5 : i32
      %broadcast_in_dim3A_955 = vector.broadcast %broadcast_in_dim3A_954 : i32 to vector<16xi32>
      %broadcast_in_dim3A_956 = vector.broadcast %add3A_930 : i32 to vector<16xi32>
      %gather3A_957 = tpu.vector_load_idx %arg6[%broadcast_in_dim3A_955, %iota3A, %broadcast_in_dim3A_953] : memref<8x32x128xf32, #tpu.memory_space<vmem>>[vector<16xi32>, vector<16xi32>, vector<16xi32>], vector<16xf32>,
      %add3A_958 = arith.constant 16 : i32
      %add3A_959 = vector.broadcast %add3A_958 : i32 to vector<16xi32>
      %add3A_960 = arith.addi %iota3A, %add3A_959 : vector<16xi32>
      %gather3A_961 = tpu.vector_load_idx %arg6[%broadcast_in_dim3A_955, %add3A_960, %broadcast_in_dim3A_953] : memref<8x32x128xf32, #tpu.memory_space<vmem>>[vector<16xi32>, vector<16xi32>, vector<16xi32>], vector<16xf32>,
      tpu.vector_store_idx %arg7[%iota3A, %broadcast_in_dim3A_956], %gather3A_957 : memref<32x512xf32, #tpu.memory_space<vmem>>[vector<16xi32>, vector<16xi32>], vector<16xf32>,
      %add3A_962 = arith.constant 16 : i32
      %add3A_963 = vector.broadcast %add3A_962 : i32 to vector<16xi32>
      %add3A_964 = arith.addi %iota3A, %add3A_963 : vector<16xi32>
      tpu.vector_store_idx %arg7[%add3A_964, %broadcast_in_dim3A_956], %gather3A_961 : memref<32x512xf32, #tpu.memory_space<vmem>>[vector<16xi32>, vector<16xi32>], vector<16xf32>,
      %slice3A_965 = vector.extract_strided_slice %get3A_506 {offsets = [13], sizes = [1], strides = [1]} : vector<16xi32> to vector<1xi32>
      %squeeze3A_966 = vector.extract %slice3A_965[0] : i32 from vector<1xi32>
      %jit3A_967 = arith.constant 128 : i32
      %div3A_968 = arith.divsi %squeeze3A_966, %jit3A_967 : i32
      %sign3A_969 = arith.constant 0 : i32
      %sign3A_970 = arith.cmpi sgt, %squeeze3A_966, %sign3A_969 : i32
      %sign3A_971 = arith.extui %sign3A_970 : i1 to i32
      %sign3A_972 = arith.constant 0 : i32
      %sign3A_973 = arith.cmpi slt, %squeeze3A_966, %sign3A_972 : i32
      %sign3A_974 = arith.extui %sign3A_973 : i1 to i32
      %sign3A_975 = arith.subi %sign3A_971, %sign3A_974 : i32
      %sign3A_976 = arith.constant 0 : i32
      %sign3A_977 = arith.cmpi sgt, %jit3A_967, %sign3A_976 : i32
      %sign3A_978 = arith.extui %sign3A_977 : i1 to i32
      %sign3A_979 = arith.constant 0 : i32
      %sign3A_980 = arith.cmpi slt, %jit3A_967, %sign3A_979 : i32
      %sign3A_981 = arith.extui %sign3A_980 : i1 to i32
      %sign3A_982 = arith.subi %sign3A_978, %sign3A_981 : i32
      %ne3A_983 = arith.cmpi ne, %sign3A_975, %sign3A_982 : i32
      %rem3A_984 = arith.remsi %squeeze3A_966, %jit3A_967 : i32
      %ne3A_985 = arith.constant 0 : i32
      %ne3A_986 = arith.cmpi ne, %rem3A_984, %ne3A_985 : i32
      %and3A_987 = arith.andi %ne3A_983, %ne3A_986 : i1
      %sub3A_988 = arith.constant 1 : i32
      %sub3A_989 = arith.subi %div3A_968, %sub3A_988 : i32
      %select_n3A_990 = arith.select %and3A_987, %sub3A_989, %div3A_968 : i32
      %mul3A_991 = arith.constant 128 : i32
      %mul3A_992 = arith.muli %select_n3A_990, %mul3A_991 : i32
      %multiple_of3A_993 = tpu.assume_multiple %mul3A_992, 128 : i32
      %dma_start3A_994 = arith.constant 5 : i32
      %dma_start3A_995 = arith.constant 5 : i32
      %dma_start3A_996 = arith.constant 0 : i32
      %dma_start3A_997 = arith.constant 0 : i32
      %dma_start3A_998 = tpu.memref_slice %arg6[%dma_start3A_994, %dma_start3A_996, %dma_start3A_997] : memref<8x32x128xf32, #tpu.memory_space<vmem>> -> memref<1x32x128xf32, #tpu.memory_space<vmem>>
      %dma_start3A_999 = tpu.memref_squeeze %dma_start3A_998 : memref<1x32x128xf32, #tpu.memory_space<vmem>> -> memref<32x128xf32, #tpu.memory_space<vmem>>
      %dma_start3A_1000 = arith.constant 0 : i32
      %dma_start3A_1001 = tpu.memref_slice %arg2[%dma_start3A_1000, %multiple_of3A_993] : memref<32x1000000xf32, #tpu.memory_space<hbm>> -> memref<32x128xf32, #tpu.memory_space<hbm>>
      %dma_start3A_1002 = tpu.memref_slice %arg8[%dma_start3A_995] : memref<8x!tpu.dma_semaphore, #tpu.memory_space<semaphore_mem>> -> memref<1x!tpu.dma_semaphore, #tpu.memory_space<semaphore_mem>>
      %dma_start3A_1003 = tpu.memref_squeeze %dma_start3A_1002 : memref<1x!tpu.dma_semaphore, #tpu.memory_space<semaphore_mem>> -> memref<!tpu.dma_semaphore, #tpu.memory_space<semaphore_mem>>
      %dma_start3A_1004 = arith.constant 0 : i32
      %dma_start3A_1005 = arith.constant 0 : i32
      %dma_start3A_1006 = tpu.memref_slice %arg6[%dma_start3A_994, %dma_start3A_1004, %dma_start3A_1005] : memref<8x32x128xf32, #tpu.memory_space<vmem>> -> memref<1x32x128xf32, #tpu.memory_space<vmem>>
      %dma_start3A_1007 = tpu.memref_squeeze %dma_start3A_1006 : memref<1x32x128xf32, #tpu.memory_space<vmem>> -> memref<32x128xf32, #tpu.memory_space<vmem>>
      %dma_start3A_1008 = arith.constant 0 : i32
      %dma_start3A_1009 = tpu.memref_slice %arg2[%dma_start3A_1008, %multiple_of3A_993] : memref<32x1000000xf32, #tpu.memory_space<hbm>> -> memref<32x128xf32, #tpu.memory_space<hbm>>
      tpu.enqueue_dma source(%dma_start3A_1009 : memref<32x128xf32, #tpu.memory_space<hbm>>) target(%dma_start3A_1007 : memref<32x128xf32, #tpu.memory_space<vmem>>) target_semaphore(%dma_start3A_1003 : memref<!tpu.dma_semaphore, #tpu.memory_space<semaphore_mem>>)
      %mul3A_1010 = arith.constant 16 : i32
      %mul3A_1011 = arith.muli %scan3A_502, %mul3A_1010 : i32
      %add3A_1012 = arith.constant 6 : i32
      %add3A_1013 = arith.addi %mul3A_1011, %add3A_1012 : i32
      %dma_wait3A_1014 = arith.constant 6 : i32
      %dma_wait3A_1015 = arith.constant 6 : i32
      %dma_wait3A_1016 = arith.constant 0 : i32
      %dma_wait3A_1017 = arith.constant 0 : i32
      %dma_wait3A_1018 = tpu.memref_slice %arg6[%dma_wait3A_1014, %dma_wait3A_1016, %dma_wait3A_1017] : memref<8x32x128xf32, #tpu.memory_space<vmem>> -> memref<1x32x128xf32, #tpu.memory_space<vmem>>
      %dma_wait3A_1019 = tpu.memref_squeeze %dma_wait3A_1018 : memref<1x32x128xf32, #tpu.memory_space<vmem>> -> memref<32x128xf32, #tpu.memory_space<vmem>>
      %dma_wait3A_1020 = arith.constant 0 : i32
      %dma_wait3A_1021 = arith.constant 0 : i32
      %dma_wait3A_1022 = tpu.memref_slice %arg2[%dma_wait3A_1020, %dma_wait3A_1021] : memref<32x1000000xf32, #tpu.memory_space<hbm>> -> memref<32x128xf32, #tpu.memory_space<hbm>>
      %dma_wait3A_1023 = tpu.memref_slice %arg8[%dma_wait3A_1015] : memref<8x!tpu.dma_semaphore, #tpu.memory_space<semaphore_mem>> -> memref<1x!tpu.dma_semaphore, #tpu.memory_space<semaphore_mem>>
      %dma_wait3A_1024 = tpu.memref_squeeze %dma_wait3A_1023 : memref<1x!tpu.dma_semaphore, #tpu.memory_space<semaphore_mem>> -> memref<!tpu.dma_semaphore, #tpu.memory_space<semaphore_mem>>
      %dma_wait3A_1025 = arith.constant 0 : i32
      %dma_wait3A_1026 = arith.constant 0 : i32
      %dma_wait3A_1027 = tpu.memref_slice %arg6[%dma_wait3A_1014, %dma_wait3A_1025, %dma_wait3A_1026] : memref<8x32x128xf32, #tpu.memory_space<vmem>> -> memref<1x32x128xf32, #tpu.memory_space<vmem>>
      %dma_wait3A_1028 = tpu.memref_squeeze %dma_wait3A_1027 : memref<1x32x128xf32, #tpu.memory_space<vmem>> -> memref<32x128xf32, #tpu.memory_space<vmem>>
      %dma_wait3A_1029 = arith.constant 0 : i32
      %dma_wait3A_1030 = arith.constant 0 : i32
      %dma_wait3A_1031 = tpu.memref_slice %arg2[%dma_wait3A_1029, %dma_wait3A_1030] : memref<32x1000000xf32, #tpu.memory_space<hbm>> -> memref<32x128xf32, #tpu.memory_space<hbm>>
      tpu.wait_dma2 semaphore(%dma_wait3A_1024 : memref<!tpu.dma_semaphore, #tpu.memory_space<semaphore_mem>>) src(%dma_wait3A_1031 : memref<32x128xf32, #tpu.memory_space<hbm>>) dst(%dma_wait3A_1028 : memref<32x128xf32, #tpu.memory_space<vmem>>)
      %slice3A_1032 = vector.extract_strided_slice %get3A_506 {offsets = [6], sizes = [1], strides = [1]} : vector<16xi32> to vector<1xi32>
      %squeeze3A_1033 = vector.extract %slice3A_1032[0] : i32 from vector<1xi32>
      %rem3A_1034 = arith.constant 128 : i32
      %rem3A_1035 = arith.remsi %squeeze3A_1033, %rem3A_1034 : i32
      %broadcast_in_dim3A_1036 = vector.broadcast %rem3A_1035 : i32 to vector<16xi32>
      %broadcast_in_dim3A_1037 = arith.constant 6 : i32
      %broadcast_in_dim3A_1038 = vector.broadcast %broadcast_in_dim3A_1037 : i32 to vector<16xi32>
      %broadcast_in_dim3A_1039 = vector.broadcast %add3A_1013 : i32 to vector<16xi32>
      %gather3A_1040 = tpu.vector_load_idx %arg6[%broadcast_in_dim3A_1038, %iota3A, %broadcast_in_dim3A_1036] : memref<8x32x128xf32, #tpu.memory_space<vmem>>[vector<16xi32>, vector<16xi32>, vector<16xi32>], vector<16xf32>,
      %add3A_1041 = arith.constant 16 : i32
      %add3A_1042 = vector.broadcast %add3A_1041 : i32 to vector<16xi32>
      %add3A_1043 = arith.addi %iota3A, %add3A_1042 : vector<16xi32>
      %gather3A_1044 = tpu.vector_load_idx %arg6[%broadcast_in_dim3A_1038, %add3A_1043, %broadcast_in_dim3A_1036] : memref<8x32x128xf32, #tpu.memory_space<vmem>>[vector<16xi32>, vector<16xi32>, vector<16xi32>], vector<16xf32>,
      tpu.vector_store_idx %arg7[%iota3A, %broadcast_in_dim3A_1039], %gather3A_1040 : memref<32x512xf32, #tpu.memory_space<vmem>>[vector<16xi32>, vector<16xi32>], vector<16xf32>,
      %add3A_1045 = arith.constant 16 : i32
      %add3A_1046 = vector.broadcast %add3A_1045 : i32 to vector<16xi32>
      %add3A_1047 = arith.addi %iota3A, %add3A_1046 : vector<16xi32>
      tpu.vector_store_idx %arg7[%add3A_1047, %broadcast_in_dim3A_1039], %gather3A_1044 : memref<32x512xf32, #tpu.memory_space<vmem>>[vector<16xi32>, vector<16xi32>], vector<16xf32>,
      %slice3A_1048 = vector.extract_strided_slice %get3A_506 {offsets = [14], sizes = [1], strides = [1]} : vector<16xi32> to vector<1xi32>
      %squeeze3A_1049 = vector.extract %slice3A_1048[0] : i32 from vector<1xi32>
      %jit3A_1050 = arith.constant 128 : i32
      %div3A_1051 = arith.divsi %squeeze3A_1049, %jit3A_1050 : i32
      %sign3A_1052 = arith.constant 0 : i32
      %sign3A_1053 = arith.cmpi sgt, %squeeze3A_1049, %sign3A_1052 : i32
      %sign3A_1054 = arith.extui %sign3A_1053 : i1 to i32
      %sign3A_1055 = arith.constant 0 : i32
      %sign3A_1056 = arith.cmpi slt, %squeeze3A_1049, %sign3A_1055 : i32
      %sign3A_1057 = arith.extui %sign3A_1056 : i1 to i32
      %sign3A_1058 = arith.subi %sign3A_1054, %sign3A_1057 : i32
      %sign3A_1059 = arith.constant 0 : i32
      %sign3A_1060 = arith.cmpi sgt, %jit3A_1050, %sign3A_1059 : i32
      %sign3A_1061 = arith.extui %sign3A_1060 : i1 to i32
      %sign3A_1062 = arith.constant 0 : i32
      %sign3A_1063 = arith.cmpi slt, %jit3A_1050, %sign3A_1062 : i32
      %sign3A_1064 = arith.extui %sign3A_1063 : i1 to i32
      %sign3A_1065 = arith.subi %sign3A_1061, %sign3A_1064 : i32
      %ne3A_1066 = arith.cmpi ne, %sign3A_1058, %sign3A_1065 : i32
      %rem3A_1067 = arith.remsi %squeeze3A_1049, %jit3A_1050 : i32
      %ne3A_1068 = arith.constant 0 : i32
      %ne3A_1069 = arith.cmpi ne, %rem3A_1067, %ne3A_1068 : i32
      %and3A_1070 = arith.andi %ne3A_1066, %ne3A_1069 : i1
      %sub3A_1071 = arith.constant 1 : i32
      %sub3A_1072 = arith.subi %div3A_1051, %sub3A_1071 : i32
      %select_n3A_1073 = arith.select %and3A_1070, %sub3A_1072, %div3A_1051 : i32
      %mul3A_1074 = arith.constant 128 : i32
      %mul3A_1075 = arith.muli %select_n3A_1073, %mul3A_1074 : i32
      %multiple_of3A_1076 = tpu.assume_multiple %mul3A_1075, 128 : i32
      %dma_start3A_1077 = arith.constant 6 : i32
      %dma_start3A_1078 = arith.constant 6 : i32
      %dma_start3A_1079 = arith.constant 0 : i32
      %dma_start3A_1080 = arith.constant 0 : i32
      %dma_start3A_1081 = tpu.memref_slice %arg6[%dma_start3A_1077, %dma_start3A_1079, %dma_start3A_1080] : memref<8x32x128xf32, #tpu.memory_space<vmem>> -> memref<1x32x128xf32, #tpu.memory_space<vmem>>
      %dma_start3A_1082 = tpu.memref_squeeze %dma_start3A_1081 : memref<1x32x128xf32, #tpu.memory_space<vmem>> -> memref<32x128xf32, #tpu.memory_space<vmem>>
      %dma_start3A_1083 = arith.constant 0 : i32
      %dma_start3A_1084 = tpu.memref_slice %arg2[%dma_start3A_1083, %multiple_of3A_1076] : memref<32x1000000xf32, #tpu.memory_space<hbm>> -> memref<32x128xf32, #tpu.memory_space<hbm>>
      %dma_start3A_1085 = tpu.memref_slice %arg8[%dma_start3A_1078] : memref<8x!tpu.dma_semaphore, #tpu.memory_space<semaphore_mem>> -> memref<1x!tpu.dma_semaphore, #tpu.memory_space<semaphore_mem>>
      %dma_start3A_1086 = tpu.memref_squeeze %dma_start3A_1085 : memref<1x!tpu.dma_semaphore, #tpu.memory_space<semaphore_mem>> -> memref<!tpu.dma_semaphore, #tpu.memory_space<semaphore_mem>>
      %dma_start3A_1087 = arith.constant 0 : i32
      %dma_start3A_1088 = arith.constant 0 : i32
      %dma_start3A_1089 = tpu.memref_slice %arg6[%dma_start3A_1077, %dma_start3A_1087, %dma_start3A_1088] : memref<8x32x128xf32, #tpu.memory_space<vmem>> -> memref<1x32x128xf32, #tpu.memory_space<vmem>>
      %dma_start3A_1090 = tpu.memref_squeeze %dma_start3A_1089 : memref<1x32x128xf32, #tpu.memory_space<vmem>> -> memref<32x128xf32, #tpu.memory_space<vmem>>
      %dma_start3A_1091 = arith.constant 0 : i32
      %dma_start3A_1092 = tpu.memref_slice %arg2[%dma_start3A_1091, %multiple_of3A_1076] : memref<32x1000000xf32, #tpu.memory_space<hbm>> -> memref<32x128xf32, #tpu.memory_space<hbm>>
      tpu.enqueue_dma source(%dma_start3A_1092 : memref<32x128xf32, #tpu.memory_space<hbm>>) target(%dma_start3A_1090 : memref<32x128xf32, #tpu.memory_space<vmem>>) target_semaphore(%dma_start3A_1086 : memref<!tpu.dma_semaphore, #tpu.memory_space<semaphore_mem>>)
      %mul3A_1093 = arith.constant 16 : i32
      %mul3A_1094 = arith.muli %scan3A_502, %mul3A_1093 : i32
      %add3A_1095 = arith.constant 7 : i32
      %add3A_1096 = arith.addi %mul3A_1094, %add3A_1095 : i32
      %dma_wait3A_1097 = arith.constant 7 : i32
      %dma_wait3A_1098 = arith.constant 7 : i32
      %dma_wait3A_1099 = arith.constant 0 : i32
      %dma_wait3A_1100 = arith.constant 0 : i32
      %dma_wait3A_1101 = tpu.memref_slice %arg6[%dma_wait3A_1097, %dma_wait3A_1099, %dma_wait3A_1100] : memref<8x32x128xf32, #tpu.memory_space<vmem>> -> memref<1x32x128xf32, #tpu.memory_space<vmem>>
      %dma_wait3A_1102 = tpu.memref_squeeze %dma_wait3A_1101 : memref<1x32x128xf32, #tpu.memory_space<vmem>> -> memref<32x128xf32, #tpu.memory_space<vmem>>
      %dma_wait3A_1103 = arith.constant 0 : i32
      %dma_wait3A_1104 = arith.constant 0 : i32
      %dma_wait3A_1105 = tpu.memref_slice %arg2[%dma_wait3A_1103, %dma_wait3A_1104] : memref<32x1000000xf32, #tpu.memory_space<hbm>> -> memref<32x128xf32, #tpu.memory_space<hbm>>
      %dma_wait3A_1106 = tpu.memref_slice %arg8[%dma_wait3A_1098] : memref<8x!tpu.dma_semaphore, #tpu.memory_space<semaphore_mem>> -> memref<1x!tpu.dma_semaphore, #tpu.memory_space<semaphore_mem>>
      %dma_wait3A_1107 = tpu.memref_squeeze %dma_wait3A_1106 : memref<1x!tpu.dma_semaphore, #tpu.memory_space<semaphore_mem>> -> memref<!tpu.dma_semaphore, #tpu.memory_space<semaphore_mem>>
      %dma_wait3A_1108 = arith.constant 0 : i32
      %dma_wait3A_1109 = arith.constant 0 : i32
      %dma_wait3A_1110 = tpu.memref_slice %arg6[%dma_wait3A_1097, %dma_wait3A_1108, %dma_wait3A_1109] : memref<8x32x128xf32, #tpu.memory_space<vmem>> -> memref<1x32x128xf32, #tpu.memory_space<vmem>>
      %dma_wait3A_1111 = tpu.memref_squeeze %dma_wait3A_1110 : memref<1x32x128xf32, #tpu.memory_space<vmem>> -> memref<32x128xf32, #tpu.memory_space<vmem>>
      %dma_wait3A_1112 = arith.constant 0 : i32
      %dma_wait3A_1113 = arith.constant 0 : i32
      %dma_wait3A_1114 = tpu.memref_slice %arg2[%dma_wait3A_1112, %dma_wait3A_1113] : memref<32x1000000xf32, #tpu.memory_space<hbm>> -> memref<32x128xf32, #tpu.memory_space<hbm>>
      tpu.wait_dma2 semaphore(%dma_wait3A_1107 : memref<!tpu.dma_semaphore, #tpu.memory_space<semaphore_mem>>) src(%dma_wait3A_1114 : memref<32x128xf32, #tpu.memory_space<hbm>>) dst(%dma_wait3A_1111 : memref<32x128xf32, #tpu.memory_space<vmem>>)
      %slice3A_1115 = vector.extract_strided_slice %get3A_506 {offsets = [7], sizes = [1], strides = [1]} : vector<16xi32> to vector<1xi32>
      %squeeze3A_1116 = vector.extract %slice3A_1115[0] : i32 from vector<1xi32>
      %rem3A_1117 = arith.constant 128 : i32
      %rem3A_1118 = arith.remsi %squeeze3A_1116, %rem3A_1117 : i32
      %broadcast_in_dim3A_1119 = vector.broadcast %rem3A_1118 : i32 to vector<16xi32>
      %broadcast_in_dim3A_1120 = arith.constant 7 : i32
      %broadcast_in_dim3A_1121 = vector.broadcast %broadcast_in_dim3A_1120 : i32 to vector<16xi32>
      %broadcast_in_dim3A_1122 = vector.broadcast %add3A_1096 : i32 to vector<16xi32>
      %gather3A_1123 = tpu.vector_load_idx %arg6[%broadcast_in_dim3A_1121, %iota3A, %broadcast_in_dim3A_1119] : memref<8x32x128xf32, #tpu.memory_space<vmem>>[vector<16xi32>, vector<16xi32>, vector<16xi32>], vector<16xf32>,
      %add3A_1124 = arith.constant 16 : i32
      %add3A_1125 = vector.broadcast %add3A_1124 : i32 to vector<16xi32>
      %add3A_1126 = arith.addi %iota3A, %add3A_1125 : vector<16xi32>
      %gather3A_1127 = tpu.vector_load_idx %arg6[%broadcast_in_dim3A_1121, %add3A_1126, %broadcast_in_dim3A_1119] : memref<8x32x128xf32, #tpu.memory_space<vmem>>[vector<16xi32>, vector<16xi32>, vector<16xi32>], vector<16xf32>,
      tpu.vector_store_idx %arg7[%iota3A, %broadcast_in_dim3A_1122], %gather3A_1123 : memref<32x512xf32, #tpu.memory_space<vmem>>[vector<16xi32>, vector<16xi32>], vector<16xf32>,
      %add3A_1128 = arith.constant 16 : i32
      %add3A_1129 = vector.broadcast %add3A_1128 : i32 to vector<16xi32>
      %add3A_1130 = arith.addi %iota3A, %add3A_1129 : vector<16xi32>
      tpu.vector_store_idx %arg7[%add3A_1130, %broadcast_in_dim3A_1122], %gather3A_1127 : memref<32x512xf32, #tpu.memory_space<vmem>>[vector<16xi32>, vector<16xi32>], vector<16xf32>,
      %slice3A_1131 = vector.extract_strided_slice %get3A_506 {offsets = [15], sizes = [1], strides = [1]} : vector<16xi32> to vector<1xi32>
      %squeeze3A_1132 = vector.extract %slice3A_1131[0] : i32 from vector<1xi32>
      %jit3A_1133 = arith.constant 128 : i32
      %div3A_1134 = arith.divsi %squeeze3A_1132, %jit3A_1133 : i32
      %sign3A_1135 = arith.constant 0 : i32
      %sign3A_1136 = arith.cmpi sgt, %squeeze3A_1132, %sign3A_1135 : i32
      %sign3A_1137 = arith.extui %sign3A_1136 : i1 to i32
      %sign3A_1138 = arith.constant 0 : i32
      %sign3A_1139 = arith.cmpi slt, %squeeze3A_1132, %sign3A_1138 : i32
      %sign3A_1140 = arith.extui %sign3A_1139 : i1 to i32
      %sign3A_1141 = arith.subi %sign3A_1137, %sign3A_1140 : i32
      %sign3A_1142 = arith.constant 0 : i32
      %sign3A_1143 = arith.cmpi sgt, %jit3A_1133, %sign3A_1142 : i32
      %sign3A_1144 = arith.extui %sign3A_1143 : i1 to i32
      %sign3A_1145 = arith.constant 0 : i32
      %sign3A_1146 = arith.cmpi slt, %jit3A_1133, %sign3A_1145 : i32
      %sign3A_1147 = arith.extui %sign3A_1146 : i1 to i32
      %sign3A_1148 = arith.subi %sign3A_1144, %sign3A_1147 : i32
      %ne3A_1149 = arith.cmpi ne, %sign3A_1141, %sign3A_1148 : i32
      %rem3A_1150 = arith.remsi %squeeze3A_1132, %jit3A_1133 : i32
      %ne3A_1151 = arith.constant 0 : i32
      %ne3A_1152 = arith.cmpi ne, %rem3A_1150, %ne3A_1151 : i32
      %and3A_1153 = arith.andi %ne3A_1149, %ne3A_1152 : i1
      %sub3A_1154 = arith.constant 1 : i32
      %sub3A_1155 = arith.subi %div3A_1134, %sub3A_1154 : i32
      %select_n3A_1156 = arith.select %and3A_1153, %sub3A_1155, %div3A_1134 : i32
      %mul3A_1157 = arith.constant 128 : i32
      %mul3A_1158 = arith.muli %select_n3A_1156, %mul3A_1157 : i32
      %multiple_of3A_1159 = tpu.assume_multiple %mul3A_1158, 128 : i32
      %dma_start3A_1160 = arith.constant 7 : i32
      %dma_start3A_1161 = arith.constant 7 : i32
      %dma_start3A_1162 = arith.constant 0 : i32
      %dma_start3A_1163 = arith.constant 0 : i32
      %dma_start3A_1164 = tpu.memref_slice %arg6[%dma_start3A_1160, %dma_start3A_1162, %dma_start3A_1163] : memref<8x32x128xf32, #tpu.memory_space<vmem>> -> memref<1x32x128xf32, #tpu.memory_space<vmem>>
      %dma_start3A_1165 = tpu.memref_squeeze %dma_start3A_1164 : memref<1x32x128xf32, #tpu.memory_space<vmem>> -> memref<32x128xf32, #tpu.memory_space<vmem>>
      %dma_start3A_1166 = arith.constant 0 : i32
      %dma_start3A_1167 = tpu.memref_slice %arg2[%dma_start3A_1166, %multiple_of3A_1159] : memref<32x1000000xf32, #tpu.memory_space<hbm>> -> memref<32x128xf32, #tpu.memory_space<hbm>>
      %dma_start3A_1168 = tpu.memref_slice %arg8[%dma_start3A_1161] : memref<8x!tpu.dma_semaphore, #tpu.memory_space<semaphore_mem>> -> memref<1x!tpu.dma_semaphore, #tpu.memory_space<semaphore_mem>>
      %dma_start3A_1169 = tpu.memref_squeeze %dma_start3A_1168 : memref<1x!tpu.dma_semaphore, #tpu.memory_space<semaphore_mem>> -> memref<!tpu.dma_semaphore, #tpu.memory_space<semaphore_mem>>
      %dma_start3A_1170 = arith.constant 0 : i32
      %dma_start3A_1171 = arith.constant 0 : i32
      %dma_start3A_1172 = tpu.memref_slice %arg6[%dma_start3A_1160, %dma_start3A_1170, %dma_start3A_1171] : memref<8x32x128xf32, #tpu.memory_space<vmem>> -> memref<1x32x128xf32, #tpu.memory_space<vmem>>
      %dma_start3A_1173 = tpu.memref_squeeze %dma_start3A_1172 : memref<1x32x128xf32, #tpu.memory_space<vmem>> -> memref<32x128xf32, #tpu.memory_space<vmem>>
      %dma_start3A_1174 = arith.constant 0 : i32
      %dma_start3A_1175 = tpu.memref_slice %arg2[%dma_start3A_1174, %multiple_of3A_1159] : memref<32x1000000xf32, #tpu.memory_space<hbm>> -> memref<32x128xf32, #tpu.memory_space<hbm>>
      tpu.enqueue_dma source(%dma_start3A_1175 : memref<32x128xf32, #tpu.memory_space<hbm>>) target(%dma_start3A_1173 : memref<32x128xf32, #tpu.memory_space<vmem>>) target_semaphore(%dma_start3A_1169 : memref<!tpu.dma_semaphore, #tpu.memory_space<semaphore_mem>>)
      %mul3A_1176 = arith.constant 16 : i32
      %mul3A_1177 = arith.muli %scan3A_502, %mul3A_1176 : i32
      %add3A_1178 = arith.constant 8 : i32
      %add3A_1179 = arith.addi %mul3A_1177, %add3A_1178 : i32
      %dma_wait3A_1180 = arith.constant 0 : i32
      %dma_wait3A_1181 = arith.constant 0 : i32
      %dma_wait3A_1182 = arith.constant 0 : i32
      %dma_wait3A_1183 = arith.constant 0 : i32
      %dma_wait3A_1184 = tpu.memref_slice %arg6[%dma_wait3A_1180, %dma_wait3A_1182, %dma_wait3A_1183] : memref<8x32x128xf32, #tpu.memory_space<vmem>> -> memref<1x32x128xf32, #tpu.memory_space<vmem>>
      %dma_wait3A_1185 = tpu.memref_squeeze %dma_wait3A_1184 : memref<1x32x128xf32, #tpu.memory_space<vmem>> -> memref<32x128xf32, #tpu.memory_space<vmem>>
      %dma_wait3A_1186 = arith.constant 0 : i32
      %dma_wait3A_1187 = arith.constant 0 : i32
      %dma_wait3A_1188 = tpu.memref_slice %arg2[%dma_wait3A_1186, %dma_wait3A_1187] : memref<32x1000000xf32, #tpu.memory_space<hbm>> -> memref<32x128xf32, #tpu.memory_space<hbm>>
      %dma_wait3A_1189 = tpu.memref_slice %arg8[%dma_wait3A_1181] : memref<8x!tpu.dma_semaphore, #tpu.memory_space<semaphore_mem>> -> memref<1x!tpu.dma_semaphore, #tpu.memory_space<semaphore_mem>>
      %dma_wait3A_1190 = tpu.memref_squeeze %dma_wait3A_1189 : memref<1x!tpu.dma_semaphore, #tpu.memory_space<semaphore_mem>> -> memref<!tpu.dma_semaphore, #tpu.memory_space<semaphore_mem>>
      %dma_wait3A_1191 = arith.constant 0 : i32
      %dma_wait3A_1192 = arith.constant 0 : i32
      %dma_wait3A_1193 = tpu.memref_slice %arg6[%dma_wait3A_1180, %dma_wait3A_1191, %dma_wait3A_1192] : memref<8x32x128xf32, #tpu.memory_space<vmem>> -> memref<1x32x128xf32, #tpu.memory_space<vmem>>
      %dma_wait3A_1194 = tpu.memref_squeeze %dma_wait3A_1193 : memref<1x32x128xf32, #tpu.memory_space<vmem>> -> memref<32x128xf32, #tpu.memory_space<vmem>>
      %dma_wait3A_1195 = arith.constant 0 : i32
      %dma_wait3A_1196 = arith.constant 0 : i32
      %dma_wait3A_1197 = tpu.memref_slice %arg2[%dma_wait3A_1195, %dma_wait3A_1196] : memref<32x1000000xf32, #tpu.memory_space<hbm>> -> memref<32x128xf32, #tpu.memory_space<hbm>>
      tpu.wait_dma2 semaphore(%dma_wait3A_1190 : memref<!tpu.dma_semaphore, #tpu.memory_space<semaphore_mem>>) src(%dma_wait3A_1197 : memref<32x128xf32, #tpu.memory_space<hbm>>) dst(%dma_wait3A_1194 : memref<32x128xf32, #tpu.memory_space<vmem>>)
      %slice3A_1198 = vector.extract_strided_slice %get3A_506 {offsets = [8], sizes = [1], strides = [1]} : vector<16xi32> to vector<1xi32>
      %squeeze3A_1199 = vector.extract %slice3A_1198[0] : i32 from vector<1xi32>
      %rem3A_1200 = arith.constant 128 : i32
      %rem3A_1201 = arith.remsi %squeeze3A_1199, %rem3A_1200 : i32
      %broadcast_in_dim3A_1202 = vector.broadcast %rem3A_1201 : i32 to vector<16xi32>
      %broadcast_in_dim3A_1203 = arith.constant 0 : i32
      %broadcast_in_dim3A_1204 = vector.broadcast %broadcast_in_dim3A_1203 : i32 to vector<16xi32>
      %broadcast_in_dim3A_1205 = vector.broadcast %add3A_1179 : i32 to vector<16xi32>
      %gather3A_1206 = tpu.vector_load_idx %arg6[%broadcast_in_dim3A_1204, %iota3A, %broadcast_in_dim3A_1202] : memref<8x32x128xf32, #tpu.memory_space<vmem>>[vector<16xi32>, vector<16xi32>, vector<16xi32>], vector<16xf32>,
      %add3A_1207 = arith.constant 16 : i32
      %add3A_1208 = vector.broadcast %add3A_1207 : i32 to vector<16xi32>
      %add3A_1209 = arith.addi %iota3A, %add3A_1208 : vector<16xi32>
      %gather3A_1210 = tpu.vector_load_idx %arg6[%broadcast_in_dim3A_1204, %add3A_1209, %broadcast_in_dim3A_1202] : memref<8x32x128xf32, #tpu.memory_space<vmem>>[vector<16xi32>, vector<16xi32>, vector<16xi32>], vector<16xf32>,
      tpu.vector_store_idx %arg7[%iota3A, %broadcast_in_dim3A_1205], %gather3A_1206 : memref<32x512xf32, #tpu.memory_space<vmem>>[vector<16xi32>, vector<16xi32>], vector<16xf32>,
      %add3A_1211 = arith.constant 16 : i32
      %add3A_1212 = vector.broadcast %add3A_1211 : i32 to vector<16xi32>
      %add3A_1213 = arith.addi %iota3A, %add3A_1212 : vector<16xi32>
      tpu.vector_store_idx %arg7[%add3A_1213, %broadcast_in_dim3A_1205], %gather3A_1210 : memref<32x512xf32, #tpu.memory_space<vmem>>[vector<16xi32>, vector<16xi32>], vector<16xf32>,
      %slice3A_1214 = vector.extract_strided_slice %get3A_512 {offsets = [0], sizes = [1], strides = [1]} : vector<16xi32> to vector<1xi32>
      %squeeze3A_1215 = vector.extract %slice3A_1214[0] : i32 from vector<1xi32>
      %jit3A_1216 = arith.constant 128 : i32
      %div3A_1217 = arith.divsi %squeeze3A_1215, %jit3A_1216 : i32
      %sign3A_1218 = arith.constant 0 : i32
      %sign3A_1219 = arith.cmpi sgt, %squeeze3A_1215, %sign3A_1218 : i32
      %sign3A_1220 = arith.extui %sign3A_1219 : i1 to i32
      %sign3A_1221 = arith.constant 0 : i32
      %sign3A_1222 = arith.cmpi slt, %squeeze3A_1215, %sign3A_1221 : i32
      %sign3A_1223 = arith.extui %sign3A_1222 : i1 to i32
      %sign3A_1224 = arith.subi %sign3A_1220, %sign3A_1223 : i32
      %sign3A_1225 = arith.constant 0 : i32
      %sign3A_1226 = arith.cmpi sgt, %jit3A_1216, %sign3A_1225 : i32
      %sign3A_1227 = arith.extui %sign3A_1226 : i1 to i32
      %sign3A_1228 = arith.constant 0 : i32
      %sign3A_1229 = arith.cmpi slt, %jit3A_1216, %sign3A_1228 : i32
      %sign3A_1230 = arith.extui %sign3A_1229 : i1 to i32
      %sign3A_1231 = arith.subi %sign3A_1227, %sign3A_1230 : i32
      %ne3A_1232 = arith.cmpi ne, %sign3A_1224, %sign3A_1231 : i32
      %rem3A_1233 = arith.remsi %squeeze3A_1215, %jit3A_1216 : i32
      %ne3A_1234 = arith.constant 0 : i32
      %ne3A_1235 = arith.cmpi ne, %rem3A_1233, %ne3A_1234 : i32
      %and3A_1236 = arith.andi %ne3A_1232, %ne3A_1235 : i1
      %sub3A_1237 = arith.constant 1 : i32
      %sub3A_1238 = arith.subi %div3A_1217, %sub3A_1237 : i32
      %select_n3A_1239 = arith.select %and3A_1236, %sub3A_1238, %div3A_1217 : i32
      %mul3A_1240 = arith.constant 128 : i32
      %mul3A_1241 = arith.muli %select_n3A_1239, %mul3A_1240 : i32
      %multiple_of3A_1242 = tpu.assume_multiple %mul3A_1241, 128 : i32
      %dma_start3A_1243 = arith.constant 0 : i32
      %dma_start3A_1244 = arith.constant 0 : i32
      %dma_start3A_1245 = arith.constant 0 : i32
      %dma_start3A_1246 = arith.constant 0 : i32
      %dma_start3A_1247 = tpu.memref_slice %arg6[%dma_start3A_1243, %dma_start3A_1245, %dma_start3A_1246] : memref<8x32x128xf32, #tpu.memory_space<vmem>> -> memref<1x32x128xf32, #tpu.memory_space<vmem>>
      %dma_start3A_1248 = tpu.memref_squeeze %dma_start3A_1247 : memref<1x32x128xf32, #tpu.memory_space<vmem>> -> memref<32x128xf32, #tpu.memory_space<vmem>>
      %dma_start3A_1249 = arith.constant 0 : i32
      %dma_start3A_1250 = tpu.memref_slice %arg2[%dma_start3A_1249, %multiple_of3A_1242] : memref<32x1000000xf32, #tpu.memory_space<hbm>> -> memref<32x128xf32, #tpu.memory_space<hbm>>
      %dma_start3A_1251 = tpu.memref_slice %arg8[%dma_start3A_1244] : memref<8x!tpu.dma_semaphore, #tpu.memory_space<semaphore_mem>> -> memref<1x!tpu.dma_semaphore, #tpu.memory_space<semaphore_mem>>
      %dma_start3A_1252 = tpu.memref_squeeze %dma_start3A_1251 : memref<1x!tpu.dma_semaphore, #tpu.memory_space<semaphore_mem>> -> memref<!tpu.dma_semaphore, #tpu.memory_space<semaphore_mem>>
      %dma_start3A_1253 = arith.constant 0 : i32
      %dma_start3A_1254 = arith.constant 0 : i32
      %dma_start3A_1255 = tpu.memref_slice %arg6[%dma_start3A_1243, %dma_start3A_1253, %dma_start3A_1254] : memref<8x32x128xf32, #tpu.memory_space<vmem>> -> memref<1x32x128xf32, #tpu.memory_space<vmem>>
      %dma_start3A_1256 = tpu.memref_squeeze %dma_start3A_1255 : memref<1x32x128xf32, #tpu.memory_space<vmem>> -> memref<32x128xf32, #tpu.memory_space<vmem>>
      %dma_start3A_1257 = arith.constant 0 : i32
      %dma_start3A_1258 = tpu.memref_slice %arg2[%dma_start3A_1257, %multiple_of3A_1242] : memref<32x1000000xf32, #tpu.memory_space<hbm>> -> memref<32x128xf32, #tpu.memory_space<hbm>>
      tpu.enqueue_dma source(%dma_start3A_1258 : memref<32x128xf32, #tpu.memory_space<hbm>>) target(%dma_start3A_1256 : memref<32x128xf32, #tpu.memory_space<vmem>>) target_semaphore(%dma_start3A_1252 : memref<!tpu.dma_semaphore, #tpu.memory_space<semaphore_mem>>)
      %mul3A_1259 = arith.constant 16 : i32
      %mul3A_1260 = arith.muli %scan3A_502, %mul3A_1259 : i32
      %add3A_1261 = arith.constant 9 : i32
      %add3A_1262 = arith.addi %mul3A_1260, %add3A_1261 : i32
      %dma_wait3A_1263 = arith.constant 1 : i32
      %dma_wait3A_1264 = arith.constant 1 : i32
      %dma_wait3A_1265 = arith.constant 0 : i32
      %dma_wait3A_1266 = arith.constant 0 : i32
      %dma_wait3A_1267 = tpu.memref_slice %arg6[%dma_wait3A_1263, %dma_wait3A_1265, %dma_wait3A_1266] : memref<8x32x128xf32, #tpu.memory_space<vmem>> -> memref<1x32x128xf32, #tpu.memory_space<vmem>>
      %dma_wait3A_1268 = tpu.memref_squeeze %dma_wait3A_1267 : memref<1x32x128xf32, #tpu.memory_space<vmem>> -> memref<32x128xf32, #tpu.memory_space<vmem>>
      %dma_wait3A_1269 = arith.constant 0 : i32
      %dma_wait3A_1270 = arith.constant 0 : i32
      %dma_wait3A_1271 = tpu.memref_slice %arg2[%dma_wait3A_1269, %dma_wait3A_1270] : memref<32x1000000xf32, #tpu.memory_space<hbm>> -> memref<32x128xf32, #tpu.memory_space<hbm>>
      %dma_wait3A_1272 = tpu.memref_slice %arg8[%dma_wait3A_1264] : memref<8x!tpu.dma_semaphore, #tpu.memory_space<semaphore_mem>> -> memref<1x!tpu.dma_semaphore, #tpu.memory_space<semaphore_mem>>
      %dma_wait3A_1273 = tpu.memref_squeeze %dma_wait3A_1272 : memref<1x!tpu.dma_semaphore, #tpu.memory_space<semaphore_mem>> -> memref<!tpu.dma_semaphore, #tpu.memory_space<semaphore_mem>>
      %dma_wait3A_1274 = arith.constant 0 : i32
      %dma_wait3A_1275 = arith.constant 0 : i32
      %dma_wait3A_1276 = tpu.memref_slice %arg6[%dma_wait3A_1263, %dma_wait3A_1274, %dma_wait3A_1275] : memref<8x32x128xf32, #tpu.memory_space<vmem>> -> memref<1x32x128xf32, #tpu.memory_space<vmem>>
      %dma_wait3A_1277 = tpu.memref_squeeze %dma_wait3A_1276 : memref<1x32x128xf32, #tpu.memory_space<vmem>> -> memref<32x128xf32, #tpu.memory_space<vmem>>
      %dma_wait3A_1278 = arith.constant 0 : i32
      %dma_wait3A_1279 = arith.constant 0 : i32
      %dma_wait3A_1280 = tpu.memref_slice %arg2[%dma_wait3A_1278, %dma_wait3A_1279] : memref<32x1000000xf32, #tpu.memory_space<hbm>> -> memref<32x128xf32, #tpu.memory_space<hbm>>
      tpu.wait_dma2 semaphore(%dma_wait3A_1273 : memref<!tpu.dma_semaphore, #tpu.memory_space<semaphore_mem>>) src(%dma_wait3A_1280 : memref<32x128xf32, #tpu.memory_space<hbm>>) dst(%dma_wait3A_1277 : memref<32x128xf32, #tpu.memory_space<vmem>>)
      %slice3A_1281 = vector.extract_strided_slice %get3A_506 {offsets = [9], sizes = [1], strides = [1]} : vector<16xi32> to vector<1xi32>
      %squeeze3A_1282 = vector.extract %slice3A_1281[0] : i32 from vector<1xi32>
      %rem3A_1283 = arith.constant 128 : i32
      %rem3A_1284 = arith.remsi %squeeze3A_1282, %rem3A_1283 : i32
      %broadcast_in_dim3A_1285 = vector.broadcast %rem3A_1284 : i32 to vector<16xi32>
      %broadcast_in_dim3A_1286 = arith.constant 1 : i32
      %broadcast_in_dim3A_1287 = vector.broadcast %broadcast_in_dim3A_1286 : i32 to vector<16xi32>
      %broadcast_in_dim3A_1288 = vector.broadcast %add3A_1262 : i32 to vector<16xi32>
      %gather3A_1289 = tpu.vector_load_idx %arg6[%broadcast_in_dim3A_1287, %iota3A, %broadcast_in_dim3A_1285] : memref<8x32x128xf32, #tpu.memory_space<vmem>>[vector<16xi32>, vector<16xi32>, vector<16xi32>], vector<16xf32>,
      %add3A_1290 = arith.constant 16 : i32
      %add3A_1291 = vector.broadcast %add3A_1290 : i32 to vector<16xi32>
      %add3A_1292 = arith.addi %iota3A, %add3A_1291 : vector<16xi32>
      %gather3A_1293 = tpu.vector_load_idx %arg6[%broadcast_in_dim3A_1287, %add3A_1292, %broadcast_in_dim3A_1285] : memref<8x32x128xf32, #tpu.memory_space<vmem>>[vector<16xi32>, vector<16xi32>, vector<16xi32>], vector<16xf32>,
      tpu.vector_store_idx %arg7[%iota3A, %broadcast_in_dim3A_1288], %gather3A_1289 : memref<32x512xf32, #tpu.memory_space<vmem>>[vector<16xi32>, vector<16xi32>], vector<16xf32>,
      %add3A_1294 = arith.constant 16 : i32
      %add3A_1295 = vector.broadcast %add3A_1294 : i32 to vector<16xi32>
      %add3A_1296 = arith.addi %iota3A, %add3A_1295 : vector<16xi32>
      tpu.vector_store_idx %arg7[%add3A_1296, %broadcast_in_dim3A_1288], %gather3A_1293 : memref<32x512xf32, #tpu.memory_space<vmem>>[vector<16xi32>, vector<16xi32>], vector<16xf32>,
      %slice3A_1297 = vector.extract_strided_slice %get3A_512 {offsets = [1], sizes = [1], strides = [1]} : vector<16xi32> to vector<1xi32>
      %squeeze3A_1298 = vector.extract %slice3A_1297[0] : i32 from vector<1xi32>
      %jit3A_1299 = arith.constant 128 : i32
      %div3A_1300 = arith.divsi %squeeze3A_1298, %jit3A_1299 : i32
      %sign3A_1301 = arith.constant 0 : i32
      %sign3A_1302 = arith.cmpi sgt, %squeeze3A_1298, %sign3A_1301 : i32
      %sign3A_1303 = arith.extui %sign3A_1302 : i1 to i32
      %sign3A_1304 = arith.constant 0 : i32
      %sign3A_1305 = arith.cmpi slt, %squeeze3A_1298, %sign3A_1304 : i32
      %sign3A_1306 = arith.extui %sign3A_1305 : i1 to i32
      %sign3A_1307 = arith.subi %sign3A_1303, %sign3A_1306 : i32
      %sign3A_1308 = arith.constant 0 : i32
      %sign3A_1309 = arith.cmpi sgt, %jit3A_1299, %sign3A_1308 : i32
      %sign3A_1310 = arith.extui %sign3A_1309 : i1 to i32
      %sign3A_1311 = arith.constant 0 : i32
      %sign3A_1312 = arith.cmpi slt, %jit3A_1299, %sign3A_1311 : i32
      %sign3A_1313 = arith.extui %sign3A_1312 : i1 to i32
      %sign3A_1314 = arith.subi %sign3A_1310, %sign3A_1313 : i32
      %ne3A_1315 = arith.cmpi ne, %sign3A_1307, %sign3A_1314 : i32
      %rem3A_1316 = arith.remsi %squeeze3A_1298, %jit3A_1299 : i32
      %ne3A_1317 = arith.constant 0 : i32
      %ne3A_1318 = arith.cmpi ne, %rem3A_1316, %ne3A_1317 : i32
      %and3A_1319 = arith.andi %ne3A_1315, %ne3A_1318 : i1
      %sub3A_1320 = arith.constant 1 : i32
      %sub3A_1321 = arith.subi %div3A_1300, %sub3A_1320 : i32
      %select_n3A_1322 = arith.select %and3A_1319, %sub3A_1321, %div3A_1300 : i32
      %mul3A_1323 = arith.constant 128 : i32
      %mul3A_1324 = arith.muli %select_n3A_1322, %mul3A_1323 : i32
      %multiple_of3A_1325 = tpu.assume_multiple %mul3A_1324, 128 : i32
      %dma_start3A_1326 = arith.constant 1 : i32
      %dma_start3A_1327 = arith.constant 1 : i32
      %dma_start3A_1328 = arith.constant 0 : i32
      %dma_start3A_1329 = arith.constant 0 : i32
      %dma_start3A_1330 = tpu.memref_slice %arg6[%dma_start3A_1326, %dma_start3A_1328, %dma_start3A_1329] : memref<8x32x128xf32, #tpu.memory_space<vmem>> -> memref<1x32x128xf32, #tpu.memory_space<vmem>>
      %dma_start3A_1331 = tpu.memref_squeeze %dma_start3A_1330 : memref<1x32x128xf32, #tpu.memory_space<vmem>> -> memref<32x128xf32, #tpu.memory_space<vmem>>
      %dma_start3A_1332 = arith.constant 0 : i32
      %dma_start3A_1333 = tpu.memref_slice %arg2[%dma_start3A_1332, %multiple_of3A_1325] : memref<32x1000000xf32, #tpu.memory_space<hbm>> -> memref<32x128xf32, #tpu.memory_space<hbm>>
      %dma_start3A_1334 = tpu.memref_slice %arg8[%dma_start3A_1327] : memref<8x!tpu.dma_semaphore, #tpu.memory_space<semaphore_mem>> -> memref<1x!tpu.dma_semaphore, #tpu.memory_space<semaphore_mem>>
      %dma_start3A_1335 = tpu.memref_squeeze %dma_start3A_1334 : memref<1x!tpu.dma_semaphore, #tpu.memory_space<semaphore_mem>> -> memref<!tpu.dma_semaphore, #tpu.memory_space<semaphore_mem>>
      %dma_start3A_1336 = arith.constant 0 : i32
      %dma_start3A_1337 = arith.constant 0 : i32
      %dma_start3A_1338 = tpu.memref_slice %arg6[%dma_start3A_1326, %dma_start3A_1336, %dma_start3A_1337] : memref<8x32x128xf32, #tpu.memory_space<vmem>> -> memref<1x32x128xf32, #tpu.memory_space<vmem>>
      %dma_start3A_1339 = tpu.memref_squeeze %dma_start3A_1338 : memref<1x32x128xf32, #tpu.memory_space<vmem>> -> memref<32x128xf32, #tpu.memory_space<vmem>>
      %dma_start3A_1340 = arith.constant 0 : i32
      %dma_start3A_1341 = tpu.memref_slice %arg2[%dma_start3A_1340, %multiple_of3A_1325] : memref<32x1000000xf32, #tpu.memory_space<hbm>> -> memref<32x128xf32, #tpu.memory_space<hbm>>
      tpu.enqueue_dma source(%dma_start3A_1341 : memref<32x128xf32, #tpu.memory_space<hbm>>) target(%dma_start3A_1339 : memref<32x128xf32, #tpu.memory_space<vmem>>) target_semaphore(%dma_start3A_1335 : memref<!tpu.dma_semaphore, #tpu.memory_space<semaphore_mem>>)
      %mul3A_1342 = arith.constant 16 : i32
      %mul3A_1343 = arith.muli %scan3A_502, %mul3A_1342 : i32
      %add3A_1344 = arith.constant 10 : i32
      %add3A_1345 = arith.addi %mul3A_1343, %add3A_1344 : i32
      %dma_wait3A_1346 = arith.constant 2 : i32
      %dma_wait3A_1347 = arith.constant 2 : i32
      %dma_wait3A_1348 = arith.constant 0 : i32
      %dma_wait3A_1349 = arith.constant 0 : i32
      %dma_wait3A_1350 = tpu.memref_slice %arg6[%dma_wait3A_1346, %dma_wait3A_1348, %dma_wait3A_1349] : memref<8x32x128xf32, #tpu.memory_space<vmem>> -> memref<1x32x128xf32, #tpu.memory_space<vmem>>
      %dma_wait3A_1351 = tpu.memref_squeeze %dma_wait3A_1350 : memref<1x32x128xf32, #tpu.memory_space<vmem>> -> memref<32x128xf32, #tpu.memory_space<vmem>>
      %dma_wait3A_1352 = arith.constant 0 : i32
      %dma_wait3A_1353 = arith.constant 0 : i32
      %dma_wait3A_1354 = tpu.memref_slice %arg2[%dma_wait3A_1352, %dma_wait3A_1353] : memref<32x1000000xf32, #tpu.memory_space<hbm>> -> memref<32x128xf32, #tpu.memory_space<hbm>>
      %dma_wait3A_1355 = tpu.memref_slice %arg8[%dma_wait3A_1347] : memref<8x!tpu.dma_semaphore, #tpu.memory_space<semaphore_mem>> -> memref<1x!tpu.dma_semaphore, #tpu.memory_space<semaphore_mem>>
      %dma_wait3A_1356 = tpu.memref_squeeze %dma_wait3A_1355 : memref<1x!tpu.dma_semaphore, #tpu.memory_space<semaphore_mem>> -> memref<!tpu.dma_semaphore, #tpu.memory_space<semaphore_mem>>
      %dma_wait3A_1357 = arith.constant 0 : i32
      %dma_wait3A_1358 = arith.constant 0 : i32
      %dma_wait3A_1359 = tpu.memref_slice %arg6[%dma_wait3A_1346, %dma_wait3A_1357, %dma_wait3A_1358] : memref<8x32x128xf32, #tpu.memory_space<vmem>> -> memref<1x32x128xf32, #tpu.memory_space<vmem>>
      %dma_wait3A_1360 = tpu.memref_squeeze %dma_wait3A_1359 : memref<1x32x128xf32, #tpu.memory_space<vmem>> -> memref<32x128xf32, #tpu.memory_space<vmem>>
      %dma_wait3A_1361 = arith.constant 0 : i32
      %dma_wait3A_1362 = arith.constant 0 : i32
      %dma_wait3A_1363 = tpu.memref_slice %arg2[%dma_wait3A_1361, %dma_wait3A_1362] : memref<32x1000000xf32, #tpu.memory_space<hbm>> -> memref<32x128xf32, #tpu.memory_space<hbm>>
      tpu.wait_dma2 semaphore(%dma_wait3A_1356 : memref<!tpu.dma_semaphore, #tpu.memory_space<semaphore_mem>>) src(%dma_wait3A_1363 : memref<32x128xf32, #tpu.memory_space<hbm>>) dst(%dma_wait3A_1360 : memref<32x128xf32, #tpu.memory_space<vmem>>)
      %slice3A_1364 = vector.extract_strided_slice %get3A_506 {offsets = [10], sizes = [1], strides = [1]} : vector<16xi32> to vector<1xi32>
      %squeeze3A_1365 = vector.extract %slice3A_1364[0] : i32 from vector<1xi32>
      %rem3A_1366 = arith.constant 128 : i32
      %rem3A_1367 = arith.remsi %squeeze3A_1365, %rem3A_1366 : i32
      %broadcast_in_dim3A_1368 = vector.broadcast %rem3A_1367 : i32 to vector<16xi32>
      %broadcast_in_dim3A_1369 = arith.constant 2 : i32
      %broadcast_in_dim3A_1370 = vector.broadcast %broadcast_in_dim3A_1369 : i32 to vector<16xi32>
      %broadcast_in_dim3A_1371 = vector.broadcast %add3A_1345 : i32 to vector<16xi32>
      %gather3A_1372 = tpu.vector_load_idx %arg6[%broadcast_in_dim3A_1370, %iota3A, %broadcast_in_dim3A_1368] : memref<8x32x128xf32, #tpu.memory_space<vmem>>[vector<16xi32>, vector<16xi32>, vector<16xi32>], vector<16xf32>,
      %add3A_1373 = arith.constant 16 : i32
      %add3A_1374 = vector.broadcast %add3A_1373 : i32 to vector<16xi32>
      %add3A_1375 = arith.addi %iota3A, %add3A_1374 : vector<16xi32>
      %gather3A_1376 = tpu.vector_load_idx %arg6[%broadcast_in_dim3A_1370, %add3A_1375, %broadcast_in_dim3A_1368] : memref<8x32x128xf32, #tpu.memory_space<vmem>>[vector<16xi32>, vector<16xi32>, vector<16xi32>], vector<16xf32>,
      tpu.vector_store_idx %arg7[%iota3A, %broadcast_in_dim3A_1371], %gather3A_1372 : memref<32x512xf32, #tpu.memory_space<vmem>>[vector<16xi32>, vector<16xi32>], vector<16xf32>,
      %add3A_1377 = arith.constant 16 : i32
      %add3A_1378 = vector.broadcast %add3A_1377 : i32 to vector<16xi32>
      %add3A_1379 = arith.addi %iota3A, %add3A_1378 : vector<16xi32>
      tpu.vector_store_idx %arg7[%add3A_1379, %broadcast_in_dim3A_1371], %gather3A_1376 : memref<32x512xf32, #tpu.memory_space<vmem>>[vector<16xi32>, vector<16xi32>], vector<16xf32>,
      %slice3A_1380 = vector.extract_strided_slice %get3A_512 {offsets = [2], sizes = [1], strides = [1]} : vector<16xi32> to vector<1xi32>
      %squeeze3A_1381 = vector.extract %slice3A_1380[0] : i32 from vector<1xi32>
      %jit3A_1382 = arith.constant 128 : i32
      %div3A_1383 = arith.divsi %squeeze3A_1381, %jit3A_1382 : i32
      %sign3A_1384 = arith.constant 0 : i32
      %sign3A_1385 = arith.cmpi sgt, %squeeze3A_1381, %sign3A_1384 : i32
      %sign3A_1386 = arith.extui %sign3A_1385 : i1 to i32
      %sign3A_1387 = arith.constant 0 : i32
      %sign3A_1388 = arith.cmpi slt, %squeeze3A_1381, %sign3A_1387 : i32
      %sign3A_1389 = arith.extui %sign3A_1388 : i1 to i32
      %sign3A_1390 = arith.subi %sign3A_1386, %sign3A_1389 : i32
      %sign3A_1391 = arith.constant 0 : i32
      %sign3A_1392 = arith.cmpi sgt, %jit3A_1382, %sign3A_1391 : i32
      %sign3A_1393 = arith.extui %sign3A_1392 : i1 to i32
      %sign3A_1394 = arith.constant 0 : i32
      %sign3A_1395 = arith.cmpi slt, %jit3A_1382, %sign3A_1394 : i32
      %sign3A_1396 = arith.extui %sign3A_1395 : i1 to i32
      %sign3A_1397 = arith.subi %sign3A_1393, %sign3A_1396 : i32
      %ne3A_1398 = arith.cmpi ne, %sign3A_1390, %sign3A_1397 : i32
      %rem3A_1399 = arith.remsi %squeeze3A_1381, %jit3A_1382 : i32
      %ne3A_1400 = arith.constant 0 : i32
      %ne3A_1401 = arith.cmpi ne, %rem3A_1399, %ne3A_1400 : i32
      %and3A_1402 = arith.andi %ne3A_1398, %ne3A_1401 : i1
      %sub3A_1403 = arith.constant 1 : i32
      %sub3A_1404 = arith.subi %div3A_1383, %sub3A_1403 : i32
      %select_n3A_1405 = arith.select %and3A_1402, %sub3A_1404, %div3A_1383 : i32
      %mul3A_1406 = arith.constant 128 : i32
      %mul3A_1407 = arith.muli %select_n3A_1405, %mul3A_1406 : i32
      %multiple_of3A_1408 = tpu.assume_multiple %mul3A_1407, 128 : i32
      %dma_start3A_1409 = arith.constant 2 : i32
      %dma_start3A_1410 = arith.constant 2 : i32
      %dma_start3A_1411 = arith.constant 0 : i32
      %dma_start3A_1412 = arith.constant 0 : i32
      %dma_start3A_1413 = tpu.memref_slice %arg6[%dma_start3A_1409, %dma_start3A_1411, %dma_start3A_1412] : memref<8x32x128xf32, #tpu.memory_space<vmem>> -> memref<1x32x128xf32, #tpu.memory_space<vmem>>
      %dma_start3A_1414 = tpu.memref_squeeze %dma_start3A_1413 : memref<1x32x128xf32, #tpu.memory_space<vmem>> -> memref<32x128xf32, #tpu.memory_space<vmem>>
      %dma_start3A_1415 = arith.constant 0 : i32
      %dma_start3A_1416 = tpu.memref_slice %arg2[%dma_start3A_1415, %multiple_of3A_1408] : memref<32x1000000xf32, #tpu.memory_space<hbm>> -> memref<32x128xf32, #tpu.memory_space<hbm>>
      %dma_start3A_1417 = tpu.memref_slice %arg8[%dma_start3A_1410] : memref<8x!tpu.dma_semaphore, #tpu.memory_space<semaphore_mem>> -> memref<1x!tpu.dma_semaphore, #tpu.memory_space<semaphore_mem>>
      %dma_start3A_1418 = tpu.memref_squeeze %dma_start3A_1417 : memref<1x!tpu.dma_semaphore, #tpu.memory_space<semaphore_mem>> -> memref<!tpu.dma_semaphore, #tpu.memory_space<semaphore_mem>>
      %dma_start3A_1419 = arith.constant 0 : i32
      %dma_start3A_1420 = arith.constant 0 : i32
      %dma_start3A_1421 = tpu.memref_slice %arg6[%dma_start3A_1409, %dma_start3A_1419, %dma_start3A_1420] : memref<8x32x128xf32, #tpu.memory_space<vmem>> -> memref<1x32x128xf32, #tpu.memory_space<vmem>>
      %dma_start3A_1422 = tpu.memref_squeeze %dma_start3A_1421 : memref<1x32x128xf32, #tpu.memory_space<vmem>> -> memref<32x128xf32, #tpu.memory_space<vmem>>
      %dma_start3A_1423 = arith.constant 0 : i32
      %dma_start3A_1424 = tpu.memref_slice %arg2[%dma_start3A_1423, %multiple_of3A_1408] : memref<32x1000000xf32, #tpu.memory_space<hbm>> -> memref<32x128xf32, #tpu.memory_space<hbm>>
      tpu.enqueue_dma source(%dma_start3A_1424 : memref<32x128xf32, #tpu.memory_space<hbm>>) target(%dma_start3A_1422 : memref<32x128xf32, #tpu.memory_space<vmem>>) target_semaphore(%dma_start3A_1418 : memref<!tpu.dma_semaphore, #tpu.memory_space<semaphore_mem>>)
      %mul3A_1425 = arith.constant 16 : i32
      %mul3A_1426 = arith.muli %scan3A_502, %mul3A_1425 : i32
      %add3A_1427 = arith.constant 11 : i32
      %add3A_1428 = arith.addi %mul3A_1426, %add3A_1427 : i32
      %dma_wait3A_1429 = arith.constant 3 : i32
      %dma_wait3A_1430 = arith.constant 3 : i32
      %dma_wait3A_1431 = arith.constant 0 : i32
      %dma_wait3A_1432 = arith.constant 0 : i32
      %dma_wait3A_1433 = tpu.memref_slice %arg6[%dma_wait3A_1429, %dma_wait3A_1431, %dma_wait3A_1432] : memref<8x32x128xf32, #tpu.memory_space<vmem>> -> memref<1x32x128xf32, #tpu.memory_space<vmem>>
      %dma_wait3A_1434 = tpu.memref_squeeze %dma_wait3A_1433 : memref<1x32x128xf32, #tpu.memory_space<vmem>> -> memref<32x128xf32, #tpu.memory_space<vmem>>
      %dma_wait3A_1435 = arith.constant 0 : i32
      %dma_wait3A_1436 = arith.constant 0 : i32
      %dma_wait3A_1437 = tpu.memref_slice %arg2[%dma_wait3A_1435, %dma_wait3A_1436] : memref<32x1000000xf32, #tpu.memory_space<hbm>> -> memref<32x128xf32, #tpu.memory_space<hbm>>
      %dma_wait3A_1438 = tpu.memref_slice %arg8[%dma_wait3A_1430] : memref<8x!tpu.dma_semaphore, #tpu.memory_space<semaphore_mem>> -> memref<1x!tpu.dma_semaphore, #tpu.memory_space<semaphore_mem>>
      %dma_wait3A_1439 = tpu.memref_squeeze %dma_wait3A_1438 : memref<1x!tpu.dma_semaphore, #tpu.memory_space<semaphore_mem>> -> memref<!tpu.dma_semaphore, #tpu.memory_space<semaphore_mem>>
      %dma_wait3A_1440 = arith.constant 0 : i32
      %dma_wait3A_1441 = arith.constant 0 : i32
      %dma_wait3A_1442 = tpu.memref_slice %arg6[%dma_wait3A_1429, %dma_wait3A_1440, %dma_wait3A_1441] : memref<8x32x128xf32, #tpu.memory_space<vmem>> -> memref<1x32x128xf32, #tpu.memory_space<vmem>>
      %dma_wait3A_1443 = tpu.memref_squeeze %dma_wait3A_1442 : memref<1x32x128xf32, #tpu.memory_space<vmem>> -> memref<32x128xf32, #tpu.memory_space<vmem>>
      %dma_wait3A_1444 = arith.constant 0 : i32
      %dma_wait3A_1445 = arith.constant 0 : i32
      %dma_wait3A_1446 = tpu.memref_slice %arg2[%dma_wait3A_1444, %dma_wait3A_1445] : memref<32x1000000xf32, #tpu.memory_space<hbm>> -> memref<32x128xf32, #tpu.memory_space<hbm>>
      tpu.wait_dma2 semaphore(%dma_wait3A_1439 : memref<!tpu.dma_semaphore, #tpu.memory_space<semaphore_mem>>) src(%dma_wait3A_1446 : memref<32x128xf32, #tpu.memory_space<hbm>>) dst(%dma_wait3A_1443 : memref<32x128xf32, #tpu.memory_space<vmem>>)
      %slice3A_1447 = vector.extract_strided_slice %get3A_506 {offsets = [11], sizes = [1], strides = [1]} : vector<16xi32> to vector<1xi32>
      %squeeze3A_1448 = vector.extract %slice3A_1447[0] : i32 from vector<1xi32>
      %rem3A_1449 = arith.constant 128 : i32
      %rem3A_1450 = arith.remsi %squeeze3A_1448, %rem3A_1449 : i32
      %broadcast_in_dim3A_1451 = vector.broadcast %rem3A_1450 : i32 to vector<16xi32>
      %broadcast_in_dim3A_1452 = arith.constant 3 : i32
      %broadcast_in_dim3A_1453 = vector.broadcast %broadcast_in_dim3A_1452 : i32 to vector<16xi32>
      %broadcast_in_dim3A_1454 = vector.broadcast %add3A_1428 : i32 to vector<16xi32>
      %gather3A_1455 = tpu.vector_load_idx %arg6[%broadcast_in_dim3A_1453, %iota3A, %broadcast_in_dim3A_1451] : memref<8x32x128xf32, #tpu.memory_space<vmem>>[vector<16xi32>, vector<16xi32>, vector<16xi32>], vector<16xf32>,
      %add3A_1456 = arith.constant 16 : i32
      %add3A_1457 = vector.broadcast %add3A_1456 : i32 to vector<16xi32>
      %add3A_1458 = arith.addi %iota3A, %add3A_1457 : vector<16xi32>
      %gather3A_1459 = tpu.vector_load_idx %arg6[%broadcast_in_dim3A_1453, %add3A_1458, %broadcast_in_dim3A_1451] : memref<8x32x128xf32, #tpu.memory_space<vmem>>[vector<16xi32>, vector<16xi32>, vector<16xi32>], vector<16xf32>,
      tpu.vector_store_idx %arg7[%iota3A, %broadcast_in_dim3A_1454], %gather3A_1455 : memref<32x512xf32, #tpu.memory_space<vmem>>[vector<16xi32>, vector<16xi32>], vector<16xf32>,
      %add3A_1460 = arith.constant 16 : i32
      %add3A_1461 = vector.broadcast %add3A_1460 : i32 to vector<16xi32>
      %add3A_1462 = arith.addi %iota3A, %add3A_1461 : vector<16xi32>
      tpu.vector_store_idx %arg7[%add3A_1462, %broadcast_in_dim3A_1454], %gather3A_1459 : memref<32x512xf32, #tpu.memory_space<vmem>>[vector<16xi32>, vector<16xi32>], vector<16xf32>,
      %slice3A_1463 = vector.extract_strided_slice %get3A_512 {offsets = [3], sizes = [1], strides = [1]} : vector<16xi32> to vector<1xi32>
      %squeeze3A_1464 = vector.extract %slice3A_1463[0] : i32 from vector<1xi32>
      %jit3A_1465 = arith.constant 128 : i32
      %div3A_1466 = arith.divsi %squeeze3A_1464, %jit3A_1465 : i32
      %sign3A_1467 = arith.constant 0 : i32
      %sign3A_1468 = arith.cmpi sgt, %squeeze3A_1464, %sign3A_1467 : i32
      %sign3A_1469 = arith.extui %sign3A_1468 : i1 to i32
      %sign3A_1470 = arith.constant 0 : i32
      %sign3A_1471 = arith.cmpi slt, %squeeze3A_1464, %sign3A_1470 : i32
      %sign3A_1472 = arith.extui %sign3A_1471 : i1 to i32
      %sign3A_1473 = arith.subi %sign3A_1469, %sign3A_1472 : i32
      %sign3A_1474 = arith.constant 0 : i32
      %sign3A_1475 = arith.cmpi sgt, %jit3A_1465, %sign3A_1474 : i32
      %sign3A_1476 = arith.extui %sign3A_1475 : i1 to i32
      %sign3A_1477 = arith.constant 0 : i32
      %sign3A_1478 = arith.cmpi slt, %jit3A_1465, %sign3A_1477 : i32
      %sign3A_1479 = arith.extui %sign3A_1478 : i1 to i32
      %sign3A_1480 = arith.subi %sign3A_1476, %sign3A_1479 : i32
      %ne3A_1481 = arith.cmpi ne, %sign3A_1473, %sign3A_1480 : i32
      %rem3A_1482 = arith.remsi %squeeze3A_1464, %jit3A_1465 : i32
      %ne3A_1483 = arith.constant 0 : i32
      %ne3A_1484 = arith.cmpi ne, %rem3A_1482, %ne3A_1483 : i32
      %and3A_1485 = arith.andi %ne3A_1481, %ne3A_1484 : i1
      %sub3A_1486 = arith.constant 1 : i32
      %sub3A_1487 = arith.subi %div3A_1466, %sub3A_1486 : i32
      %select_n3A_1488 = arith.select %and3A_1485, %sub3A_1487, %div3A_1466 : i32
      %mul3A_1489 = arith.constant 128 : i32
      %mul3A_1490 = arith.muli %select_n3A_1488, %mul3A_1489 : i32
      %multiple_of3A_1491 = tpu.assume_multiple %mul3A_1490, 128 : i32
      %dma_start3A_1492 = arith.constant 3 : i32
      %dma_start3A_1493 = arith.constant 3 : i32
      %dma_start3A_1494 = arith.constant 0 : i32
      %dma_start3A_1495 = arith.constant 0 : i32
      %dma_start3A_1496 = tpu.memref_slice %arg6[%dma_start3A_1492, %dma_start3A_1494, %dma_start3A_1495] : memref<8x32x128xf32, #tpu.memory_space<vmem>> -> memref<1x32x128xf32, #tpu.memory_space<vmem>>
      %dma_start3A_1497 = tpu.memref_squeeze %dma_start3A_1496 : memref<1x32x128xf32, #tpu.memory_space<vmem>> -> memref<32x128xf32, #tpu.memory_space<vmem>>
      %dma_start3A_1498 = arith.constant 0 : i32
      %dma_start3A_1499 = tpu.memref_slice %arg2[%dma_start3A_1498, %multiple_of3A_1491] : memref<32x1000000xf32, #tpu.memory_space<hbm>> -> memref<32x128xf32, #tpu.memory_space<hbm>>
      %dma_start3A_1500 = tpu.memref_slice %arg8[%dma_start3A_1493] : memref<8x!tpu.dma_semaphore, #tpu.memory_space<semaphore_mem>> -> memref<1x!tpu.dma_semaphore, #tpu.memory_space<semaphore_mem>>
      %dma_start3A_1501 = tpu.memref_squeeze %dma_start3A_1500 : memref<1x!tpu.dma_semaphore, #tpu.memory_space<semaphore_mem>> -> memref<!tpu.dma_semaphore, #tpu.memory_space<semaphore_mem>>
      %dma_start3A_1502 = arith.constant 0 : i32
      %dma_start3A_1503 = arith.constant 0 : i32
      %dma_start3A_1504 = tpu.memref_slice %arg6[%dma_start3A_1492, %dma_start3A_1502, %dma_start3A_1503] : memref<8x32x128xf32, #tpu.memory_space<vmem>> -> memref<1x32x128xf32, #tpu.memory_space<vmem>>
      %dma_start3A_1505 = tpu.memref_squeeze %dma_start3A_1504 : memref<1x32x128xf32, #tpu.memory_space<vmem>> -> memref<32x128xf32, #tpu.memory_space<vmem>>
      %dma_start3A_1506 = arith.constant 0 : i32
      %dma_start3A_1507 = tpu.memref_slice %arg2[%dma_start3A_1506, %multiple_of3A_1491] : memref<32x1000000xf32, #tpu.memory_space<hbm>> -> memref<32x128xf32, #tpu.memory_space<hbm>>
      tpu.enqueue_dma source(%dma_start3A_1507 : memref<32x128xf32, #tpu.memory_space<hbm>>) target(%dma_start3A_1505 : memref<32x128xf32, #tpu.memory_space<vmem>>) target_semaphore(%dma_start3A_1501 : memref<!tpu.dma_semaphore, #tpu.memory_space<semaphore_mem>>)
      %mul3A_1508 = arith.constant 16 : i32
      %mul3A_1509 = arith.muli %scan3A_502, %mul3A_1508 : i32
      %add3A_1510 = arith.constant 12 : i32
      %add3A_1511 = arith.addi %mul3A_1509, %add3A_1510 : i32
      %dma_wait3A_1512 = arith.constant 4 : i32
      %dma_wait3A_1513 = arith.constant 4 : i32
      %dma_wait3A_1514 = arith.constant 0 : i32
      %dma_wait3A_1515 = arith.constant 0 : i32
      %dma_wait3A_1516 = tpu.memref_slice %arg6[%dma_wait3A_1512, %dma_wait3A_1514, %dma_wait3A_1515] : memref<8x32x128xf32, #tpu.memory_space<vmem>> -> memref<1x32x128xf32, #tpu.memory_space<vmem>>
      %dma_wait3A_1517 = tpu.memref_squeeze %dma_wait3A_1516 : memref<1x32x128xf32, #tpu.memory_space<vmem>> -> memref<32x128xf32, #tpu.memory_space<vmem>>
      %dma_wait3A_1518 = arith.constant 0 : i32
      %dma_wait3A_1519 = arith.constant 0 : i32
      %dma_wait3A_1520 = tpu.memref_slice %arg2[%dma_wait3A_1518, %dma_wait3A_1519] : memref<32x1000000xf32, #tpu.memory_space<hbm>> -> memref<32x128xf32, #tpu.memory_space<hbm>>
      %dma_wait3A_1521 = tpu.memref_slice %arg8[%dma_wait3A_1513] : memref<8x!tpu.dma_semaphore, #tpu.memory_space<semaphore_mem>> -> memref<1x!tpu.dma_semaphore, #tpu.memory_space<semaphore_mem>>
      %dma_wait3A_1522 = tpu.memref_squeeze %dma_wait3A_1521 : memref<1x!tpu.dma_semaphore, #tpu.memory_space<semaphore_mem>> -> memref<!tpu.dma_semaphore, #tpu.memory_space<semaphore_mem>>
      %dma_wait3A_1523 = arith.constant 0 : i32
      %dma_wait3A_1524 = arith.constant 0 : i32
      %dma_wait3A_1525 = tpu.memref_slice %arg6[%dma_wait3A_1512, %dma_wait3A_1523, %dma_wait3A_1524] : memref<8x32x128xf32, #tpu.memory_space<vmem>> -> memref<1x32x128xf32, #tpu.memory_space<vmem>>
      %dma_wait3A_1526 = tpu.memref_squeeze %dma_wait3A_1525 : memref<1x32x128xf32, #tpu.memory_space<vmem>> -> memref<32x128xf32, #tpu.memory_space<vmem>>
      %dma_wait3A_1527 = arith.constant 0 : i32
      %dma_wait3A_1528 = arith.constant 0 : i32
      %dma_wait3A_1529 = tpu.memref_slice %arg2[%dma_wait3A_1527, %dma_wait3A_1528] : memref<32x1000000xf32, #tpu.memory_space<hbm>> -> memref<32x128xf32, #tpu.memory_space<hbm>>
      tpu.wait_dma2 semaphore(%dma_wait3A_1522 : memref<!tpu.dma_semaphore, #tpu.memory_space<semaphore_mem>>) src(%dma_wait3A_1529 : memref<32x128xf32, #tpu.memory_space<hbm>>) dst(%dma_wait3A_1526 : memref<32x128xf32, #tpu.memory_space<vmem>>)
      %slice3A_1530 = vector.extract_strided_slice %get3A_506 {offsets = [12], sizes = [1], strides = [1]} : vector<16xi32> to vector<1xi32>
      %squeeze3A_1531 = vector.extract %slice3A_1530[0] : i32 from vector<1xi32>
      %rem3A_1532 = arith.constant 128 : i32
      %rem3A_1533 = arith.remsi %squeeze3A_1531, %rem3A_1532 : i32
      %broadcast_in_dim3A_1534 = vector.broadcast %rem3A_1533 : i32 to vector<16xi32>
      %broadcast_in_dim3A_1535 = arith.constant 4 : i32
      %broadcast_in_dim3A_1536 = vector.broadcast %broadcast_in_dim3A_1535 : i32 to vector<16xi32>
      %broadcast_in_dim3A_1537 = vector.broadcast %add3A_1511 : i32 to vector<16xi32>
      %gather3A_1538 = tpu.vector_load_idx %arg6[%broadcast_in_dim3A_1536, %iota3A, %broadcast_in_dim3A_1534] : memref<8x32x128xf32, #tpu.memory_space<vmem>>[vector<16xi32>, vector<16xi32>, vector<16xi32>], vector<16xf32>,
      %add3A_1539 = arith.constant 16 : i32
      %add3A_1540 = vector.broadcast %add3A_1539 : i32 to vector<16xi32>
      %add3A_1541 = arith.addi %iota3A, %add3A_1540 : vector<16xi32>
      %gather3A_1542 = tpu.vector_load_idx %arg6[%broadcast_in_dim3A_1536, %add3A_1541, %broadcast_in_dim3A_1534] : memref<8x32x128xf32, #tpu.memory_space<vmem>>[vector<16xi32>, vector<16xi32>, vector<16xi32>], vector<16xf32>,
      tpu.vector_store_idx %arg7[%iota3A, %broadcast_in_dim3A_1537], %gather3A_1538 : memref<32x512xf32, #tpu.memory_space<vmem>>[vector<16xi32>, vector<16xi32>], vector<16xf32>,
      %add3A_1543 = arith.constant 16 : i32
      %add3A_1544 = vector.broadcast %add3A_1543 : i32 to vector<16xi32>
      %add3A_1545 = arith.addi %iota3A, %add3A_1544 : vector<16xi32>
      tpu.vector_store_idx %arg7[%add3A_1545, %broadcast_in_dim3A_1537], %gather3A_1542 : memref<32x512xf32, #tpu.memory_space<vmem>>[vector<16xi32>, vector<16xi32>], vector<16xf32>,
      %slice3A_1546 = vector.extract_strided_slice %get3A_512 {offsets = [4], sizes = [1], strides = [1]} : vector<16xi32> to vector<1xi32>
      %squeeze3A_1547 = vector.extract %slice3A_1546[0] : i32 from vector<1xi32>
      %jit3A_1548 = arith.constant 128 : i32
      %div3A_1549 = arith.divsi %squeeze3A_1547, %jit3A_1548 : i32
      %sign3A_1550 = arith.constant 0 : i32
      %sign3A_1551 = arith.cmpi sgt, %squeeze3A_1547, %sign3A_1550 : i32
      %sign3A_1552 = arith.extui %sign3A_1551 : i1 to i32
      %sign3A_1553 = arith.constant 0 : i32
      %sign3A_1554 = arith.cmpi slt, %squeeze3A_1547, %sign3A_1553 : i32
      %sign3A_1555 = arith.extui %sign3A_1554 : i1 to i32
      %sign3A_1556 = arith.subi %sign3A_1552, %sign3A_1555 : i32
      %sign3A_1557 = arith.constant 0 : i32
      %sign3A_1558 = arith.cmpi sgt, %jit3A_1548, %sign3A_1557 : i32
      %sign3A_1559 = arith.extui %sign3A_1558 : i1 to i32
      %sign3A_1560 = arith.constant 0 : i32
      %sign3A_1561 = arith.cmpi slt, %jit3A_1548, %sign3A_1560 : i32
      %sign3A_1562 = arith.extui %sign3A_1561 : i1 to i32
      %sign3A_1563 = arith.subi %sign3A_1559, %sign3A_1562 : i32
      %ne3A_1564 = arith.cmpi ne, %sign3A_1556, %sign3A_1563 : i32
      %rem3A_1565 = arith.remsi %squeeze3A_1547, %jit3A_1548 : i32
      %ne3A_1566 = arith.constant 0 : i32
      %ne3A_1567 = arith.cmpi ne, %rem3A_1565, %ne3A_1566 : i32
      %and3A_1568 = arith.andi %ne3A_1564, %ne3A_1567 : i1
      %sub3A_1569 = arith.constant 1 : i32
      %sub3A_1570 = arith.subi %div3A_1549, %sub3A_1569 : i32
      %select_n3A_1571 = arith.select %and3A_1568, %sub3A_1570, %div3A_1549 : i32
      %mul3A_1572 = arith.constant 128 : i32
      %mul3A_1573 = arith.muli %select_n3A_1571, %mul3A_1572 : i32
      %multiple_of3A_1574 = tpu.assume_multiple %mul3A_1573, 128 : i32
      %dma_start3A_1575 = arith.constant 4 : i32
      %dma_start3A_1576 = arith.constant 4 : i32
      %dma_start3A_1577 = arith.constant 0 : i32
      %dma_start3A_1578 = arith.constant 0 : i32
      %dma_start3A_1579 = tpu.memref_slice %arg6[%dma_start3A_1575, %dma_start3A_1577, %dma_start3A_1578] : memref<8x32x128xf32, #tpu.memory_space<vmem>> -> memref<1x32x128xf32, #tpu.memory_space<vmem>>
      %dma_start3A_1580 = tpu.memref_squeeze %dma_start3A_1579 : memref<1x32x128xf32, #tpu.memory_space<vmem>> -> memref<32x128xf32, #tpu.memory_space<vmem>>
      %dma_start3A_1581 = arith.constant 0 : i32
      %dma_start3A_1582 = tpu.memref_slice %arg2[%dma_start3A_1581, %multiple_of3A_1574] : memref<32x1000000xf32, #tpu.memory_space<hbm>> -> memref<32x128xf32, #tpu.memory_space<hbm>>
      %dma_start3A_1583 = tpu.memref_slice %arg8[%dma_start3A_1576] : memref<8x!tpu.dma_semaphore, #tpu.memory_space<semaphore_mem>> -> memref<1x!tpu.dma_semaphore, #tpu.memory_space<semaphore_mem>>
      %dma_start3A_1584 = tpu.memref_squeeze %dma_start3A_1583 : memref<1x!tpu.dma_semaphore, #tpu.memory_space<semaphore_mem>> -> memref<!tpu.dma_semaphore, #tpu.memory_space<semaphore_mem>>
      %dma_start3A_1585 = arith.constant 0 : i32
      %dma_start3A_1586 = arith.constant 0 : i32
      %dma_start3A_1587 = tpu.memref_slice %arg6[%dma_start3A_1575, %dma_start3A_1585, %dma_start3A_1586] : memref<8x32x128xf32, #tpu.memory_space<vmem>> -> memref<1x32x128xf32, #tpu.memory_space<vmem>>
      %dma_start3A_1588 = tpu.memref_squeeze %dma_start3A_1587 : memref<1x32x128xf32, #tpu.memory_space<vmem>> -> memref<32x128xf32, #tpu.memory_space<vmem>>
      %dma_start3A_1589 = arith.constant 0 : i32
      %dma_start3A_1590 = tpu.memref_slice %arg2[%dma_start3A_1589, %multiple_of3A_1574] : memref<32x1000000xf32, #tpu.memory_space<hbm>> -> memref<32x128xf32, #tpu.memory_space<hbm>>
      tpu.enqueue_dma source(%dma_start3A_1590 : memref<32x128xf32, #tpu.memory_space<hbm>>) target(%dma_start3A_1588 : memref<32x128xf32, #tpu.memory_space<vmem>>) target_semaphore(%dma_start3A_1584 : memref<!tpu.dma_semaphore, #tpu.memory_space<semaphore_mem>>)
      %mul3A_1591 = arith.constant 16 : i32
      %mul3A_1592 = arith.muli %scan3A_502, %mul3A_1591 : i32
      %add3A_1593 = arith.constant 13 : i32
      %add3A_1594 = arith.addi %mul3A_1592, %add3A_1593 : i32
      %dma_wait3A_1595 = arith.constant 5 : i32
      %dma_wait3A_1596 = arith.constant 5 : i32
      %dma_wait3A_1597 = arith.constant 0 : i32
      %dma_wait3A_1598 = arith.constant 0 : i32
      %dma_wait3A_1599 = tpu.memref_slice %arg6[%dma_wait3A_1595, %dma_wait3A_1597, %dma_wait3A_1598] : memref<8x32x128xf32, #tpu.memory_space<vmem>> -> memref<1x32x128xf32, #tpu.memory_space<vmem>>
      %dma_wait3A_1600 = tpu.memref_squeeze %dma_wait3A_1599 : memref<1x32x128xf32, #tpu.memory_space<vmem>> -> memref<32x128xf32, #tpu.memory_space<vmem>>
      %dma_wait3A_1601 = arith.constant 0 : i32
      %dma_wait3A_1602 = arith.constant 0 : i32
      %dma_wait3A_1603 = tpu.memref_slice %arg2[%dma_wait3A_1601, %dma_wait3A_1602] : memref<32x1000000xf32, #tpu.memory_space<hbm>> -> memref<32x128xf32, #tpu.memory_space<hbm>>
      %dma_wait3A_1604 = tpu.memref_slice %arg8[%dma_wait3A_1596] : memref<8x!tpu.dma_semaphore, #tpu.memory_space<semaphore_mem>> -> memref<1x!tpu.dma_semaphore, #tpu.memory_space<semaphore_mem>>
      %dma_wait3A_1605 = tpu.memref_squeeze %dma_wait3A_1604 : memref<1x!tpu.dma_semaphore, #tpu.memory_space<semaphore_mem>> -> memref<!tpu.dma_semaphore, #tpu.memory_space<semaphore_mem>>
      %dma_wait3A_1606 = arith.constant 0 : i32
      %dma_wait3A_1607 = arith.constant 0 : i32
      %dma_wait3A_1608 = tpu.memref_slice %arg6[%dma_wait3A_1595, %dma_wait3A_1606, %dma_wait3A_1607] : memref<8x32x128xf32, #tpu.memory_space<vmem>> -> memref<1x32x128xf32, #tpu.memory_space<vmem>>
      %dma_wait3A_1609 = tpu.memref_squeeze %dma_wait3A_1608 : memref<1x32x128xf32, #tpu.memory_space<vmem>> -> memref<32x128xf32, #tpu.memory_space<vmem>>
      %dma_wait3A_1610 = arith.constant 0 : i32
      %dma_wait3A_1611 = arith.constant 0 : i32
      %dma_wait3A_1612 = tpu.memref_slice %arg2[%dma_wait3A_1610, %dma_wait3A_1611] : memref<32x1000000xf32, #tpu.memory_space<hbm>> -> memref<32x128xf32, #tpu.memory_space<hbm>>
      tpu.wait_dma2 semaphore(%dma_wait3A_1605 : memref<!tpu.dma_semaphore, #tpu.memory_space<semaphore_mem>>) src(%dma_wait3A_1612 : memref<32x128xf32, #tpu.memory_space<hbm>>) dst(%dma_wait3A_1609 : memref<32x128xf32, #tpu.memory_space<vmem>>)
      %slice3A_1613 = vector.extract_strided_slice %get3A_506 {offsets = [13], sizes = [1], strides = [1]} : vector<16xi32> to vector<1xi32>
      %squeeze3A_1614 = vector.extract %slice3A_1613[0] : i32 from vector<1xi32>
      %rem3A_1615 = arith.constant 128 : i32
      %rem3A_1616 = arith.remsi %squeeze3A_1614, %rem3A_1615 : i32
      %broadcast_in_dim3A_1617 = vector.broadcast %rem3A_1616 : i32 to vector<16xi32>
      %broadcast_in_dim3A_1618 = arith.constant 5 : i32
      %broadcast_in_dim3A_1619 = vector.broadcast %broadcast_in_dim3A_1618 : i32 to vector<16xi32>
      %broadcast_in_dim3A_1620 = vector.broadcast %add3A_1594 : i32 to vector<16xi32>
      %gather3A_1621 = tpu.vector_load_idx %arg6[%broadcast_in_dim3A_1619, %iota3A, %broadcast_in_dim3A_1617] : memref<8x32x128xf32, #tpu.memory_space<vmem>>[vector<16xi32>, vector<16xi32>, vector<16xi32>], vector<16xf32>,
      %add3A_1622 = arith.constant 16 : i32
      %add3A_1623 = vector.broadcast %add3A_1622 : i32 to vector<16xi32>
      %add3A_1624 = arith.addi %iota3A, %add3A_1623 : vector<16xi32>
      %gather3A_1625 = tpu.vector_load_idx %arg6[%broadcast_in_dim3A_1619, %add3A_1624, %broadcast_in_dim3A_1617] : memref<8x32x128xf32, #tpu.memory_space<vmem>>[vector<16xi32>, vector<16xi32>, vector<16xi32>], vector<16xf32>,
      tpu.vector_store_idx %arg7[%iota3A, %broadcast_in_dim3A_1620], %gather3A_1621 : memref<32x512xf32, #tpu.memory_space<vmem>>[vector<16xi32>, vector<16xi32>], vector<16xf32>,
      %add3A_1626 = arith.constant 16 : i32
      %add3A_1627 = vector.broadcast %add3A_1626 : i32 to vector<16xi32>
      %add3A_1628 = arith.addi %iota3A, %add3A_1627 : vector<16xi32>
      tpu.vector_store_idx %arg7[%add3A_1628, %broadcast_in_dim3A_1620], %gather3A_1625 : memref<32x512xf32, #tpu.memory_space<vmem>>[vector<16xi32>, vector<16xi32>], vector<16xf32>,
      %slice3A_1629 = vector.extract_strided_slice %get3A_512 {offsets = [5], sizes = [1], strides = [1]} : vector<16xi32> to vector<1xi32>
      %squeeze3A_1630 = vector.extract %slice3A_1629[0] : i32 from vector<1xi32>
      %jit3A_1631 = arith.constant 128 : i32
      %div3A_1632 = arith.divsi %squeeze3A_1630, %jit3A_1631 : i32
      %sign3A_1633 = arith.constant 0 : i32
      %sign3A_1634 = arith.cmpi sgt, %squeeze3A_1630, %sign3A_1633 : i32
      %sign3A_1635 = arith.extui %sign3A_1634 : i1 to i32
      %sign3A_1636 = arith.constant 0 : i32
      %sign3A_1637 = arith.cmpi slt, %squeeze3A_1630, %sign3A_1636 : i32
      %sign3A_1638 = arith.extui %sign3A_1637 : i1 to i32
      %sign3A_1639 = arith.subi %sign3A_1635, %sign3A_1638 : i32
      %sign3A_1640 = arith.constant 0 : i32
      %sign3A_1641 = arith.cmpi sgt, %jit3A_1631, %sign3A_1640 : i32
      %sign3A_1642 = arith.extui %sign3A_1641 : i1 to i32
      %sign3A_1643 = arith.constant 0 : i32
      %sign3A_1644 = arith.cmpi slt, %jit3A_1631, %sign3A_1643 : i32
      %sign3A_1645 = arith.extui %sign3A_1644 : i1 to i32
      %sign3A_1646 = arith.subi %sign3A_1642, %sign3A_1645 : i32
      %ne3A_1647 = arith.cmpi ne, %sign3A_1639, %sign3A_1646 : i32
      %rem3A_1648 = arith.remsi %squeeze3A_1630, %jit3A_1631 : i32
      %ne3A_1649 = arith.constant 0 : i32
      %ne3A_1650 = arith.cmpi ne, %rem3A_1648, %ne3A_1649 : i32
      %and3A_1651 = arith.andi %ne3A_1647, %ne3A_1650 : i1
      %sub3A_1652 = arith.constant 1 : i32
      %sub3A_1653 = arith.subi %div3A_1632, %sub3A_1652 : i32
      %select_n3A_1654 = arith.select %and3A_1651, %sub3A_1653, %div3A_1632 : i32
      %mul3A_1655 = arith.constant 128 : i32
      %mul3A_1656 = arith.muli %select_n3A_1654, %mul3A_1655 : i32
      %multiple_of3A_1657 = tpu.assume_multiple %mul3A_1656, 128 : i32
      %dma_start3A_1658 = arith.constant 5 : i32
      %dma_start3A_1659 = arith.constant 5 : i32
      %dma_start3A_1660 = arith.constant 0 : i32
      %dma_start3A_1661 = arith.constant 0 : i32
      %dma_start3A_1662 = tpu.memref_slice %arg6[%dma_start3A_1658, %dma_start3A_1660, %dma_start3A_1661] : memref<8x32x128xf32, #tpu.memory_space<vmem>> -> memref<1x32x128xf32, #tpu.memory_space<vmem>>
      %dma_start3A_1663 = tpu.memref_squeeze %dma_start3A_1662 : memref<1x32x128xf32, #tpu.memory_space<vmem>> -> memref<32x128xf32, #tpu.memory_space<vmem>>
      %dma_start3A_1664 = arith.constant 0 : i32
      %dma_start3A_1665 = tpu.memref_slice %arg2[%dma_start3A_1664, %multiple_of3A_1657] : memref<32x1000000xf32, #tpu.memory_space<hbm>> -> memref<32x128xf32, #tpu.memory_space<hbm>>
      %dma_start3A_1666 = tpu.memref_slice %arg8[%dma_start3A_1659] : memref<8x!tpu.dma_semaphore, #tpu.memory_space<semaphore_mem>> -> memref<1x!tpu.dma_semaphore, #tpu.memory_space<semaphore_mem>>
      %dma_start3A_1667 = tpu.memref_squeeze %dma_start3A_1666 : memref<1x!tpu.dma_semaphore, #tpu.memory_space<semaphore_mem>> -> memref<!tpu.dma_semaphore, #tpu.memory_space<semaphore_mem>>
      %dma_start3A_1668 = arith.constant 0 : i32
      %dma_start3A_1669 = arith.constant 0 : i32
      %dma_start3A_1670 = tpu.memref_slice %arg6[%dma_start3A_1658, %dma_start3A_1668, %dma_start3A_1669] : memref<8x32x128xf32, #tpu.memory_space<vmem>> -> memref<1x32x128xf32, #tpu.memory_space<vmem>>
      %dma_start3A_1671 = tpu.memref_squeeze %dma_start3A_1670 : memref<1x32x128xf32, #tpu.memory_space<vmem>> -> memref<32x128xf32, #tpu.memory_space<vmem>>
      %dma_start3A_1672 = arith.constant 0 : i32
      %dma_start3A_1673 = tpu.memref_slice %arg2[%dma_start3A_1672, %multiple_of3A_1657] : memref<32x1000000xf32, #tpu.memory_space<hbm>> -> memref<32x128xf32, #tpu.memory_space<hbm>>
      tpu.enqueue_dma source(%dma_start3A_1673 : memref<32x128xf32, #tpu.memory_space<hbm>>) target(%dma_start3A_1671 : memref<32x128xf32, #tpu.memory_space<vmem>>) target_semaphore(%dma_start3A_1667 : memref<!tpu.dma_semaphore, #tpu.memory_space<semaphore_mem>>)
      %mul3A_1674 = arith.constant 16 : i32
      %mul3A_1675 = arith.muli %scan3A_502, %mul3A_1674 : i32
      %add3A_1676 = arith.constant 14 : i32
      %add3A_1677 = arith.addi %mul3A_1675, %add3A_1676 : i32
      %dma_wait3A_1678 = arith.constant 6 : i32
      %dma_wait3A_1679 = arith.constant 6 : i32
      %dma_wait3A_1680 = arith.constant 0 : i32
      %dma_wait3A_1681 = arith.constant 0 : i32
      %dma_wait3A_1682 = tpu.memref_slice %arg6[%dma_wait3A_1678, %dma_wait3A_1680, %dma_wait3A_1681] : memref<8x32x128xf32, #tpu.memory_space<vmem>> -> memref<1x32x128xf32, #tpu.memory_space<vmem>>
      %dma_wait3A_1683 = tpu.memref_squeeze %dma_wait3A_1682 : memref<1x32x128xf32, #tpu.memory_space<vmem>> -> memref<32x128xf32, #tpu.memory_space<vmem>>
      %dma_wait3A_1684 = arith.constant 0 : i32
      %dma_wait3A_1685 = arith.constant 0 : i32
      %dma_wait3A_1686 = tpu.memref_slice %arg2[%dma_wait3A_1684, %dma_wait3A_1685] : memref<32x1000000xf32, #tpu.memory_space<hbm>> -> memref<32x128xf32, #tpu.memory_space<hbm>>
      %dma_wait3A_1687 = tpu.memref_slice %arg8[%dma_wait3A_1679] : memref<8x!tpu.dma_semaphore, #tpu.memory_space<semaphore_mem>> -> memref<1x!tpu.dma_semaphore, #tpu.memory_space<semaphore_mem>>
      %dma_wait3A_1688 = tpu.memref_squeeze %dma_wait3A_1687 : memref<1x!tpu.dma_semaphore, #tpu.memory_space<semaphore_mem>> -> memref<!tpu.dma_semaphore, #tpu.memory_space<semaphore_mem>>
      %dma_wait3A_1689 = arith.constant 0 : i32
      %dma_wait3A_1690 = arith.constant 0 : i32
      %dma_wait3A_1691 = tpu.memref_slice %arg6[%dma_wait3A_1678, %dma_wait3A_1689, %dma_wait3A_1690] : memref<8x32x128xf32, #tpu.memory_space<vmem>> -> memref<1x32x128xf32, #tpu.memory_space<vmem>>
      %dma_wait3A_1692 = tpu.memref_squeeze %dma_wait3A_1691 : memref<1x32x128xf32, #tpu.memory_space<vmem>> -> memref<32x128xf32, #tpu.memory_space<vmem>>
      %dma_wait3A_1693 = arith.constant 0 : i32
      %dma_wait3A_1694 = arith.constant 0 : i32
      %dma_wait3A_1695 = tpu.memref_slice %arg2[%dma_wait3A_1693, %dma_wait3A_1694] : memref<32x1000000xf32, #tpu.memory_space<hbm>> -> memref<32x128xf32, #tpu.memory_space<hbm>>
      tpu.wait_dma2 semaphore(%dma_wait3A_1688 : memref<!tpu.dma_semaphore, #tpu.memory_space<semaphore_mem>>) src(%dma_wait3A_1695 : memref<32x128xf32, #tpu.memory_space<hbm>>) dst(%dma_wait3A_1692 : memref<32x128xf32, #tpu.memory_space<vmem>>)
      %slice3A_1696 = vector.extract_strided_slice %get3A_506 {offsets = [14], sizes = [1], strides = [1]} : vector<16xi32> to vector<1xi32>
      %squeeze3A_1697 = vector.extract %slice3A_1696[0] : i32 from vector<1xi32>
      %rem3A_1698 = arith.constant 128 : i32
      %rem3A_1699 = arith.remsi %squeeze3A_1697, %rem3A_1698 : i32
      %broadcast_in_dim3A_1700 = vector.broadcast %rem3A_1699 : i32 to vector<16xi32>
      %broadcast_in_dim3A_1701 = arith.constant 6 : i32
      %broadcast_in_dim3A_1702 = vector.broadcast %broadcast_in_dim3A_1701 : i32 to vector<16xi32>
      %broadcast_in_dim3A_1703 = vector.broadcast %add3A_1677 : i32 to vector<16xi32>
      %gather3A_1704 = tpu.vector_load_idx %arg6[%broadcast_in_dim3A_1702, %iota3A, %broadcast_in_dim3A_1700] : memref<8x32x128xf32, #tpu.memory_space<vmem>>[vector<16xi32>, vector<16xi32>, vector<16xi32>], vector<16xf32>,
      %add3A_1705 = arith.constant 16 : i32
      %add3A_1706 = vector.broadcast %add3A_1705 : i32 to vector<16xi32>
      %add3A_1707 = arith.addi %iota3A, %add3A_1706 : vector<16xi32>
      %gather3A_1708 = tpu.vector_load_idx %arg6[%broadcast_in_dim3A_1702, %add3A_1707, %broadcast_in_dim3A_1700] : memref<8x32x128xf32, #tpu.memory_space<vmem>>[vector<16xi32>, vector<16xi32>, vector<16xi32>], vector<16xf32>,
      tpu.vector_store_idx %arg7[%iota3A, %broadcast_in_dim3A_1703], %gather3A_1704 : memref<32x512xf32, #tpu.memory_space<vmem>>[vector<16xi32>, vector<16xi32>], vector<16xf32>,
      %add3A_1709 = arith.constant 16 : i32
      %add3A_1710 = vector.broadcast %add3A_1709 : i32 to vector<16xi32>
      %add3A_1711 = arith.addi %iota3A, %add3A_1710 : vector<16xi32>
      tpu.vector_store_idx %arg7[%add3A_1711, %broadcast_in_dim3A_1703], %gather3A_1708 : memref<32x512xf32, #tpu.memory_space<vmem>>[vector<16xi32>, vector<16xi32>], vector<16xf32>,
      %slice3A_1712 = vector.extract_strided_slice %get3A_512 {offsets = [6], sizes = [1], strides = [1]} : vector<16xi32> to vector<1xi32>
      %squeeze3A_1713 = vector.extract %slice3A_1712[0] : i32 from vector<1xi32>
      %jit3A_1714 = arith.constant 128 : i32
      %div3A_1715 = arith.divsi %squeeze3A_1713, %jit3A_1714 : i32
      %sign3A_1716 = arith.constant 0 : i32
      %sign3A_1717 = arith.cmpi sgt, %squeeze3A_1713, %sign3A_1716 : i32
      %sign3A_1718 = arith.extui %sign3A_1717 : i1 to i32
      %sign3A_1719 = arith.constant 0 : i32
      %sign3A_1720 = arith.cmpi slt, %squeeze3A_1713, %sign3A_1719 : i32
      %sign3A_1721 = arith.extui %sign3A_1720 : i1 to i32
      %sign3A_1722 = arith.subi %sign3A_1718, %sign3A_1721 : i32
      %sign3A_1723 = arith.constant 0 : i32
      %sign3A_1724 = arith.cmpi sgt, %jit3A_1714, %sign3A_1723 : i32
      %sign3A_1725 = arith.extui %sign3A_1724 : i1 to i32
      %sign3A_1726 = arith.constant 0 : i32
      %sign3A_1727 = arith.cmpi slt, %jit3A_1714, %sign3A_1726 : i32
      %sign3A_1728 = arith.extui %sign3A_1727 : i1 to i32
      %sign3A_1729 = arith.subi %sign3A_1725, %sign3A_1728 : i32
      %ne3A_1730 = arith.cmpi ne, %sign3A_1722, %sign3A_1729 : i32
      %rem3A_1731 = arith.remsi %squeeze3A_1713, %jit3A_1714 : i32
      %ne3A_1732 = arith.constant 0 : i32
      %ne3A_1733 = arith.cmpi ne, %rem3A_1731, %ne3A_1732 : i32
      %and3A_1734 = arith.andi %ne3A_1730, %ne3A_1733 : i1
      %sub3A_1735 = arith.constant 1 : i32
      %sub3A_1736 = arith.subi %div3A_1715, %sub3A_1735 : i32
      %select_n3A_1737 = arith.select %and3A_1734, %sub3A_1736, %div3A_1715 : i32
      %mul3A_1738 = arith.constant 128 : i32
      %mul3A_1739 = arith.muli %select_n3A_1737, %mul3A_1738 : i32
      %multiple_of3A_1740 = tpu.assume_multiple %mul3A_1739, 128 : i32
      %dma_start3A_1741 = arith.constant 6 : i32
      %dma_start3A_1742 = arith.constant 6 : i32
      %dma_start3A_1743 = arith.constant 0 : i32
      %dma_start3A_1744 = arith.constant 0 : i32
      %dma_start3A_1745 = tpu.memref_slice %arg6[%dma_start3A_1741, %dma_start3A_1743, %dma_start3A_1744] : memref<8x32x128xf32, #tpu.memory_space<vmem>> -> memref<1x32x128xf32, #tpu.memory_space<vmem>>
      %dma_start3A_1746 = tpu.memref_squeeze %dma_start3A_1745 : memref<1x32x128xf32, #tpu.memory_space<vmem>> -> memref<32x128xf32, #tpu.memory_space<vmem>>
      %dma_start3A_1747 = arith.constant 0 : i32
      %dma_start3A_1748 = tpu.memref_slice %arg2[%dma_start3A_1747, %multiple_of3A_1740] : memref<32x1000000xf32, #tpu.memory_space<hbm>> -> memref<32x128xf32, #tpu.memory_space<hbm>>
      %dma_start3A_1749 = tpu.memref_slice %arg8[%dma_start3A_1742] : memref<8x!tpu.dma_semaphore, #tpu.memory_space<semaphore_mem>> -> memref<1x!tpu.dma_semaphore, #tpu.memory_space<semaphore_mem>>
      %dma_start3A_1750 = tpu.memref_squeeze %dma_start3A_1749 : memref<1x!tpu.dma_semaphore, #tpu.memory_space<semaphore_mem>> -> memref<!tpu.dma_semaphore, #tpu.memory_space<semaphore_mem>>
      %dma_start3A_1751 = arith.constant 0 : i32
      %dma_start3A_1752 = arith.constant 0 : i32
      %dma_start3A_1753 = tpu.memref_slice %arg6[%dma_start3A_1741, %dma_start3A_1751, %dma_start3A_1752] : memref<8x32x128xf32, #tpu.memory_space<vmem>> -> memref<1x32x128xf32, #tpu.memory_space<vmem>>
      %dma_start3A_1754 = tpu.memref_squeeze %dma_start3A_1753 : memref<1x32x128xf32, #tpu.memory_space<vmem>> -> memref<32x128xf32, #tpu.memory_space<vmem>>
      %dma_start3A_1755 = arith.constant 0 : i32
      %dma_start3A_1756 = tpu.memref_slice %arg2[%dma_start3A_1755, %multiple_of3A_1740] : memref<32x1000000xf32, #tpu.memory_space<hbm>> -> memref<32x128xf32, #tpu.memory_space<hbm>>
      tpu.enqueue_dma source(%dma_start3A_1756 : memref<32x128xf32, #tpu.memory_space<hbm>>) target(%dma_start3A_1754 : memref<32x128xf32, #tpu.memory_space<vmem>>) target_semaphore(%dma_start3A_1750 : memref<!tpu.dma_semaphore, #tpu.memory_space<semaphore_mem>>)
      %mul3A_1757 = arith.constant 16 : i32
      %mul3A_1758 = arith.muli %scan3A_502, %mul3A_1757 : i32
      %add3A_1759 = arith.constant 15 : i32
      %add3A_1760 = arith.addi %mul3A_1758, %add3A_1759 : i32
      %dma_wait3A_1761 = arith.constant 7 : i32
      %dma_wait3A_1762 = arith.constant 7 : i32
      %dma_wait3A_1763 = arith.constant 0 : i32
      %dma_wait3A_1764 = arith.constant 0 : i32
      %dma_wait3A_1765 = tpu.memref_slice %arg6[%dma_wait3A_1761, %dma_wait3A_1763, %dma_wait3A_1764] : memref<8x32x128xf32, #tpu.memory_space<vmem>> -> memref<1x32x128xf32, #tpu.memory_space<vmem>>
      %dma_wait3A_1766 = tpu.memref_squeeze %dma_wait3A_1765 : memref<1x32x128xf32, #tpu.memory_space<vmem>> -> memref<32x128xf32, #tpu.memory_space<vmem>>
      %dma_wait3A_1767 = arith.constant 0 : i32
      %dma_wait3A_1768 = arith.constant 0 : i32
      %dma_wait3A_1769 = tpu.memref_slice %arg2[%dma_wait3A_1767, %dma_wait3A_1768] : memref<32x1000000xf32, #tpu.memory_space<hbm>> -> memref<32x128xf32, #tpu.memory_space<hbm>>
      %dma_wait3A_1770 = tpu.memref_slice %arg8[%dma_wait3A_1762] : memref<8x!tpu.dma_semaphore, #tpu.memory_space<semaphore_mem>> -> memref<1x!tpu.dma_semaphore, #tpu.memory_space<semaphore_mem>>
      %dma_wait3A_1771 = tpu.memref_squeeze %dma_wait3A_1770 : memref<1x!tpu.dma_semaphore, #tpu.memory_space<semaphore_mem>> -> memref<!tpu.dma_semaphore, #tpu.memory_space<semaphore_mem>>
      %dma_wait3A_1772 = arith.constant 0 : i32
      %dma_wait3A_1773 = arith.constant 0 : i32
      %dma_wait3A_1774 = tpu.memref_slice %arg6[%dma_wait3A_1761, %dma_wait3A_1772, %dma_wait3A_1773] : memref<8x32x128xf32, #tpu.memory_space<vmem>> -> memref<1x32x128xf32, #tpu.memory_space<vmem>>
      %dma_wait3A_1775 = tpu.memref_squeeze %dma_wait3A_1774 : memref<1x32x128xf32, #tpu.memory_space<vmem>> -> memref<32x128xf32, #tpu.memory_space<vmem>>
      %dma_wait3A_1776 = arith.constant 0 : i32
      %dma_wait3A_1777 = arith.constant 0 : i32
      %dma_wait3A_1778 = tpu.memref_slice %arg2[%dma_wait3A_1776, %dma_wait3A_1777] : memref<32x1000000xf32, #tpu.memory_space<hbm>> -> memref<32x128xf32, #tpu.memory_space<hbm>>
      tpu.wait_dma2 semaphore(%dma_wait3A_1771 : memref<!tpu.dma_semaphore, #tpu.memory_space<semaphore_mem>>) src(%dma_wait3A_1778 : memref<32x128xf32, #tpu.memory_space<hbm>>) dst(%dma_wait3A_1775 : memref<32x128xf32, #tpu.memory_space<vmem>>)
      %slice3A_1779 = vector.extract_strided_slice %get3A_506 {offsets = [15], sizes = [1], strides = [1]} : vector<16xi32> to vector<1xi32>
      %squeeze3A_1780 = vector.extract %slice3A_1779[0] : i32 from vector<1xi32>
      %rem3A_1781 = arith.constant 128 : i32
      %rem3A_1782 = arith.remsi %squeeze3A_1780, %rem3A_1781 : i32
      %broadcast_in_dim3A_1783 = vector.broadcast %rem3A_1782 : i32 to vector<16xi32>
      %broadcast_in_dim3A_1784 = arith.constant 7 : i32
      %broadcast_in_dim3A_1785 = vector.broadcast %broadcast_in_dim3A_1784 : i32 to vector<16xi32>
      %broadcast_in_dim3A_1786 = vector.broadcast %add3A_1760 : i32 to vector<16xi32>
      %gather3A_1787 = tpu.vector_load_idx %arg6[%broadcast_in_dim3A_1785, %iota3A, %broadcast_in_dim3A_1783] : memref<8x32x128xf32, #tpu.memory_space<vmem>>[vector<16xi32>, vector<16xi32>, vector<16xi32>], vector<16xf32>,
      %add3A_1788 = arith.constant 16 : i32
      %add3A_1789 = vector.broadcast %add3A_1788 : i32 to vector<16xi32>
      %add3A_1790 = arith.addi %iota3A, %add3A_1789 : vector<16xi32>
      %gather3A_1791 = tpu.vector_load_idx %arg6[%broadcast_in_dim3A_1785, %add3A_1790, %broadcast_in_dim3A_1783] : memref<8x32x128xf32, #tpu.memory_space<vmem>>[vector<16xi32>, vector<16xi32>, vector<16xi32>], vector<16xf32>,
      tpu.vector_store_idx %arg7[%iota3A, %broadcast_in_dim3A_1786], %gather3A_1787 : memref<32x512xf32, #tpu.memory_space<vmem>>[vector<16xi32>, vector<16xi32>], vector<16xf32>,
      %add3A_1792 = arith.constant 16 : i32
      %add3A_1793 = vector.broadcast %add3A_1792 : i32 to vector<16xi32>
      %add3A_1794 = arith.addi %iota3A, %add3A_1793 : vector<16xi32>
      tpu.vector_store_idx %arg7[%add3A_1794, %broadcast_in_dim3A_1786], %gather3A_1791 : memref<32x512xf32, #tpu.memory_space<vmem>>[vector<16xi32>, vector<16xi32>], vector<16xf32>,
      %slice3A_1795 = vector.extract_strided_slice %get3A_512 {offsets = [7], sizes = [1], strides = [1]} : vector<16xi32> to vector<1xi32>
      %squeeze3A_1796 = vector.extract %slice3A_1795[0] : i32 from vector<1xi32>
      %jit3A_1797 = arith.constant 128 : i32
      %div3A_1798 = arith.divsi %squeeze3A_1796, %jit3A_1797 : i32
      %sign3A_1799 = arith.constant 0 : i32
      %sign3A_1800 = arith.cmpi sgt, %squeeze3A_1796, %sign3A_1799 : i32
      %sign3A_1801 = arith.extui %sign3A_1800 : i1 to i32
      %sign3A_1802 = arith.constant 0 : i32
      %sign3A_1803 = arith.cmpi slt, %squeeze3A_1796, %sign3A_1802 : i32
      %sign3A_1804 = arith.extui %sign3A_1803 : i1 to i32
      %sign3A_1805 = arith.subi %sign3A_1801, %sign3A_1804 : i32
      %sign3A_1806 = arith.constant 0 : i32
      %sign3A_1807 = arith.cmpi sgt, %jit3A_1797, %sign3A_1806 : i32
      %sign3A_1808 = arith.extui %sign3A_1807 : i1 to i32
      %sign3A_1809 = arith.constant 0 : i32
      %sign3A_1810 = arith.cmpi slt, %jit3A_1797, %sign3A_1809 : i32
      %sign3A_1811 = arith.extui %sign3A_1810 : i1 to i32
      %sign3A_1812 = arith.subi %sign3A_1808, %sign3A_1811 : i32
      %ne3A_1813 = arith.cmpi ne, %sign3A_1805, %sign3A_1812 : i32
      %rem3A_1814 = arith.remsi %squeeze3A_1796, %jit3A_1797 : i32
      %ne3A_1815 = arith.constant 0 : i32
      %ne3A_1816 = arith.cmpi ne, %rem3A_1814, %ne3A_1815 : i32
      %and3A_1817 = arith.andi %ne3A_1813, %ne3A_1816 : i1
      %sub3A_1818 = arith.constant 1 : i32
      %sub3A_1819 = arith.subi %div3A_1798, %sub3A_1818 : i32
      %select_n3A_1820 = arith.select %and3A_1817, %sub3A_1819, %div3A_1798 : i32
      %mul3A_1821 = arith.constant 128 : i32
      %mul3A_1822 = arith.muli %select_n3A_1820, %mul3A_1821 : i32
      %multiple_of3A_1823 = tpu.assume_multiple %mul3A_1822, 128 : i32
      %dma_start3A_1824 = arith.constant 7 : i32
      %dma_start3A_1825 = arith.constant 7 : i32
      %dma_start3A_1826 = arith.constant 0 : i32
      %dma_start3A_1827 = arith.constant 0 : i32
      %dma_start3A_1828 = tpu.memref_slice %arg6[%dma_start3A_1824, %dma_start3A_1826, %dma_start3A_1827] : memref<8x32x128xf32, #tpu.memory_space<vmem>> -> memref<1x32x128xf32, #tpu.memory_space<vmem>>
      %dma_start3A_1829 = tpu.memref_squeeze %dma_start3A_1828 : memref<1x32x128xf32, #tpu.memory_space<vmem>> -> memref<32x128xf32, #tpu.memory_space<vmem>>
      %dma_start3A_1830 = arith.constant 0 : i32
      %dma_start3A_1831 = tpu.memref_slice %arg2[%dma_start3A_1830, %multiple_of3A_1823] : memref<32x1000000xf32, #tpu.memory_space<hbm>> -> memref<32x128xf32, #tpu.memory_space<hbm>>
      %dma_start3A_1832 = tpu.memref_slice %arg8[%dma_start3A_1825] : memref<8x!tpu.dma_semaphore, #tpu.memory_space<semaphore_mem>> -> memref<1x!tpu.dma_semaphore, #tpu.memory_space<semaphore_mem>>
      %dma_start3A_1833 = tpu.memref_squeeze %dma_start3A_1832 : memref<1x!tpu.dma_semaphore, #tpu.memory_space<semaphore_mem>> -> memref<!tpu.dma_semaphore, #tpu.memory_space<semaphore_mem>>
      %dma_start3A_1834 = arith.constant 0 : i32
      %dma_start3A_1835 = arith.constant 0 : i32
      %dma_start3A_1836 = tpu.memref_slice %arg6[%dma_start3A_1824, %dma_start3A_1834, %dma_start3A_1835] : memref<8x32x128xf32, #tpu.memory_space<vmem>> -> memref<1x32x128xf32, #tpu.memory_space<vmem>>
      %dma_start3A_1837 = tpu.memref_squeeze %dma_start3A_1836 : memref<1x32x128xf32, #tpu.memory_space<vmem>> -> memref<32x128xf32, #tpu.memory_space<vmem>>
      %dma_start3A_1838 = arith.constant 0 : i32
      %dma_start3A_1839 = tpu.memref_slice %arg2[%dma_start3A_1838, %multiple_of3A_1823] : memref<32x1000000xf32, #tpu.memory_space<hbm>> -> memref<32x128xf32, #tpu.memory_space<hbm>>
      tpu.enqueue_dma source(%dma_start3A_1839 : memref<32x128xf32, #tpu.memory_space<hbm>>) target(%dma_start3A_1837 : memref<32x128xf32, #tpu.memory_space<vmem>>) target_semaphore(%dma_start3A_1833 : memref<!tpu.dma_semaphore, #tpu.memory_space<semaphore_mem>>)
    }
    %scan3A_358 = arith.constant 32 : i32
    %dma_wait3A = arith.constant 0 : i32
    %dma_wait3A_359 = arith.constant 0 : i32
    %dma_wait3A_360 = arith.constant 0 : i32
    %dma_wait3A_361 = arith.constant 0 : i32
    %dma_wait3A_362 = tpu.memref_slice %arg6[%dma_wait3A, %dma_wait3A_360, %dma_wait3A_361] : memref<8x32x128xf32, #tpu.memory_space<vmem>> -> memref<1x32x128xf32, #tpu.memory_space<vmem>>
    %dma_wait3A_363 = tpu.memref_squeeze %dma_wait3A_362 : memref<1x32x128xf32, #tpu.memory_space<vmem>> -> memref<32x128xf32, #tpu.memory_space<vmem>>
    %dma_wait3A_364 = arith.constant 0 : i32
    %dma_wait3A_365 = arith.constant 0 : i32
    %dma_wait3A_366 = tpu.memref_slice %arg2[%dma_wait3A_364, %dma_wait3A_365] : memref<32x1000000xf32, #tpu.memory_space<hbm>> -> memref<32x128xf32, #tpu.memory_space<hbm>>
    %dma_wait3A_367 = tpu.memref_slice %arg8[%dma_wait3A_359] : memref<8x!tpu.dma_semaphore, #tpu.memory_space<semaphore_mem>> -> memref<1x!tpu.dma_semaphore, #tpu.memory_space<semaphore_mem>>
    %dma_wait3A_368 = tpu.memref_squeeze %dma_wait3A_367 : memref<1x!tpu.dma_semaphore, #tpu.memory_space<semaphore_mem>> -> memref<!tpu.dma_semaphore, #tpu.memory_space<semaphore_mem>>
    %dma_wait3A_369 = arith.constant 0 : i32
    %dma_wait3A_370 = arith.constant 0 : i32
    %dma_wait3A_371 = tpu.memref_slice %arg6[%dma_wait3A, %dma_wait3A_369, %dma_wait3A_370] : memref<8x32x128xf32, #tpu.memory_space<vmem>> -> memref<1x32x128xf32, #tpu.memory_space<vmem>>
    %dma_wait3A_372 = tpu.memref_squeeze %dma_wait3A_371 : memref<1x32x128xf32, #tpu.memory_space<vmem>> -> memref<32x128xf32, #tpu.memory_space<vmem>>
    %dma_wait3A_373 = arith.constant 0 : i32
    %dma_wait3A_374 = arith.constant 0 : i32
    %dma_wait3A_375 = tpu.memref_slice %arg2[%dma_wait3A_373, %dma_wait3A_374] : memref<32x1000000xf32, #tpu.memory_space<hbm>> -> memref<32x128xf32, #tpu.memory_space<hbm>>
    tpu.wait_dma2 semaphore(%dma_wait3A_368 : memref<!tpu.dma_semaphore, #tpu.memory_space<semaphore_mem>>) src(%dma_wait3A_375 : memref<32x128xf32, #tpu.memory_space<hbm>>) dst(%dma_wait3A_372 : memref<32x128xf32, #tpu.memory_space<vmem>>)
    %dma_wait3A_376 = arith.constant 1 : i32
    %dma_wait3A_377 = arith.constant 1 : i32
    %dma_wait3A_378 = arith.constant 0 : i32
    %dma_wait3A_379 = arith.constant 0 : i32
    %dma_wait3A_380 = tpu.memref_slice %arg6[%dma_wait3A_376, %dma_wait3A_378, %dma_wait3A_379] : memref<8x32x128xf32, #tpu.memory_space<vmem>> -> memref<1x32x128xf32, #tpu.memory_space<vmem>>
    %dma_wait3A_381 = tpu.memref_squeeze %dma_wait3A_380 : memref<1x32x128xf32, #tpu.memory_space<vmem>> -> memref<32x128xf32, #tpu.memory_space<vmem>>
    %dma_wait3A_382 = arith.constant 0 : i32
    %dma_wait3A_383 = arith.constant 0 : i32
    %dma_wait3A_384 = tpu.memref_slice %arg2[%dma_wait3A_382, %dma_wait3A_383] : memref<32x1000000xf32, #tpu.memory_space<hbm>> -> memref<32x128xf32, #tpu.memory_space<hbm>>
    %dma_wait3A_385 = tpu.memref_slice %arg8[%dma_wait3A_377] : memref<8x!tpu.dma_semaphore, #tpu.memory_space<semaphore_mem>> -> memref<1x!tpu.dma_semaphore, #tpu.memory_space<semaphore_mem>>
    %dma_wait3A_386 = tpu.memref_squeeze %dma_wait3A_385 : memref<1x!tpu.dma_semaphore, #tpu.memory_space<semaphore_mem>> -> memref<!tpu.dma_semaphore, #tpu.memory_space<semaphore_mem>>
    %dma_wait3A_387 = arith.constant 0 : i32
    %dma_wait3A_388 = arith.constant 0 : i32
    %dma_wait3A_389 = tpu.memref_slice %arg6[%dma_wait3A_376, %dma_wait3A_387, %dma_wait3A_388] : memref<8x32x128xf32, #tpu.memory_space<vmem>> -> memref<1x32x128xf32, #tpu.memory_space<vmem>>
    %dma_wait3A_390 = tpu.memref_squeeze %dma_wait3A_389 : memref<1x32x128xf32, #tpu.memory_space<vmem>> -> memref<32x128xf32, #tpu.memory_space<vmem>>
    %dma_wait3A_391 = arith.constant 0 : i32
    %dma_wait3A_392 = arith.constant 0 : i32
    %dma_wait3A_393 = tpu.memref_slice %arg2[%dma_wait3A_391, %dma_wait3A_392] : memref<32x1000000xf32, #tpu.memory_space<hbm>> -> memref<32x128xf32, #tpu.memory_space<hbm>>
    tpu.wait_dma2 semaphore(%dma_wait3A_386 : memref<!tpu.dma_semaphore, #tpu.memory_space<semaphore_mem>>) src(%dma_wait3A_393 : memref<32x128xf32, #tpu.memory_space<hbm>>) dst(%dma_wait3A_390 : memref<32x128xf32, #tpu.memory_space<vmem>>)
    %dma_wait3A_394 = arith.constant 2 : i32
    %dma_wait3A_395 = arith.constant 2 : i32
    %dma_wait3A_396 = arith.constant 0 : i32
    %dma_wait3A_397 = arith.constant 0 : i32
    %dma_wait3A_398 = tpu.memref_slice %arg6[%dma_wait3A_394, %dma_wait3A_396, %dma_wait3A_397] : memref<8x32x128xf32, #tpu.memory_space<vmem>> -> memref<1x32x128xf32, #tpu.memory_space<vmem>>
    %dma_wait3A_399 = tpu.memref_squeeze %dma_wait3A_398 : memref<1x32x128xf32, #tpu.memory_space<vmem>> -> memref<32x128xf32, #tpu.memory_space<vmem>>
    %dma_wait3A_400 = arith.constant 0 : i32
    %dma_wait3A_401 = arith.constant 0 : i32
    %dma_wait3A_402 = tpu.memref_slice %arg2[%dma_wait3A_400, %dma_wait3A_401] : memref<32x1000000xf32, #tpu.memory_space<hbm>> -> memref<32x128xf32, #tpu.memory_space<hbm>>
    %dma_wait3A_403 = tpu.memref_slice %arg8[%dma_wait3A_395] : memref<8x!tpu.dma_semaphore, #tpu.memory_space<semaphore_mem>> -> memref<1x!tpu.dma_semaphore, #tpu.memory_space<semaphore_mem>>
    %dma_wait3A_404 = tpu.memref_squeeze %dma_wait3A_403 : memref<1x!tpu.dma_semaphore, #tpu.memory_space<semaphore_mem>> -> memref<!tpu.dma_semaphore, #tpu.memory_space<semaphore_mem>>
    %dma_wait3A_405 = arith.constant 0 : i32
    %dma_wait3A_406 = arith.constant 0 : i32
    %dma_wait3A_407 = tpu.memref_slice %arg6[%dma_wait3A_394, %dma_wait3A_405, %dma_wait3A_406] : memref<8x32x128xf32, #tpu.memory_space<vmem>> -> memref<1x32x128xf32, #tpu.memory_space<vmem>>
    %dma_wait3A_408 = tpu.memref_squeeze %dma_wait3A_407 : memref<1x32x128xf32, #tpu.memory_space<vmem>> -> memref<32x128xf32, #tpu.memory_space<vmem>>
    %dma_wait3A_409 = arith.constant 0 : i32
    %dma_wait3A_410 = arith.constant 0 : i32
    %dma_wait3A_411 = tpu.memref_slice %arg2[%dma_wait3A_409, %dma_wait3A_410] : memref<32x1000000xf32, #tpu.memory_space<hbm>> -> memref<32x128xf32, #tpu.memory_space<hbm>>
    tpu.wait_dma2 semaphore(%dma_wait3A_404 : memref<!tpu.dma_semaphore, #tpu.memory_space<semaphore_mem>>) src(%dma_wait3A_411 : memref<32x128xf32, #tpu.memory_space<hbm>>) dst(%dma_wait3A_408 : memref<32x128xf32, #tpu.memory_space<vmem>>)
    %dma_wait3A_412 = arith.constant 3 : i32
    %dma_wait3A_413 = arith.constant 3 : i32
    %dma_wait3A_414 = arith.constant 0 : i32
    %dma_wait3A_415 = arith.constant 0 : i32
    %dma_wait3A_416 = tpu.memref_slice %arg6[%dma_wait3A_412, %dma_wait3A_414, %dma_wait3A_415] : memref<8x32x128xf32, #tpu.memory_space<vmem>> -> memref<1x32x128xf32, #tpu.memory_space<vmem>>
    %dma_wait3A_417 = tpu.memref_squeeze %dma_wait3A_416 : memref<1x32x128xf32, #tpu.memory_space<vmem>> -> memref<32x128xf32, #tpu.memory_space<vmem>>
    %dma_wait3A_418 = arith.constant 0 : i32
    %dma_wait3A_419 = arith.constant 0 : i32
    %dma_wait3A_420 = tpu.memref_slice %arg2[%dma_wait3A_418, %dma_wait3A_419] : memref<32x1000000xf32, #tpu.memory_space<hbm>> -> memref<32x128xf32, #tpu.memory_space<hbm>>
    %dma_wait3A_421 = tpu.memref_slice %arg8[%dma_wait3A_413] : memref<8x!tpu.dma_semaphore, #tpu.memory_space<semaphore_mem>> -> memref<1x!tpu.dma_semaphore, #tpu.memory_space<semaphore_mem>>
    %dma_wait3A_422 = tpu.memref_squeeze %dma_wait3A_421 : memref<1x!tpu.dma_semaphore, #tpu.memory_space<semaphore_mem>> -> memref<!tpu.dma_semaphore, #tpu.memory_space<semaphore_mem>>
    %dma_wait3A_423 = arith.constant 0 : i32
    %dma_wait3A_424 = arith.constant 0 : i32
    %dma_wait3A_425 = tpu.memref_slice %arg6[%dma_wait3A_412, %dma_wait3A_423, %dma_wait3A_424] : memref<8x32x128xf32, #tpu.memory_space<vmem>> -> memref<1x32x128xf32, #tpu.memory_space<vmem>>
    %dma_wait3A_426 = tpu.memref_squeeze %dma_wait3A_425 : memref<1x32x128xf32, #tpu.memory_space<vmem>> -> memref<32x128xf32, #tpu.memory_space<vmem>>
    %dma_wait3A_427 = arith.constant 0 : i32
    %dma_wait3A_428 = arith.constant 0 : i32
    %dma_wait3A_429 = tpu.memref_slice %arg2[%dma_wait3A_427, %dma_wait3A_428] : memref<32x1000000xf32, #tpu.memory_space<hbm>> -> memref<32x128xf32, #tpu.memory_space<hbm>>
    tpu.wait_dma2 semaphore(%dma_wait3A_422 : memref<!tpu.dma_semaphore, #tpu.memory_space<semaphore_mem>>) src(%dma_wait3A_429 : memref<32x128xf32, #tpu.memory_space<hbm>>) dst(%dma_wait3A_426 : memref<32x128xf32, #tpu.memory_space<vmem>>)
    %dma_wait3A_430 = arith.constant 4 : i32
    %dma_wait3A_431 = arith.constant 4 : i32
    %dma_wait3A_432 = arith.constant 0 : i32
    %dma_wait3A_433 = arith.constant 0 : i32
    %dma_wait3A_434 = tpu.memref_slice %arg6[%dma_wait3A_430, %dma_wait3A_432, %dma_wait3A_433] : memref<8x32x128xf32, #tpu.memory_space<vmem>> -> memref<1x32x128xf32, #tpu.memory_space<vmem>>
    %dma_wait3A_435 = tpu.memref_squeeze %dma_wait3A_434 : memref<1x32x128xf32, #tpu.memory_space<vmem>> -> memref<32x128xf32, #tpu.memory_space<vmem>>
    %dma_wait3A_436 = arith.constant 0 : i32
    %dma_wait3A_437 = arith.constant 0 : i32
    %dma_wait3A_438 = tpu.memref_slice %arg2[%dma_wait3A_436, %dma_wait3A_437] : memref<32x1000000xf32, #tpu.memory_space<hbm>> -> memref<32x128xf32, #tpu.memory_space<hbm>>
    %dma_wait3A_439 = tpu.memref_slice %arg8[%dma_wait3A_431] : memref<8x!tpu.dma_semaphore, #tpu.memory_space<semaphore_mem>> -> memref<1x!tpu.dma_semaphore, #tpu.memory_space<semaphore_mem>>
    %dma_wait3A_440 = tpu.memref_squeeze %dma_wait3A_439 : memref<1x!tpu.dma_semaphore, #tpu.memory_space<semaphore_mem>> -> memref<!tpu.dma_semaphore, #tpu.memory_space<semaphore_mem>>
    %dma_wait3A_441 = arith.constant 0 : i32
    %dma_wait3A_442 = arith.constant 0 : i32
    %dma_wait3A_443 = tpu.memref_slice %arg6[%dma_wait3A_430, %dma_wait3A_441, %dma_wait3A_442] : memref<8x32x128xf32, #tpu.memory_space<vmem>> -> memref<1x32x128xf32, #tpu.memory_space<vmem>>
    %dma_wait3A_444 = tpu.memref_squeeze %dma_wait3A_443 : memref<1x32x128xf32, #tpu.memory_space<vmem>> -> memref<32x128xf32, #tpu.memory_space<vmem>>
    %dma_wait3A_445 = arith.constant 0 : i32
    %dma_wait3A_446 = arith.constant 0 : i32
    %dma_wait3A_447 = tpu.memref_slice %arg2[%dma_wait3A_445, %dma_wait3A_446] : memref<32x1000000xf32, #tpu.memory_space<hbm>> -> memref<32x128xf32, #tpu.memory_space<hbm>>
    tpu.wait_dma2 semaphore(%dma_wait3A_440 : memref<!tpu.dma_semaphore, #tpu.memory_space<semaphore_mem>>) src(%dma_wait3A_447 : memref<32x128xf32, #tpu.memory_space<hbm>>) dst(%dma_wait3A_444 : memref<32x128xf32, #tpu.memory_space<vmem>>)
    %dma_wait3A_448 = arith.constant 5 : i32
    %dma_wait3A_449 = arith.constant 5 : i32
    %dma_wait3A_450 = arith.constant 0 : i32
    %dma_wait3A_451 = arith.constant 0 : i32
    %dma_wait3A_452 = tpu.memref_slice %arg6[%dma_wait3A_448, %dma_wait3A_450, %dma_wait3A_451] : memref<8x32x128xf32, #tpu.memory_space<vmem>> -> memref<1x32x128xf32, #tpu.memory_space<vmem>>
    %dma_wait3A_453 = tpu.memref_squeeze %dma_wait3A_452 : memref<1x32x128xf32, #tpu.memory_space<vmem>> -> memref<32x128xf32, #tpu.memory_space<vmem>>
    %dma_wait3A_454 = arith.constant 0 : i32
    %dma_wait3A_455 = arith.constant 0 : i32
    %dma_wait3A_456 = tpu.memref_slice %arg2[%dma_wait3A_454, %dma_wait3A_455] : memref<32x1000000xf32, #tpu.memory_space<hbm>> -> memref<32x128xf32, #tpu.memory_space<hbm>>
    %dma_wait3A_457 = tpu.memref_slice %arg8[%dma_wait3A_449] : memref<8x!tpu.dma_semaphore, #tpu.memory_space<semaphore_mem>> -> memref<1x!tpu.dma_semaphore, #tpu.memory_space<semaphore_mem>>
    %dma_wait3A_458 = tpu.memref_squeeze %dma_wait3A_457 : memref<1x!tpu.dma_semaphore, #tpu.memory_space<semaphore_mem>> -> memref<!tpu.dma_semaphore, #tpu.memory_space<semaphore_mem>>
    %dma_wait3A_459 = arith.constant 0 : i32
    %dma_wait3A_460 = arith.constant 0 : i32
    %dma_wait3A_461 = tpu.memref_slice %arg6[%dma_wait3A_448, %dma_wait3A_459, %dma_wait3A_460] : memref<8x32x128xf32, #tpu.memory_space<vmem>> -> memref<1x32x128xf32, #tpu.memory_space<vmem>>
    %dma_wait3A_462 = tpu.memref_squeeze %dma_wait3A_461 : memref<1x32x128xf32, #tpu.memory_space<vmem>> -> memref<32x128xf32, #tpu.memory_space<vmem>>
    %dma_wait3A_463 = arith.constant 0 : i32
    %dma_wait3A_464 = arith.constant 0 : i32
    %dma_wait3A_465 = tpu.memref_slice %arg2[%dma_wait3A_463, %dma_wait3A_464] : memref<32x1000000xf32, #tpu.memory_space<hbm>> -> memref<32x128xf32, #tpu.memory_space<hbm>>
    tpu.wait_dma2 semaphore(%dma_wait3A_458 : memref<!tpu.dma_semaphore, #tpu.memory_space<semaphore_mem>>) src(%dma_wait3A_465 : memref<32x128xf32, #tpu.memory_space<hbm>>) dst(%dma_wait3A_462 : memref<32x128xf32, #tpu.memory_space<vmem>>)
    %dma_wait3A_466 = arith.constant 6 : i32
    %dma_wait3A_467 = arith.constant 6 : i32
    %dma_wait3A_468 = arith.constant 0 : i32
    %dma_wait3A_469 = arith.constant 0 : i32
    %dma_wait3A_470 = tpu.memref_slice %arg6[%dma_wait3A_466, %dma_wait3A_468, %dma_wait3A_469] : memref<8x32x128xf32, #tpu.memory_space<vmem>> -> memref<1x32x128xf32, #tpu.memory_space<vmem>>
    %dma_wait3A_471 = tpu.memref_squeeze %dma_wait3A_470 : memref<1x32x128xf32, #tpu.memory_space<vmem>> -> memref<32x128xf32, #tpu.memory_space<vmem>>
    %dma_wait3A_472 = arith.constant 0 : i32
    %dma_wait3A_473 = arith.constant 0 : i32
    %dma_wait3A_474 = tpu.memref_slice %arg2[%dma_wait3A_472, %dma_wait3A_473] : memref<32x1000000xf32, #tpu.memory_space<hbm>> -> memref<32x128xf32, #tpu.memory_space<hbm>>
    %dma_wait3A_475 = tpu.memref_slice %arg8[%dma_wait3A_467] : memref<8x!tpu.dma_semaphore, #tpu.memory_space<semaphore_mem>> -> memref<1x!tpu.dma_semaphore, #tpu.memory_space<semaphore_mem>>
    %dma_wait3A_476 = tpu.memref_squeeze %dma_wait3A_475 : memref<1x!tpu.dma_semaphore, #tpu.memory_space<semaphore_mem>> -> memref<!tpu.dma_semaphore, #tpu.memory_space<semaphore_mem>>
    %dma_wait3A_477 = arith.constant 0 : i32
    %dma_wait3A_478 = arith.constant 0 : i32
    %dma_wait3A_479 = tpu.memref_slice %arg6[%dma_wait3A_466, %dma_wait3A_477, %dma_wait3A_478] : memref<8x32x128xf32, #tpu.memory_space<vmem>> -> memref<1x32x128xf32, #tpu.memory_space<vmem>>
    %dma_wait3A_480 = tpu.memref_squeeze %dma_wait3A_479 : memref<1x32x128xf32, #tpu.memory_space<vmem>> -> memref<32x128xf32, #tpu.memory_space<vmem>>
    %dma_wait3A_481 = arith.constant 0 : i32
    %dma_wait3A_482 = arith.constant 0 : i32
    %dma_wait3A_483 = tpu.memref_slice %arg2[%dma_wait3A_481, %dma_wait3A_482] : memref<32x1000000xf32, #tpu.memory_space<hbm>> -> memref<32x128xf32, #tpu.memory_space<hbm>>
    tpu.wait_dma2 semaphore(%dma_wait3A_476 : memref<!tpu.dma_semaphore, #tpu.memory_space<semaphore_mem>>) src(%dma_wait3A_483 : memref<32x128xf32, #tpu.memory_space<hbm>>) dst(%dma_wait3A_480 : memref<32x128xf32, #tpu.memory_space<vmem>>)
    %dma_wait3A_484 = arith.constant 7 : i32
    %dma_wait3A_485 = arith.constant 7 : i32
    %dma_wait3A_486 = arith.constant 0 : i32
    %dma_wait3A_487 = arith.constant 0 : i32
    %dma_wait3A_488 = tpu.memref_slice %arg6[%dma_wait3A_484, %dma_wait3A_486, %dma_wait3A_487] : memref<8x32x128xf32, #tpu.memory_space<vmem>> -> memref<1x32x128xf32, #tpu.memory_space<vmem>>
    %dma_wait3A_489 = tpu.memref_squeeze %dma_wait3A_488 : memref<1x32x128xf32, #tpu.memory_space<vmem>> -> memref<32x128xf32, #tpu.memory_space<vmem>>
    %dma_wait3A_490 = arith.constant 0 : i32
    %dma_wait3A_491 = arith.constant 0 : i32
    %dma_wait3A_492 = tpu.memref_slice %arg2[%dma_wait3A_490, %dma_wait3A_491] : memref<32x1000000xf32, #tpu.memory_space<hbm>> -> memref<32x128xf32, #tpu.memory_space<hbm>>
    %dma_wait3A_493 = tpu.memref_slice %arg8[%dma_wait3A_485] : memref<8x!tpu.dma_semaphore, #tpu.memory_space<semaphore_mem>> -> memref<1x!tpu.dma_semaphore, #tpu.memory_space<semaphore_mem>>
    %dma_wait3A_494 = tpu.memref_squeeze %dma_wait3A_493 : memref<1x!tpu.dma_semaphore, #tpu.memory_space<semaphore_mem>> -> memref<!tpu.dma_semaphore, #tpu.memory_space<semaphore_mem>>
    %dma_wait3A_495 = arith.constant 0 : i32
    %dma_wait3A_496 = arith.constant 0 : i32
    %dma_wait3A_497 = tpu.memref_slice %arg6[%dma_wait3A_484, %dma_wait3A_495, %dma_wait3A_496] : memref<8x32x128xf32, #tpu.memory_space<vmem>> -> memref<1x32x128xf32, #tpu.memory_space<vmem>>
    %dma_wait3A_498 = tpu.memref_squeeze %dma_wait3A_497 : memref<1x32x128xf32, #tpu.memory_space<vmem>> -> memref<32x128xf32, #tpu.memory_space<vmem>>
    %dma_wait3A_499 = arith.constant 0 : i32
    %dma_wait3A_500 = arith.constant 0 : i32
    %dma_wait3A_501 = tpu.memref_slice %arg2[%dma_wait3A_499, %dma_wait3A_500] : memref<32x1000000xf32, #tpu.memory_space<hbm>> -> memref<32x128xf32, #tpu.memory_space<hbm>>
    tpu.wait_dma2 semaphore(%dma_wait3A_494 : memref<!tpu.dma_semaphore, #tpu.memory_space<semaphore_mem>>) src(%dma_wait3A_501 : memref<32x128xf32, #tpu.memory_space<hbm>>) dst(%dma_wait3A_498 : memref<32x128xf32, #tpu.memory_space<vmem>>)
    "tpu.region"() ({
      %run_scoped3A = tpu.sem_alloc : memref<!tpu.dma_semaphore, #tpu.memory_space<semaphore_mem>>
      %dma_start3A_502 = arith.constant 0 : i32
      %dma_start3A_503 = tpu.memref_slice %arg4[%dma_start3A_502, %mul3A_2] : memref<32x16384xf32, #tpu.memory_space<hbm>> -> memref<32x512xf32, #tpu.memory_space<hbm>>
      %dma_start3A_504 = arith.constant 0 : i32
      %dma_start3A_505 = tpu.memref_slice %arg4[%dma_start3A_504, %mul3A_2] : memref<32x16384xf32, #tpu.memory_space<hbm>> -> memref<32x512xf32, #tpu.memory_space<hbm>>
      tpu.enqueue_dma source(%arg7 : memref<32x512xf32, #tpu.memory_space<vmem>>) target(%dma_start3A_505 : memref<32x512xf32, #tpu.memory_space<hbm>>) target_semaphore(%run_scoped3A : memref<!tpu.dma_semaphore, #tpu.memory_space<semaphore_mem>>)
      %dma_wait3A_506 = arith.constant 0 : i32
      %dma_wait3A_507 = tpu.memref_slice %arg4[%dma_wait3A_506, %mul3A_2] : memref<32x16384xf32, #tpu.memory_space<hbm>> -> memref<32x512xf32, #tpu.memory_space<hbm>>
      %dma_wait3A_508 = arith.constant 0 : i32
      %dma_wait3A_509 = tpu.memref_slice %arg4[%dma_wait3A_508, %mul3A_2] : memref<32x16384xf32, #tpu.memory_space<hbm>> -> memref<32x512xf32, #tpu.memory_space<hbm>>
      tpu.wait_dma2 semaphore(%run_scoped3A : memref<!tpu.dma_semaphore, #tpu.memory_space<semaphore_mem>>) src(%arg7 : memref<32x512xf32, #tpu.memory_space<vmem>>) dst(%dma_wait3A_509 : memref<32x512xf32, #tpu.memory_space<hbm>>)
      tpu.yield
    }) : () -> ()
    return
  }
}

</mosaic_0001>

<sc_bundles>
// kernel: kernel.3.cloned.1.call-start
scs
__scs_entry_jumppad:
0x0: {  	(pc) =	sbr.rel $0x88, $3  }
0x1: {  	(tag) =	ssettag $0x0;
	lr =	simm.s32 $0x1  }
0x2: {  	[smem:$0x3F9F] =	sst lr;
	_ =	strace $0xD0000000  }
0x3: {  	_ = 	snop  }
0x4: {  	_ = 	snop  }
0x5: {  	_ = 	snop  }
0x6: {  	_ = 	snop  }
0x7: {  	_ = 	snop  }
__scs_overlays_trampoline_lowered:
0x8: {  	[smem:$0x3FAE] =	sst s0  }
0x9: {  	[smem:$0x3FAF] =	sst s1  }
0xa: {  	[smem:$0x3FB0] =	sst s2  }
0xb: {  	[smem:$0x3FB1] =	sst s3  }
0xc: {  	[smem:$0x3FB2] =	sst s4  }
0xd: {  	[smem:$0x3FB3] =	sst s5  }
0xe: {  	[smem:$0x3FB4] =	sst s6  }
0xf: {  	[smem:$0x3FB5] =	sst s7  }
0x10: {  	[smem:$0x3FB6] =	sst s8  }
0x11: {  	[smem:$0x3FB7] =	sst s9;
	s0 =	simm.s32 @!p0 $0x0  }
0x12: {  	s1 =	sld [smem:$0x3F9D];
	s0 =	simm.s32 @p0 $0x1  }
0x13: {  	[smem:$0x3FB8] =	sst s0;
	s0 =	simm.s32 @!p1 $0x0  }
0x14: {  	s2 =	sld [smem:$0x3F9C];
	s0 =	simm.s32 @p1 $0x1  }
0x15: {  	[smem:$0x3FB9] =	sst s0;
	s0 =	simm.s32 @!p2 $0x0  }
0x16: {  	s3 =	sld [smem:$0x3FDB];
	s0 =	simm.s32 @p2 $0x1  }
0x17: {  	s4 =	simm.s32 $0x1BF5;
	[smem:$0x3FBB] =	sst s0  }
0x18: {  	s0 =	sld [smem:$0x3F9E];
	_ =	swait.ge [sflag:s4], $0x0  }
0x19: {  	s7 =	sld [smem:$0x3F9F]  }
0x1a: {  	s8 =	sadd.s32 $0xFFFFE003, lr  }
0x1b: {  	s9 =	sadd.s32 $0xFFFFFEF7, lr;
	s5 =	simm.s32 $0xFFFFFFFF;
	p2 =	slt.u32 s8, $0xFFFFF086  }
0x1c: {  	p1 =	slt.u32 s9, $0xF7A;
	s5 =	simm.s32 @!p2 $0x0  }
0x1d: {  	s5 =	simm.s32 @p1 $0x1;
	p0 =	seq.s32 s7, s2  }
0x1e: {  	s7 =	smul.u32 @!p0 $0xF7A, s2;
	p2 =	seq.s32 @!p0 s5, $0x0  }
0x1f: {  	s9 =	smul.u32 $0xF7A, s1;
	s8 =	simm.s32 @!p0 $0x1BF5;
	p2 =	por !p2, p0  }
0x20: {  	[sflag:s8] =	ssyncset.s32 @!p0 $0xFFFFF086;
	s6 =	sadd.s32 @!p0 s3, s7;
	s7 =	simm.s32 @!p0 $0x108  }
0x21: {  	s3 =	sadd.s32 s3, s9;
	s6 =	sadd.s32 @!p0 $0x88, s6;
	s7 =	simm.s32 @p2 $0x1082  }
0x22: {  	[simem:s7], [sflag:s8] =	dma.local @!p0 [hbm:s6], $0xF7A  }
0x23: {  	s9 =	sor.u32 $0xD0000000, s2;
	s6 =	simm.s32 $0x108;
	_ =	swait.ge @!p0 [sflag:s8], $0x0  }
0x24: {  	s3 =	sadd.s32 $0x88, s3;
	s6 =	simm.s32 @!p1 $0x1082;
	[sflag:s4] =	ssyncset.s32 $0xFFFFF086  }
0x25: {  	[simem:s6], [sflag:s4] =	dma.local [hbm:s3], $0xF7A  }
0x26: {  	[smem:$0x3F9F] =	sst s1;
	(tag) =	ssettag s2;
	_ =	strace s9  }
0x27: {  	s1 =	sld [smem:$0x3FAF]  }
0x28: {  	s2 =	sld [smem:$0x3FB0]  }
0x29: {  	s4 =	sld [smem:$0x3FB2]  }
0x2a: {  	p0 =	seq.s32 s5, $0x0;
	s5 =	sld [smem:$0x3FB3]  }
0x2b: {  	s6 =	sld [smem:$0x3FB4]  }
0x2c: {  	s7 =	sld [smem:$0x3FB5]  }
0x2d: {  	s3 =	simm.s32 $0x108;
	s8 =	sld [smem:$0x3FB6]  }
0x2e: {  	s3 =	simm.s32 @!p0 $0x1082;
	s9 =	sld [smem:$0x3FB7]  }
0x2f: {  	lr =	sadd.s32 s0, s3;
	s0 =	sld [smem:$0x3FAE]  }
0x30: {  	s3 =	sld [smem:$0x3FB1]  }
0x31: {  	[smem:$0x3FBA] =	sst s10  }
0x32: {  	s10 =	sld [smem:$0x3FB8];
	_ =	sdelay $0x3  }
0x33: {  	p0 =	seq.s32 s10, $0x1;
	s10 =	sld [smem:$0x3FBA];
	_ =	sdelay $0x3  }
0x34: {  	[smem:$0x3FBA] =	sst s10  }
0x35: {  	s10 =	sld [smem:$0x3FB9];
	_ =	sdelay $0x3  }
0x36: {  	p1 =	seq.s32 s10, $0x1;
	s10 =	sld [smem:$0x3FBA];
	_ =	sdelay $0x3  }
0x37: {  	[smem:$0x3FBA] =	sst s10  }
0x38: {  	s10 =	sld [smem:$0x3FBB]  }
0x39: {  	_ = 	snop;
	(pc) =	sbr.ind lr, $3  }
0x3a: {  	_ = 	snop  }
0x3b: {  	_ = 	snop  }
0x3c: {  	p2 =	seq.s32 s10, $0x1;
	s10 =	sld [smem:$0x3FBA]  }
0x3d: {  	_ =	shalt  }
0x3e: {  	_ =	shalt  }
0x3f: {  	_ =	shalt  }
0x40: {  	_ =	shalt  }
0x41: {  	_ =	shalt  }
0x42: {  	_ =	shalt  }
0x43: {  	_ =	shalt  }
0x44: {  	_ =	shalt  }
0x45: {  	_ =	shalt  }
0x46: {  	_ =	shalt  }
0x47: {  	_ =	shalt  }
0x48: {  	_ =	shalt  }
0x49: {  	_ =	shalt  }
0x4a: {  	_ =	shalt  }
0x4b: {  	_ =	shalt  }
0x4c: {  	_ =	shalt  }
0x4d: {  	_ =	shalt  }
0x4e: {  	_ =	shalt  }
0x4f: {  	_ =	shalt  }
0x50: {  	_ =	shalt  }
0x51: {  	_ =	shalt  }
0x52: {  	_ =	shalt  }
0x53: {  	_ =	shalt  }
0x54: {  	_ =	shalt  }
0x55: {  	_ =	shalt  }
0x56: {  	_ =	shalt  }
0x57: {  	_ =	shalt  }
0x58: {  	_ =	shalt  }
0x59: {  	_ =	shalt  }
0x5a: {  	_ =	shalt  }
0x5b: {  	_ =	shalt  }
0x5c: {  	_ =	shalt  }
0x5d: {  	_ =	shalt  }
0x5e: {  	_ =	shalt  }
0x5f: {  	_ =	shalt  }
0x60: {  	_ =	shalt  }
0x61: {  	_ =	shalt  }
0x62: {  	_ =	shalt  }
0x63: {  	_ =	shalt  }
0x64: {  	_ =	shalt  }
0x65: {  	_ =	shalt  }
0x66: {  	_ =	shalt  }
0x67: {  	_ =	shalt  }
0x68: {  	_ =	shalt  }
0x69: {  	_ =	shalt  }
0x6a: {  	_ =	shalt  }
0x6b: {  	_ =	shalt  }
0x6c: {  	_ =	shalt  }
0x6d: {  	_ =	shalt  }
0x6e: {  	_ =	shalt  }
0x6f: {  	_ =	shalt  }
0x70: {  	_ =	shalt  }
0x71: {  	_ =	shalt  }
0x72: {  	_ =	shalt  }
0x73: {  	_ =	shalt  }
0x74: {  	_ =	shalt  }
0x75: {  	_ =	shalt  }
0x76: {  	_ =	shalt  }
0x77: {  	_ =	shalt  }
0x78: {  	_ =	shalt  }
0x79: {  	_ =	shalt  }
0x7a: {  	_ =	shalt  }
0x7b: {  	_ =	shalt  }
0x7c: {  	_ =	shalt  }
0x7d: {  	_ =	shalt  }
0x7e: {  	_ =	shalt  }
0x7f: {  	_ =	shalt  }
0x80: {  	_ =	shalt  }
0x81: {  	_ =	shalt  }
0x82: {  	_ =	shalt  }
0x83: {  	_ =	shalt  }
0x84: {  	_ =	shalt  }
0x85: {  	_ =	shalt  }
0x86: {  	_ =	shalt  }
0x87: {  	_ =	shalt  }
.Lfunc_end0:
.L_simem_size_0:
called_computation_lowered:
.L_overlay_start_0:
0x88: {  	s2 =	sld [smem:$0x3FD9]  }
0x89: {  	s3 =	sld [smem:$0x3FFE];
	_ =	sdelay $0x1  }
0x8a: {  	s1 =	srdreg.scid  }
0x8b: {  	s0 =	sand.u32 $0x1, s1  }
0x8c: {  	s18 =	sshll.u32 s0, $0xA;
	s2 =	sadd.s32 s3, s2  }
0x8d: {  	s2 =	sadd.s32 s2, s18  }
0x8e: {  	[smem:$0x3FC6] =	sst s2  }
0x8f: {  	_ = 	snop  }
0x90: {  	s2 =	sld [smem:$0x3FC9]  }
0x91: {  	s19 =	sld [smem:$0x3FC8]  }
0x92: {  	s4 =	sld [smem:$0x3FD0];
	(tm) =	ssettm $0x1  }
0x93: {  	s5 =	sld [smem:$0x3FFB];
	_ =	sdelay $0x3  }
0x94: {  	_ =	strace s5  }
0x95: {  	s5 =	sld [smem:$0x3FFC];
	_ =	sdelay $0x3  }
0x96: {  	_ =	strace s5  }
0x97: {  	s5 =	sld [smem:$0x3FFD];
	_ =	sdelay $0x3  }
0x98: {  	_ =	strace s5  }
0x99: {  	_ =	strace $0x8FFFFFFF  }
0x9a: {  	s20 =	sld [smem:$0x3FDB];
	_ =	sdelay $0x1  }
0x9b: {  	s6 =	simm.s32 $_scs_section_size  }
0x9c: {  	s7 =	simm.s32 $_size__tile_overlayer_lowered;
	s8 =	simm.s32 $_tile_overlayer_lowered  }
0x9d: {  	s23 =	simm.s32 $0x1BFF;
	s22 =	sshll.u32 s8, $0x1;
	s5 =	sadd.s32 s6, s20  }
0x9e: {  	s9 =	simm.s32 $0x0;
	s21 =	sshll.u32 s7, $0x1;
	s7 =	sadd.s32 s22, s5  }
0x9f: {  	[timem:s9], [sflag:s23] =	dma.local [hbm:s7], s21  }
0xa0: {  	_ =	swait.ge [sflag:s23], s21  }
0xa1: {  	s6 =	ssub.s32 $0x0, s21;
	[sflag:s23] =	ssyncset.done $0x0  }
0xa2: {  	[sflag:s23] =	ssyncadd.s32 s6;
	_ =	sdelay $0x1  }
0xa3: {  	s24 =	simm.s32 $0x1B8B  }
0xa4: {  	_ =	swait.ge [sflag:s24], $0x1  }
0xa5: {  	[sflag:s24] =	ssyncset.done $0x0  }
0xa6: {  	s25 =	simm.s32 $0x1B8E;
	[sflag:s24] =	ssyncadd.s32 $0xFFFFFFFF  }
0xa7: {  	s26 =	simm.s32 $execute0_lowered;
	[smem:$0x3FD2] =	sst s25  }
0xa8: {  	s6 =	sshll.u32 s26, $0x1;
	_ =	strace $0x80000046;
	[dreg:$0x1] =	wrdreg $0xFFFFFFFF  }
0xa9: {  	s28 =	simm.s32 $_size_execute0_lowered;
	s5 =	sadd.s32 s5, s6;
	[dreg:$0x0] =	wrdreg $0x0  }
0xaa: {  	s6 =	sshll.u32 s28, $0x1;
	[dreg:$0x2] =	wrdreg s5  }
0xab: {  	[dreg:$0x3] =	wrdreg s6  }
0xac: {  	[dreg:$0x4] =	wrdreg $0xC0  }
0xad: {  	_ =	task [dreg:s9], $0x5FFFF  }
0xae: {  	[dreg:$0x1] =	wrdreg $0xFFFFFFFF  }
0xaf: {  	[dreg:$0x0] =	wrdreg $0x60  }
0xb0: {  	[dreg:$0x2] =	wrdreg s19  }
0xb1: {  	[dreg:$0x3] =	wrdreg s2  }
0xb2: {  	[dreg:$0x4] =	wrdreg s4  }
0xb3: {  	[dreg:$0x5] =	wrdreg $0x9  }
0xb4: {  	_ =	task.clear_ibuf [dreg:s9], $0x6FFFF;
	_ =	strace $0x90000046  }
0xb5: {  	s29 =	simm.s32 $0x9;
	_ =	strace $0x80000048  }
0xb6: {  	_ =	swait.ge [sflag:s29], $0x1  }
0xb7: {  	[sflag:s29] =	ssyncadd.s32 $0xFFFFFFFF  }
0xb8: {  	_ =	strace $0x90000048  }
0xb9: {  	_ =	sfence  }
0xba: {  	s30 =	sld [smem:$0x0];
	_ =	sdelay $0x2  }
0xbb: {  	s31 =	sshll.u32 s1, $0xD;
	s1 =	sshrl.u32 s1, $0x2  }
0xbc: {  	s3 =	sand.u32 $0x4000, s31;
	s1 =	sadd.s32 s1, s30  }
0xbd: {  	s0 =	sor.u32 s3, s0;
	s1 =	sshll.u32 s1, $0x11  }
0xbe: {  	s0 =	sor.u32 s1, s0  }
0xbf: {  	s0 =	sadd.s32 $0x8F2B, s0  }
0xc0: {  	[sflag:s0] =	ssyncadd.remote.s32 $0x1  }
0xc1: {  	_ =	sfence.sel $0xFFFF  }
0xc2: {  	[dreg:$0x0] =	wrdreg $0xFFFFFFFF;
	(pc) =	sbr.abs _section_cstart, $3  }
0xc3: {  	[dreg:$0x1] =	wrdreg $0xFFFFFFFF  }
0xc4: {  	_ =	task.clear_ibuf [dreg:s9], $0x2FFFF;
	_ =	strace $0x9FFFFFFF  }
0xc5: {  	(tm) =	ssettm $0x7FFFFFFF  }
tec
execute0_lowered:
.L_overlay_start_1:
0x0: {  	(tag) =	ssettag $0x1  }
0x1: {  	v0 =	vimm.s32 $0x0;
	v1 =	vlaneseq.u32  }
0x2: {  	v2 =	vimm.s32 $0x1380;
	vm0 =	vcmask $0x300;
	vm1 =	vcmask $0x704  }
0x3: {  	v3 =	vimm.s32 $0x3380;
	vm2 =	vcmask $0xB08;
	vm4 =	vcmask $0xF0C  }
0x4: {  	vm5 =	vcmask $0x1310;
	vm6 =	vcmask $0x1714;
	vm7 =	vcmask $0x1B18  }
0x5: {  	vm8 =	vcmask $0x1F1C;
	vm9 =	vcmask $0x2320;
	vm10 =	vcmask $0x2724  }
0x6: {  	s23 =	rddreg [dreg:$0x0];
	vm11 =	vcmask $0x2B28;
	vm12 =	vcmask $0x2F2C;
	vm13 =	vcmask $0x3330  }
0x7: {  	s1 =	rddreg [dreg:$0x1];
	vm14 =	vcmask $0x3734;
	v2 =	vsel vm0, $0x0, v2;
	v3 =	vsel vm0, $0x2000, v3  }
0x8: {  	s2 =	rddreg [dreg:$0x2];
	v1 =	vmul.u32 $0x80, v1;
	v2 =	vsel vm1, $0x80, v2;
	v3 =	vsel vm1, $0x2080, v3  }
0x9: {  	s3 =	srdreg.scid;
	s4 =	stileid.u32;
	vm15 =	vcmask $0x3B38;
	v2 =	vsel vm2, $0x100, v2;
	v3 =	vsel vm2, $0x2100, v3  }
0xa: {  	s6 =	simm.s32 $0x0;
	s8 =	simm.s32 $0x400;
	s10 =	simm.s32 $0x7A1400;
	v6 =	vor.u32 $0x1800, v1;
	v7 =	vor.u32 $0x2000, v1;
	v2 =	vsel vm4, $0x180, v2  }
0xb: {  	s20 =	simm.s32 $0x1;
	s11 =	simm.s32 $0x280;
	s9 =	simm.s32 $0x1280;
	v8 =	vor.u32 $0x2800, v1;
	v3 =	vsel vm4, $0x2180, v3;
	v2 =	vsel vm5, $0x200, v2  }
0xc: {  	s7 =	simm.s32 $0x5280;
	s12 =	simm.s32 $0x6280;
	s13 =	simm.s32 $0x7280;
	v9 =	vor.u32 $0x3000, v1;
	v3 =	vsel vm5, $0x2200, v3;
	v2 =	vsel vm6, $0x280, v2  }
0xd: {  	s19 =	simm.s32 $0x8280;
	s29 =	simm.s32 $0x3;
	s30 =	simm.s32 $0x4;
	v10 =	vor.u32 $0x3800, v1;
	v3 =	vsel vm6, $0x2280, v3;
	v2 =	vsel vm7, $0x300, v2  }
0xe: {  	s15 =	simm.s32 $0x6;
	s17 =	simm.s32 $0x7;
	s21 =	simm.s32 $0x5;
	v11 =	vor.u32 $0x4000, v1;
	v3 =	vsel vm7, $0x2300, v3;
	v2 =	vsel vm8, $0x380, v2  }
0xf: {  	s24 =	simm.s32 $0x8;
	s3 =	sand.u32 $0x1, s3;
	s4 =	sshll.u32 s4, $0xA;
	v12 =	vor.u32 $0x4800, v1;
	v3 =	vsel vm8, $0x2380, v3;
	v2 =	vsel vm9, $0x1000, v2  }
0x10: {  	[smem:$0x7FF] =	sst s6;
	s6 =	simm.s32 $0x4280;
	s5 =	sshll.u32 s3, $0x9;
	v13 =	vor.u32 $0x5000, v1;
	v3 =	vsel vm9, $0x3000, v3;
	v2 =	vsel vm10, $0x1080, v2  }
0x11: {  	s3 =	ssub.s32 $0x2, s3;
	_ =	strace $0x80000047;
	s4 =	sor.u32 s5, s4;
	v14 =	vor.u32 $0x5800, v1;
	v3 =	vsel vm10, $0x3080, v3;
	v2 =	vsel vm11, $0x1100, v2  }
0x12: {  	s25 =	sshrl.u32 s3, $0x1;
	s5 =	simm.s32 $0x3280;
	v15 =	vor.u32 $0x6000, v1;
	s26 =	sshrl.u32 s4, $0x3;
	v3 =	vsel vm11, $0x3100, v3;
	v2 =	vsel vm12, $0x1180, v2  }
0x13: {  	v16 =	vor.u32 $0x6800, v1;
	s3 =	ssub.s32 s3, s25;
	s28 =	sadd.s32 s2, s4;
	s4 =	simm.s32 $0x2280;
	v3 =	vsel vm12, $0x3180, v3;
	v2 =	vsel vm13, $0x1200, v2  }
0x14: {  	v17 =	vor.u32 $0x7000, v1;
	s2 =	simm.s32 $0x0;
	s1 =	sadd.s32 s1, s26;
	[dreg:$0x5] =	wrdreg s28;
	v5 =	vsel vm13, $0x3200, v3;
	v4 =	vsel vm14, $0x1280, v2  }
0x15: {  	v18 =	vor.u32 $0x7800, v1;
	s25 =	simm.s32 $0x6;
	s31 =	smax.u32 s3, $0x1;
	[dreg:$0x4] =	wrdreg s1;
	v3 =	vsel vm15, $0x1300, v4;
	v4 =	vsel vm14, $0x3280, v5  }
0x16: {  	s3 =	simm.s32 $0x9;
	s26 =	simm.s32 $0x7;
	[dreg:$0x6] =	wrdreg s31;
	v2 =	vor.u32 $0x800, v1;
	v5 =	vor.u32 $0x1000, v1;
	v4 =	vsel vm15, $0x3300, v4  }
.LBB2_1:
0x17: {  	[dreg:$0x7] =	wrdreg s2  }
0x18: {  	s1 =	simm.s32 $0x0;
	s28 =	rddreg [dreg:$0x4]  }
0x19: {  	[tilespmem:s1], [sflag:$0x9] =	stream.linear.gather [hbm4b:s28+s1], $0x200, $0x38;
	[tilespmem:$0xC280] =	vst v63  }
0x1a: {  	_ =	swait.ge [sflag:s3], $0x200  }
0x1b: {  	[sflag:s3] =	ssyncset.done $0x0  }
0x1c: {  	[sflag:s3] =	ssyncadd.s32 $0xFFFFFE00  }
0x1d: {  	v19 =	vld [tilespmem:$0x0];
	_ =	sdelay $0x4  }
0x1e: {  	(v2sf) =	vpush v19, $0x0;
	_ =	sdelay $0x5  }
0x1f: {  	(v2sf) =	vpush v19, $0x1;
	_ =	sdelay $0x8  }
0x20: {  	s0 =	spop (v2sf)  }
0x21: {  	(v2sf) =	vpush v19, $0x2;
	s3 =	sand.u32 $0x7F, s0  }
0x22: {  	s14 =	sshra.s32 s0, $0x1F;
	p1 =	slt.s32 s0, $0x1;
	p0 =	sne.s32 s3, $0x0  }
0x23: {  	s2 =	sshrl.u32 s14, $0x19;
	p0 =	por !p1, !p0  }
0x24: {  	s1 =	sadd.s32 s2, s0;
	s2 =	simm.s32 $0x1;
	p0 =	por !p0, !p0  }
0x25: {  	s1 =	sshrl.u32 s1, $0x7;
	s2 =	simm.s32 @!p0 $0x0  }
0x26: {  	s16 =	spop (v2sf);
	s1 =	ssub.s32 s1, s2  }
0x27: {  	s18 =	sand.u32 $0x7F, s16;
	s22 =	sshra.s32 s16, $0x1F;
	s1 =	sshll.u32 s1, $0x7  }
0x28: {  	(v2sf) =	vpush v19, $0x3;
	p6 =	slt.s32 s16, $0x1;
	p5 =	sne.s32 s18, $0x0;
	s1 =	sand.u32 $0x1FFFFF80, s1  }
0x29: {  	[tilespmem:$0x200] =	vst v0;
	p0 =	por !p6, !p5;
	s2 =	sshrl.u32 s22, $0x19;
	s1 =	sadd.s32 s23, s1  }
0x2a: {  	[tilespmem:s11], [sflag:$0x1] =	stream.strided.gather [hbm4b:s1+s8], $0x1000, s10, s8, $0x38;
	[tilespmem:$0xC280] =	vst v63  }
0x2b: {  	p0 =	por !p0, !p0;
	s1 =	sadd.s32 s2, s16;
	s2 =	simm.s32 $0x1  }
0x2c: {  	s1 =	sshrl.u32 s1, $0x7;
	s2 =	simm.s32 @!p0 $0x0  }
0x2d: {  	s1 =	ssub.s32 s1, s2  }
0x2e: {  	s1 =	sshll.u32 s1, $0x7  }
0x2f: {  	s1 =	sand.u32 $0x1FFFFF80, s1  }
0x30: {  	s1 =	sadd.s32 s23, s1;
	s28 =	spop (v2sf)  }
0x31: {  	[tilespmem:s9], [sflag:$0x2] =	stream.strided.gather [hbm4b:s1+s8], $0x1000, s10, s8, $0x38;
	[tilespmem:$0xC280] =	vst v63  }
0x32: {  	(v2sf) =	vpush v19, $0x4;
	s0 =	sand.u32 $0x7F, s28  }
0x33: {  	s3 =	sshra.s32 s28, $0x1F;
	p2 =	slt.s32 s28, $0x1;
	p1 =	sne.s32 s0, $0x0  }
0x34: {  	s2 =	sshrl.u32 s3, $0x19;
	p0 =	por !p2, !p1  }
0x35: {  	s1 =	sadd.s32 s2, s28;
	s2 =	simm.s32 $0x1;
	p0 =	por !p0, !p0  }
0x36: {  	s1 =	sshrl.u32 s1, $0x7;
	s2 =	simm.s32 @!p0 $0x0  }
0x37: {  	s14 =	spop (v2sf);
	s1 =	ssub.s32 s1, s2  }
0x38: {  	s16 =	sand.u32 $0x7F, s14;
	s18 =	sshra.s32 s14, $0x1F;
	s1 =	sshll.u32 s1, $0x7  }
0x39: {  	(v2sf) =	vpush v19, $0x5;
	p4 =	slt.s32 s14, $0x1;
	p3 =	sne.s32 s16, $0x0;
	s1 =	sand.u32 $0x1FFFFF80, s1  }
0x3a: {  	p0 =	por !p4, !p3;
	s2 =	sshrl.u32 s18, $0x19;
	s1 =	sadd.s32 s23, s1  }
0x3b: {  	[tilespmem:s4], [sflag:$0x3] =	stream.strided.gather [hbm4b:s1+s8], $0x1000, s10, s8, $0x38;
	[tilespmem:$0xC280] =	vst v63  }
0x3c: {  	p0 =	por !p0, !p0;
	s1 =	sadd.s32 s2, s14;
	s2 =	simm.s32 $0x1  }
0x3d: {  	s1 =	sshrl.u32 s1, $0x7;
	s2 =	simm.s32 @!p0 $0x0  }
0x3e: {  	s1 =	ssub.s32 s1, s2  }
0x3f: {  	s1 =	sshll.u32 s1, $0x7  }
0x40: {  	s1 =	sand.u32 $0x1FFFFF80, s1  }
0x41: {  	s1 =	sadd.s32 s23, s1;
	s22 =	spop (v2sf)  }
0x42: {  	[tilespmem:s5], [sflag:$0x4] =	stream.strided.gather [hbm4b:s1+s8], $0x1000, s10, s8, $0x38;
	[tilespmem:$0xC280] =	vst v63  }
0x43: {  	(v2sf) =	vpush v19, $0x6;
	s28 =	sand.u32 $0x7F, s22  }
0x44: {  	s0 =	sshra.s32 s22, $0x1F;
	p6 =	slt.s32 s22, $0x1;
	p5 =	sne.s32 s28, $0x0  }
0x45: {  	s2 =	sshrl.u32 s0, $0x19;
	p0 =	por !p6, !p5  }
0x46: {  	s1 =	sadd.s32 s2, s22;
	s2 =	simm.s32 $0x1;
	p0 =	por !p0, !p0  }
0x47: {  	s1 =	sshrl.u32 s1, $0x7;
	s2 =	simm.s32 @!p0 $0x0  }
0x48: {  	s3 =	spop (v2sf);
	s1 =	ssub.s32 s1, s2  }
0x49: {  	s4 =	sand.u32 $0x7F, s3;
	s5 =	sshra.s32 s3, $0x1F;
	s1 =	sshll.u32 s1, $0x7  }
0x4a: {  	(v2sf) =	vpush v19, $0x7;
	p2 =	slt.s32 s3, $0x1;
	p1 =	sne.s32 s4, $0x0;
	s1 =	sand.u32 $0x1FFFFF80, s1  }
0x4b: {  	p0 =	por !p2, !p1;
	s2 =	sshrl.u32 s5, $0x19;
	s1 =	sadd.s32 s23, s1  }
0x4c: {  	[tilespmem:s6], [sflag:$0x5] =	stream.strided.gather [hbm4b:s1+s8], $0x1000, s10, s8, $0x38;
	[tilespmem:$0xC280] =	vst v63  }
0x4d: {  	p0 =	por !p0, !p0;
	s1 =	sadd.s32 s2, s3;
	s2 =	simm.s32 $0x1  }
0x4e: {  	s1 =	sshrl.u32 s1, $0x7;
	s2 =	simm.s32 @!p0 $0x0  }
0x4f: {  	s1 =	ssub.s32 s1, s2  }
0x50: {  	s1 =	sshll.u32 s1, $0x7  }
0x51: {  	s1 =	sand.u32 $0x1FFFFF80, s1  }
0x52: {  	s6 =	spop (v2sf);
	s1 =	sadd.s32 s23, s1  }
0x53: {  	[tilespmem:s7], [sflag:$0x6] =	stream.strided.gather [hbm4b:s1+s8], $0x1000, s10, s8, $0x38;
	[tilespmem:$0xC280] =	vst v63  }
0x54: {  	s14 =	sand.u32 $0x7F, s6  }
0x55: {  	s16 =	sshra.s32 s6, $0x1F;
	p4 =	slt.s32 s6, $0x1;
	p3 =	sne.s32 s14, $0x0  }
0x56: {  	s1 =	sshrl.u32 s16, $0x19;
	p0 =	por !p4, !p3  }
0x57: {  	s2 =	simm.s32 $0x1;
	s1 =	sadd.s32 s1, s6;
	p0 =	por !p0, !p0  }
0x58: {  	s1 =	sshrl.u32 s1, $0x7;
	s2 =	simm.s32 @!p0 $0x0  }
0x59: {  	s18 =	spop (v2sf);
	s1 =	ssub.s32 s1, s2  }
0x5a: {  	s22 =	sand.u32 $0x7F, s18;
	s28 =	sshra.s32 s18, $0x1F;
	s1 =	sshll.u32 s1, $0x7  }
0x5b: {  	p6 =	slt.s32 s18, $0x1;
	p5 =	sne.s32 s22, $0x0;
	s1 =	sand.u32 $0x1FFFFF80, s1  }
0x5c: {  	p0 =	por !p6, !p5;
	s2 =	sshrl.u32 s28, $0x19;
	s1 =	sadd.s32 s23, s1  }
0x5d: {  	[tilespmem:s12], [sflag:$0x7] =	stream.strided.gather [hbm4b:s1+s8], $0x1000, s10, s8, $0x38;
	[tilespmem:$0xC280] =	vst v63  }
0x5e: {  	p0 =	por !p0, !p0;
	s1 =	sadd.s32 s2, s18;
	s2 =	simm.s32 $0x1  }
0x5f: {  	s1 =	sshrl.u32 s1, $0x7;
	s2 =	simm.s32 @!p0 $0x0  }
0x60: {  	s1 =	ssub.s32 s1, s2  }
0x61: {  	s1 =	sshll.u32 s1, $0x7  }
0x62: {  	s1 =	sand.u32 $0x1FFFFF80, s1  }
0x63: {  	s1 =	sadd.s32 s23, s1  }
0x64: {  	[tilespmem:s13], [sflag:$0x8] =	stream.strided.gather [hbm4b:s1+s8], $0x1000, s10, s8, $0x38;
	[tilespmem:$0xC280] =	vst v63  }
0x65: {  	s31 =	simm.s32 $0xF;
	s1 =	simm.s32 $0x10  }
.LBB2_2:
0x66: {  	v20 =	vld [tilespmem:s1+$0xFFFFFFF0];
	_ =	sdelay $0x3  }
0x67: {  	v19 =	vld [tilespmem:s1+$0x0];
	_ =	swait.ge [sflag:s20], $0x1000  }
0x68: {  	(v2sf) =	vpush v20, $0x0;
	_ =	sdelay $0x4  }
0x69: {  	(v2sf) =	vpush v20, $0x8;
	_ =	sdelay $0x9  }
0x6a: {  	s2 =	spop (v2sf)  }
0x6b: {  	s3 =	sshra.s32 s2, $0x1F  }
0x6c: {  	s3 =	sshrl.u32 s3, $0x19  }
0x6d: {  	s3 =	sadd.s32 s3, s2  }
0x6e: {  	s3 =	sand.u32 $0xFFFFFF80, s3  }
0x6f: {  	s3 =	ssub.s32 s2, s3;
	s2 =	spop (v2sf)  }
0x70: {  	s4 =	sadd.s32 $0xFFFFFFF1, s31;
	v21 =	vadd.s32 s3, v1;
	s5 =	sshra.s32 s2, $0x1F  }
0x71: {  	v22 =	vmov s4;
	v23 =	vadd.s32 s3, v2;
	s16 =	sshrl.u32 s5, $0x19  }
0x72: {  	v24 =	vshll.u32 v22, $0x3;
	s3 =	sadd.s32 s16, s2  }
0x73: {  	[sflag:s20] =	ssyncset.done $0x0;
	v22 =	vand.u32 $0x70, v22;
	v24 =	vand.u32 $0xC00, v24;
	s28 =	sand.u32 $0xFFFFFF80, s3  }
0x74: {  	[sflag:s20] =	ssyncadd.s32 $0xFFFFF000;
	v22 =	vor.u32 v22, v24;
	p0 =	slt.s32 s2, $0x1;
	p1 =	sne.s32 s2, s28  }
0x75: {  	v24 =	vor.u32 v3, v22;
	v21 =	vld.idx.msk [tilespmem:v21+s11+$0x0], $0xffff;
	p0 =	por !p0, !p1  }
0x76: {  	s4 =	simm.s32 $0x1;
	v22 =	vor.u32 v4, v22;
	v23 =	vld.idx.msk [tilespmem:v23+s11+$0x0], $0xffff;
	p0 =	por !p0, !p0  }
0x77: {  	s3 =	sshrl.u32 s3, $0x7;
	s4 =	simm.s32 @!p0 $0x0  }
0x78: {  	s3 =	ssub.s32 s3, s4  }
0x79: {  	s3 =	sshll.u32 s3, $0x7  }
0x7a: {  	[tilespmem:v24+s19+$0x0] =	vst.idx.msk $0xffff, v21;
	s3 =	sand.u32 $0x1FFFFF80, s3  }
0x7b: {  	s0 =	simm.s32 $0x2;
	[tilespmem:v22+s19+$0x0] =	vst.idx.msk $0xffff, v23;
	s3 =	sadd.s32 s23, s3  }
0x7c: {  	[tilespmem:s11], [sflag:$0x1] =	stream.strided.gather [hbm4b:s3+s8], $0x1000, s10, s8, $0x38;
	[tilespmem:$0xC280] =	vst v63  }
0x7d: {  	_ =	swait.ge [sflag:s0], $0x1000  }
0x7e: {  	(v2sf) =	vpush v20, $0x1;
	_ =	sdelay $0x4  }
0x7f: {  	(v2sf) =	vpush v20, $0x9;
	_ =	sdelay $0x9  }
0x80: {  	s18 =	spop (v2sf)  }
0x81: {  	s20 =	sshra.s32 s18, $0x1F  }
0x82: {  	s4 =	sshrl.u32 s20, $0x19  }
0x83: {  	s4 =	sadd.s32 s4, s18  }
0x84: {  	s4 =	sand.u32 $0xFFFFFF80, s4  }
0x85: {  	s3 =	spop (v2sf);
	s4 =	ssub.s32 s18, s4  }
0x86: {  	s22 =	sadd.s32 $0xFFFFFFF2, s31;
	s6 =	sshra.s32 s3, $0x1F;
	v50 =	vadd.s32 s4, v5  }
0x87: {  	v51 =	vmov s22;
	s7 =	sshrl.u32 s6, $0x19;
	v52 =	vadd.s32 s4, v6  }
0x88: {  	v53 =	vshll.u32 v51, $0x3;
	s12 =	sadd.s32 s7, s3  }
0x89: {  	v24 =	vand.u32 $0xC00, v53;
	v22 =	vand.u32 $0x71, v51;
	[sflag:s0] =	ssyncset.done $0x0;
	s4 =	sand.u32 $0xFFFFFF80, s12  }
0x8a: {  	v22 =	vor.u32 v22, v24;
	[sflag:s0] =	ssyncadd.s32 $0xFFFFF000;
	p1 =	slt.s32 s3, $0x1;
	p2 =	sne.s32 s3, s4  }
0x8b: {  	v24 =	vor.u32 v3, v22;
	p0 =	por !p1, !p2;
	v21 =	vld.idx.msk [tilespmem:v50+s11+$0x0], $0xffff  }
0x8c: {  	v22 =	vor.u32 v4, v22;
	s6 =	simm.s32 $0x1;
	p0 =	por !p0, !p0;
	v23 =	vld.idx.msk [tilespmem:v52+s11+$0x0], $0xffff  }
0x8d: {  	s5 =	sshrl.u32 s12, $0x7;
	s6 =	simm.s32 @!p0 $0x0  }
0x8e: {  	s5 =	ssub.s32 s5, s6  }
0x8f: {  	s5 =	sshll.u32 s5, $0x7  }
0x90: {  	s5 =	sand.u32 $0x1FFFFF80, s5;
	[tilespmem:v24+s19+$0x0] =	vst.idx.msk $0xffff, v21  }
0x91: {  	s5 =	sadd.s32 s23, s5;
	[tilespmem:v22+s19+$0x0] =	vst.idx.msk $0xffff, v23  }
0x92: {  	[tilespmem:s9], [sflag:$0x2] =	stream.strided.gather [hbm4b:s5+s8], $0x1000, s10, s8, $0x38;
	[tilespmem:$0xC280] =	vst v63  }
0x93: {  	_ =	swait.ge [sflag:s29], $0x1000  }
0x94: {  	(v2sf) =	vpush v20, $0x2;
	_ =	sdelay $0x4  }
0x95: {  	(v2sf) =	vpush v20, $0xA;
	_ =	sdelay $0x9  }
0x96: {  	s13 =	spop (v2sf)  }
0x97: {  	s14 =	sshra.s32 s13, $0x1F  }
0x98: {  	s6 =	sshrl.u32 s14, $0x19  }
0x99: {  	s6 =	sadd.s32 s6, s13  }
0x9a: {  	s6 =	sand.u32 $0xFFFFFF80, s6  }
0x9b: {  	s29 =	spop (v2sf);
	s5 =	ssub.s32 s13, s6  }
0x9c: {  	s16 =	sadd.s32 $0xFFFFFFF3, s31;
	s7 =	sshra.s32 s29, $0x1F;
	v54 =	vadd.s32 s5, v7  }
0x9d: {  	v55 =	vmov s16;
	s18 =	sshrl.u32 s7, $0x19;
	v56 =	vadd.s32 s5, v8  }
0x9e: {  	v57 =	vshll.u32 v55, $0x3;
	s20 =	simm.s32 $0x3;
	s5 =	sadd.s32 s18, s29  }
0x9f: {  	s22 =	simm.s32 $0x3;
	v24 =	vand.u32 $0xC00, v57;
	v22 =	vand.u32 $0x72, v55;
	[sflag:s20] =	ssyncset.done $0x0;
	s6 =	sand.u32 $0xFFFFFF80, s5  }
0xa0: {  	v22 =	vor.u32 v22, v24;
	[sflag:s22] =	ssyncadd.s32 $0xFFFFF000;
	p3 =	slt.s32 s29, $0x1;
	p4 =	sne.s32 s29, s6  }
0xa1: {  	v24 =	vor.u32 v3, v22;
	p0 =	por !p3, !p4;
	v21 =	vld.idx.msk [tilespmem:v54+s11+$0x0], $0xffff  }
0xa2: {  	v22 =	vor.u32 v4, v22;
	s7 =	simm.s32 $0x1;
	p0 =	por !p0, !p0;
	v23 =	vld.idx.msk [tilespmem:v56+s11+$0x0], $0xffff  }
0xa3: {  	s5 =	sshrl.u32 s5, $0x7;
	s7 =	simm.s32 @!p0 $0x0  }
0xa4: {  	s5 =	ssub.s32 s5, s7  }
0xa5: {  	s5 =	sshll.u32 s5, $0x7  }
0xa6: {  	s5 =	sand.u32 $0x1FFFFF80, s5;
	[tilespmem:v24+s19+$0x0] =	vst.idx.msk $0xffff, v21  }
0xa7: {  	s9 =	simm.s32 $0x2280;
	s5 =	sadd.s32 s23, s5;
	[tilespmem:v22+s19+$0x0] =	vst.idx.msk $0xffff, v23  }
0xa8: {  	[tilespmem:s9], [sflag:$0x3] =	stream.strided.gather [hbm4b:s5+s8], $0x1000, s10, s8, $0x38;
	[tilespmem:$0xC280] =	vst v63  }
0xa9: {  	_ =	swait.ge [sflag:s30], $0x1000  }
0xaa: {  	(v2sf) =	vpush v20, $0x3;
	_ =	sdelay $0x4  }
0xab: {  	(v2sf) =	vpush v20, $0xB;
	_ =	sdelay $0x9  }
0xac: {  	s12 =	spop (v2sf)  }
0xad: {  	s13 =	sshra.s32 s12, $0x1F  }
0xae: {  	s7 =	sshrl.u32 s13, $0x19  }
0xaf: {  	s7 =	sadd.s32 s7, s12  }
0xb0: {  	s7 =	sand.u32 $0xFFFFFF80, s7  }
0xb1: {  	s5 =	spop (v2sf);
	s7 =	ssub.s32 s12, s7  }
0xb2: {  	s13 =	sshra.s32 s5, $0x1F;
	s12 =	sadd.s32 $0xFFFFFFF4, s31;
	v58 =	vadd.s32 s7, v9  }
0xb3: {  	s14 =	sshrl.u32 s13, $0x19;
	v59 =	vmov s12;
	v60 =	vadd.s32 s7, v10  }
0xb4: {  	s7 =	sadd.s32 s14, s5;
	v61 =	vshll.u32 v59, $0x3  }
0xb5: {  	s16 =	simm.s32 $0x4;
	[sflag:s30] =	ssyncset.done $0x0;
	v22 =	vand.u32 $0x73, v59;
	s30 =	sand.u32 $0xFFFFFF80, s7;
	v24 =	vand.u32 $0xC00, v61  }
0xb6: {  	[sflag:s16] =	ssyncadd.s32 $0xFFFFF000;
	p5 =	slt.s32 s5, $0x1;
	p6 =	sne.s32 s5, s30;
	v22 =	vor.u32 v22, v24  }
0xb7: {  	p0 =	por !p5, !p6;
	v24 =	vor.u32 v3, v22;
	v21 =	vld.idx.msk [tilespmem:v58+s11+$0x0], $0xffff  }
0xb8: {  	s12 =	simm.s32 $0x1;
	v22 =	vor.u32 v4, v22;
	p0 =	por !p0, !p0;
	v23 =	vld.idx.msk [tilespmem:v60+s11+$0x0], $0xffff  }
0xb9: {  	s7 =	sshrl.u32 s7, $0x7;
	s12 =	simm.s32 @!p0 $0x0  }
0xba: {  	s7 =	ssub.s32 s7, s12  }
0xbb: {  	s7 =	sshll.u32 s7, $0x7  }
0xbc: {  	s7 =	sand.u32 $0x1FFFFF80, s7;
	[tilespmem:v24+s19+$0x0] =	vst.idx.msk $0xffff, v21  }
0xbd: {  	s18 =	simm.s32 $0x3280;
	s7 =	sadd.s32 s23, s7;
	[tilespmem:v22+s19+$0x0] =	vst.idx.msk $0xffff, v23  }
0xbe: {  	[tilespmem:s18], [sflag:$0x4] =	stream.strided.gather [hbm4b:s7+s8], $0x1000, s10, s8, $0x38;
	[tilespmem:$0xC280] =	vst v63  }
0xbf: {  	_ =	swait.ge [sflag:s21], $0x1000  }
0xc0: {  	(v2sf) =	vpush v20, $0x4;
	_ =	sdelay $0x4  }
0xc1: {  	(v2sf) =	vpush v20, $0xC;
	_ =	sdelay $0x9  }
0xc2: {  	s20 =	spop (v2sf)  }
0xc3: {  	s22 =	sshra.s32 s20, $0x1F  }
0xc4: {  	s12 =	sshrl.u32 s22, $0x19  }
0xc5: {  	s12 =	sadd.s32 s12, s20  }
0xc6: {  	s12 =	sand.u32 $0xFFFFFF80, s12  }
0xc7: {  	s7 =	spop (v2sf);
	s12 =	ssub.s32 s20, s12  }
0xc8: {  	s9 =	sadd.s32 $0xFFFFFFF5, s31;
	s14 =	sshra.s32 s7, $0x1F;
	v62 =	vadd.s32 s12, v11  }
0xc9: {  	v63 =	vmov s9;
	s16 =	sshrl.u32 s14, $0x19;
	v28 =	vadd.s32 s12, v12  }
0xca: {  	v29 =	vshll.u32 v63, $0x3;
	s12 =	sadd.s32 s16, s7  }
0xcb: {  	v24 =	vand.u32 $0xC00, v29;
	v22 =	vand.u32 $0x74, v63;
	[sflag:s21] =	ssyncset.done $0x0;
	s13 =	sand.u32 $0xFFFFFF80, s12  }
0xcc: {  	v22 =	vor.u32 v22, v24;
	[sflag:s21] =	ssyncadd.s32 $0xFFFFF000;
	p1 =	slt.s32 s7, $0x1;
	p2 =	sne.s32 s7, s13  }
0xcd: {  	v24 =	vor.u32 v3, v22;
	p0 =	por !p1, !p2;
	v21 =	vld.idx.msk [tilespmem:v62+s11+$0x0], $0xffff  }
0xce: {  	v22 =	vor.u32 v4, v22;
	s14 =	simm.s32 $0x1;
	p0 =	por !p0, !p0;
	v23 =	vld.idx.msk [tilespmem:v28+s11+$0x0], $0xffff  }
0xcf: {  	s12 =	sshrl.u32 s12, $0x7;
	s14 =	simm.s32 @!p0 $0x0  }
0xd0: {  	s12 =	ssub.s32 s12, s14  }
0xd1: {  	s12 =	sshll.u32 s12, $0x7  }
0xd2: {  	s12 =	sand.u32 $0x1FFFFF80, s12;
	[tilespmem:v24+s19+$0x0] =	vst.idx.msk $0xffff, v21  }
0xd3: {  	s18 =	simm.s32 $0x4280;
	s12 =	sadd.s32 s23, s12;
	[tilespmem:v22+s19+$0x0] =	vst.idx.msk $0xffff, v23  }
0xd4: {  	[tilespmem:s18], [sflag:$0x5] =	stream.strided.gather [hbm4b:s12+s8], $0x1000, s10, s8, $0x38;
	[tilespmem:$0xC280] =	vst v63  }
0xd5: {  	_ =	swait.ge [sflag:s15], $0x1000  }
0xd6: {  	(v2sf) =	vpush v20, $0x5;
	_ =	sdelay $0x4  }
0xd7: {  	(v2sf) =	vpush v20, $0xD;
	_ =	sdelay $0x9  }
0xd8: {  	s20 =	spop (v2sf)  }
0xd9: {  	s22 =	sshra.s32 s20, $0x1F  }
0xda: {  	s14 =	sshrl.u32 s22, $0x19  }
0xdb: {  	s14 =	sadd.s32 s14, s20  }
0xdc: {  	s14 =	sand.u32 $0xFFFFFF80, s14  }
0xdd: {  	s12 =	spop (v2sf);
	s14 =	ssub.s32 s20, s14  }
0xde: {  	s9 =	sadd.s32 $0xFFFFFFF6, s31;
	s16 =	sshra.s32 s12, $0x1F;
	v30 =	vadd.s32 s14, v13  }
0xdf: {  	v31 =	vmov s9;
	s16 =	sshrl.u32 s16, $0x19;
	v32 =	vadd.s32 s14, v14  }
0xe0: {  	v33 =	vshll.u32 v31, $0x3;
	s14 =	sadd.s32 s16, s12  }
0xe1: {  	v24 =	vand.u32 $0xC00, v33;
	v22 =	vand.u32 $0x75, v31;
	[sflag:s25] =	ssyncset.done $0x0;
	s15 =	sand.u32 $0xFFFFFF80, s14  }
0xe2: {  	v22 =	vor.u32 v22, v24;
	[sflag:s25] =	ssyncadd.s32 $0xFFFFF000;
	p3 =	slt.s32 s12, $0x1;
	p4 =	sne.s32 s12, s15  }
0xe3: {  	v24 =	vor.u32 v3, v22;
	p0 =	por !p3, !p4;
	v21 =	vld.idx.msk [tilespmem:v30+s11+$0x0], $0xffff  }
0xe4: {  	v22 =	vor.u32 v4, v22;
	s16 =	simm.s32 $0x1;
	p0 =	por !p0, !p0;
	v23 =	vld.idx.msk [tilespmem:v32+s11+$0x0], $0xffff  }
0xe5: {  	s14 =	sshrl.u32 s14, $0x7;
	s16 =	simm.s32 @!p0 $0x0  }
0xe6: {  	s14 =	ssub.s32 s14, s16  }
0xe7: {  	s14 =	sshll.u32 s14, $0x7  }
0xe8: {  	s14 =	sand.u32 $0x1FFFFF80, s14;
	[tilespmem:v24+s19+$0x0] =	vst.idx.msk $0xffff, v21  }
0xe9: {  	s18 =	simm.s32 $0x5280;
	s14 =	sadd.s32 s23, s14;
	[tilespmem:v22+s19+$0x0] =	vst.idx.msk $0xffff, v23  }
0xea: {  	[tilespmem:s18], [sflag:$0x6] =	stream.strided.gather [hbm4b:s14+s8], $0x1000, s10, s8, $0x38;
	[tilespmem:$0xC280] =	vst v63  }
0xeb: {  	_ =	swait.ge [sflag:s17], $0x1000  }
0xec: {  	(v2sf) =	vpush v20, $0x6;
	_ =	sdelay $0x4  }
0xed: {  	(v2sf) =	vpush v20, $0xE;
	_ =	sdelay $0x9  }
0xee: {  	s20 =	spop (v2sf)  }
0xef: {  	s22 =	sshra.s32 s20, $0x1F  }
0xf0: {  	s16 =	sshrl.u32 s22, $0x19  }
0xf1: {  	s16 =	sadd.s32 s16, s20  }
0xf2: {  	s16 =	sand.u32 $0xFFFFFF80, s16  }
0xf3: {  	s14 =	spop (v2sf);
	s16 =	ssub.s32 s20, s16  }
0xf4: {  	s9 =	sadd.s32 $0xFFFFFFF7, s31;
	s18 =	sshra.s32 s14, $0x1F;
	v34 =	vadd.s32 s16, v15  }
0xf5: {  	v35 =	vmov s9;
	s18 =	sshrl.u32 s18, $0x19;
	v36 =	vadd.s32 s16, v16  }
0xf6: {  	v37 =	vshll.u32 v35, $0x3;
	s16 =	sadd.s32 s18, s14  }
0xf7: {  	v24 =	vand.u32 $0xC00, v37;
	v22 =	vand.u32 $0x76, v35;
	[sflag:s26] =	ssyncset.done $0x0;
	s17 =	sand.u32 $0xFFFFFF80, s16  }
0xf8: {  	v22 =	vor.u32 v22, v24;
	[sflag:s26] =	ssyncadd.s32 $0xFFFFF000;
	p5 =	slt.s32 s14, $0x1;
	p6 =	sne.s32 s14, s17  }
0xf9: {  	v24 =	vor.u32 v3, v22;
	p0 =	por !p5, !p6;
	v21 =	vld.idx.msk [tilespmem:v34+s11+$0x0], $0xffff  }
0xfa: {  	v22 =	vor.u32 v4, v22;
	s18 =	simm.s32 $0x1;
	p0 =	por !p0, !p0;
	v23 =	vld.idx.msk [tilespmem:v36+s11+$0x0], $0xffff  }
0xfb: {  	s16 =	sshrl.u32 s16, $0x7;
	s18 =	simm.s32 @!p0 $0x0  }
0xfc: {  	s16 =	ssub.s32 s16, s18  }
0xfd: {  	s16 =	sshll.u32 s16, $0x7  }
0xfe: {  	s16 =	sand.u32 $0x1FFFFF80, s16;
	[tilespmem:v24+s19+$0x0] =	vst.idx.msk $0xffff, v21  }
0xff: {  	s20 =	simm.s32 $0x6280;
	s16 =	sadd.s32 s23, s16;
	[tilespmem:v22+s19+$0x0] =	vst.idx.msk $0xffff, v23  }
0x100: {  	[tilespmem:s20], [sflag:$0x7] =	stream.strided.gather [hbm4b:s16+s8], $0x1000, s10, s8, $0x38;
	[tilespmem:$0xC280] =	vst v63  }
0x101: {  	_ =	swait.ge [sflag:s24], $0x1000  }
0x102: {  	(v2sf) =	vpush v20, $0x7;
	_ =	sdelay $0x4  }
0x103: {  	(v2sf) =	vpush v20, $0xF;
	_ =	sdelay $0x9  }
0x104: {  	s22 =	spop (v2sf)  }
0x105: {  	s9 =	sshra.s32 s22, $0x1F  }
0x106: {  	s18 =	sshrl.u32 s9, $0x19  }
0x107: {  	s18 =	sadd.s32 s18, s22  }
0x108: {  	s18 =	sand.u32 $0xFFFFFF80, s18  }
0x109: {  	s16 =	spop (v2sf);
	s18 =	ssub.s32 s22, s18  }
0x10a: {  	s20 =	sadd.s32 $0xFFFFFFF8, s31;
	s22 =	sshra.s32 s16, $0x1F;
	v20 =	vadd.s32 s18, v17  }
0x10b: {  	v38 =	vmov s20;
	v39 =	vadd.s32 s18, v18;
	s22 =	sshrl.u32 s22, $0x19  }
0x10c: {  	v40 =	vshll.u32 v38, $0x3;
	s9 =	sadd.s32 s22, s16  }
0x10d: {  	[sflag:s24] =	ssyncset.done $0x0;
	v21 =	vand.u32 $0x77, v38;
	v23 =	vand.u32 $0xC00, v40;
	s18 =	sand.u32 $0xFFFFFF80, s9  }
0x10e: {  	[sflag:s24] =	ssyncadd.s32 $0xFFFFF000;
	v21 =	vor.u32 v21, v23;
	p1 =	slt.s32 s16, $0x1;
	p2 =	sne.s32 s16, s18  }
0x10f: {  	v23 =	vor.u32 v3, v21;
	p0 =	por !p1, !p2;
	v20 =	vld.idx.msk [tilespmem:v20+s11+$0x0], $0xffff  }
0x110: {  	s20 =	simm.s32 $0x1;
	v21 =	vor.u32 v4, v21;
	v22 =	vld.idx.msk [tilespmem:v39+s11+$0x0], $0xffff;
	p0 =	por !p0, !p0  }
0x111: {  	s9 =	sshrl.u32 s9, $0x7;
	s20 =	simm.s32 @!p0 $0x0  }
0x112: {  	s9 =	ssub.s32 s9, s20  }
0x113: {  	s9 =	sshll.u32 s9, $0x7  }
0x114: {  	s9 =	sand.u32 $0x1FFFFF80, s9;
	[tilespmem:v23+s19+$0x0] =	vst.idx.msk $0xffff, v20  }
0x115: {  	s22 =	simm.s32 $0x7280;
	s20 =	simm.s32 $0x1;
	s9 =	sadd.s32 s23, s9;
	[tilespmem:v21+s19+$0x0] =	vst.idx.msk $0xffff, v22  }
0x116: {  	[tilespmem:s22], [sflag:$0x8] =	stream.strided.gather [hbm4b:s9+s8], $0x1000, s10, s8, $0x38;
	[tilespmem:$0xC280] =	vst v63  }
0x117: {  	_ =	swait.ge [sflag:s20], $0x1000  }
0x118: {  	(v2sf) =	vpush v19, $0x0;
	_ =	sdelay $0xb  }
0x119: {  	s2 =	ssub.s32 s2, s28  }
0x11a: {  	s28 =	sadd.s32 $0xFFFFFFF9, s31;
	v20 =	vadd.s32 s2, v1  }
0x11b: {  	v41 =	vmov s28;
	v42 =	vadd.s32 s2, v2  }
0x11c: {  	v43 =	vshll.u32 v41, $0x3;
	[sflag:s20] =	ssyncset.done $0x0;
	s2 =	spop (v2sf)  }
0x11d: {  	v23 =	vand.u32 $0xC00, v43;
	v21 =	vand.u32 $0x78, v41;
	[sflag:s20] =	ssyncadd.s32 $0xFFFFF000;
	s28 =	sand.u32 $0x7F, s2  }
0x11e: {  	v21 =	vor.u32 v21, v23;
	p4 =	slt.s32 s2, $0x1;
	p3 =	sne.s32 s28, $0x0;
	s28 =	sshra.s32 s2, $0x1F  }
0x11f: {  	v23 =	vor.u32 v3, v21;
	v20 =	vld.idx.msk [tilespmem:v20+s11+$0x0], $0xffff;
	s9 =	sshrl.u32 s28, $0x19;
	p0 =	por !p4, !p3  }
0x120: {  	v21 =	vor.u32 v4, v21;
	v22 =	vld.idx.msk [tilespmem:v42+s11+$0x0], $0xffff;
	s2 =	sadd.s32 s9, s2;
	p0 =	por !p0, !p0;
	s9 =	simm.s32 $0x1  }
0x121: {  	s2 =	sshrl.u32 s2, $0x7;
	s9 =	simm.s32 @!p0 $0x0  }
0x122: {  	s2 =	ssub.s32 s2, s9  }
0x123: {  	s2 =	sshll.u32 s2, $0x7  }
0x124: {  	[tilespmem:v23+s19+$0x0] =	vst.idx.msk $0xffff, v20;
	s2 =	sand.u32 $0x1FFFFF80, s2  }
0x125: {  	[tilespmem:v21+s19+$0x0] =	vst.idx.msk $0xffff, v22;
	s2 =	sadd.s32 s23, s2  }
0x126: {  	[tilespmem:s11], [sflag:$0x1] =	stream.strided.gather [hbm4b:s2+s8], $0x1000, s10, s8, $0x38;
	[tilespmem:$0xC280] =	vst v63  }
0x127: {  	_ =	swait.ge [sflag:s0], $0x1000  }
0x128: {  	(v2sf) =	vpush v19, $0x1;
	_ =	sdelay $0xb  }
0x129: {  	s28 =	ssub.s32 s3, s4  }
0x12a: {  	s4 =	sadd.s32 $0xFFFFFFFA, s31;
	v20 =	vadd.s32 s28, v5  }
0x12b: {  	v44 =	vmov s4;
	v45 =	vadd.s32 s28, v6  }
0x12c: {  	v46 =	vshll.u32 v44, $0x3;
	[sflag:s0] =	ssyncset.done $0x0;
	s28 =	spop (v2sf)  }
0x12d: {  	v21 =	vand.u32 $0x79, v44;
	v23 =	vand.u32 $0xC00, v46;
	[sflag:s0] =	ssyncadd.s32 $0xFFFFF000;
	s0 =	sand.u32 $0x7F, s28  }
0x12e: {  	v21 =	vor.u32 v21, v23;
	s4 =	sshra.s32 s28, $0x1F;
	p6 =	slt.s32 s28, $0x1;
	p5 =	sne.s32 s0, $0x0  }
0x12f: {  	v23 =	vor.u32 v3, v21;
	v20 =	vld.idx.msk [tilespmem:v20+s11+$0x0], $0xffff;
	s3 =	sshrl.u32 s4, $0x19;
	p0 =	por !p6, !p5  }
0x130: {  	v21 =	vor.u32 v4, v21;
	v22 =	vld.idx.msk [tilespmem:v45+s11+$0x0], $0xffff;
	s2 =	sadd.s32 s3, s28;
	s3 =	simm.s32 $0x1;
	p0 =	por !p0, !p0  }
0x131: {  	s2 =	sshrl.u32 s2, $0x7;
	s3 =	simm.s32 @!p0 $0x0  }
0x132: {  	s2 =	ssub.s32 s2, s3  }
0x133: {  	s2 =	sshll.u32 s2, $0x7  }
0x134: {  	[tilespmem:v23+s19+$0x0] =	vst.idx.msk $0xffff, v20;
	s2 =	sand.u32 $0x1FFFFF80, s2  }
0x135: {  	s9 =	simm.s32 $0x1280;
	[tilespmem:v21+s19+$0x0] =	vst.idx.msk $0xffff, v22;
	s28 =	simm.s32 $0x3;
	s2 =	sadd.s32 s23, s2  }
0x136: {  	[tilespmem:s9], [sflag:$0x2] =	stream.strided.gather [hbm4b:s2+s8], $0x1000, s10, s8, $0x38;
	[tilespmem:$0xC280] =	vst v63  }
0x137: {  	_ =	swait.ge [sflag:s28], $0x1000  }
0x138: {  	(v2sf) =	vpush v19, $0x2;
	_ =	sdelay $0xb  }
0x139: {  	s0 =	ssub.s32 s29, s6  }
0x13a: {  	s4 =	sadd.s32 $0xFFFFFFFB, s31;
	v20 =	vadd.s32 s0, v7  }
0x13b: {  	s29 =	simm.s32 $0x3;
	v47 =	vmov s4;
	v48 =	vadd.s32 s0, v8  }
0x13c: {  	v49 =	vshll.u32 v47, $0x3;
	[sflag:s29] =	ssyncset.done $0x0;
	s6 =	spop (v2sf)  }
0x13d: {  	v21 =	vand.u32 $0x7A, v47;
	v23 =	vand.u32 $0xC00, v49;
	[sflag:s29] =	ssyncadd.s32 $0xFFFFF000;
	s28 =	sand.u32 $0x7F, s6  }
0x13e: {  	v21 =	vor.u32 v21, v23;
	s0 =	sshra.s32 s6, $0x1F;
	p2 =	slt.s32 s6, $0x1;
	p1 =	sne.s32 s28, $0x0  }
0x13f: {  	v23 =	vor.u32 v3, v21;
	v20 =	vld.idx.msk [tilespmem:v20+s11+$0x0], $0xffff;
	s3 =	sshrl.u32 s0, $0x19;
	p0 =	por !p2, !p1  }
0x140: {  	v21 =	vor.u32 v4, v21;
	v22 =	vld.idx.msk [tilespmem:v48+s11+$0x0], $0xffff;
	s2 =	sadd.s32 s3, s6;
	s3 =	simm.s32 $0x1;
	p0 =	por !p0, !p0  }
0x141: {  	s2 =	sshrl.u32 s2, $0x7;
	s3 =	simm.s32 @!p0 $0x0  }
0x142: {  	s2 =	ssub.s32 s2, s3  }
0x143: {  	s2 =	sshll.u32 s2, $0x7  }
0x144: {  	[tilespmem:v23+s19+$0x0] =	vst.idx.msk $0xffff, v20;
	s2 =	sand.u32 $0x1FFFFF80, s2  }
0x145: {  	s4 =	simm.s32 $0x4;
	[tilespmem:v21+s19+$0x0] =	vst.idx.msk $0xffff, v22;
	s3 =	simm.s32 $0x2280;
	s2 =	sadd.s32 s23, s2  }
0x146: {  	[tilespmem:s3], [sflag:$0x3] =	stream.strided.gather [hbm4b:s2+s8], $0x1000, s10, s8, $0x38;
	[tilespmem:$0xC280] =	vst v63  }
0x147: {  	_ =	swait.ge [sflag:s4], $0x1000  }
0x148: {  	(v2sf) =	vpush v19, $0x3;
	_ =	sdelay $0xb  }
0x149: {  	s6 =	ssub.s32 s5, s30  }
0x14a: {  	s28 =	sadd.s32 $0xFFFFFFFC, s31;
	v20 =	vadd.s32 s6, v9  }
0x14b: {  	s30 =	simm.s32 $0x4;
	v50 =	vmov s28;
	v51 =	vadd.s32 s6, v10  }
0x14c: {  	v52 =	vshll.u32 v50, $0x3;
	[sflag:s30] =	ssyncset.done $0x0;
	s0 =	spop (v2sf)  }
0x14d: {  	v21 =	vand.u32 $0x7B, v50;
	v23 =	vand.u32 $0xC00, v52;
	[sflag:s30] =	ssyncadd.s32 $0xFFFFF000;
	s4 =	sand.u32 $0x7F, s0  }
0x14e: {  	v21 =	vor.u32 v21, v23;
	s5 =	sshra.s32 s0, $0x1F;
	p4 =	slt.s32 s0, $0x1;
	p3 =	sne.s32 s4, $0x0  }
0x14f: {  	v23 =	vor.u32 v3, v21;
	v20 =	vld.idx.msk [tilespmem:v20+s11+$0x0], $0xffff;
	s3 =	sshrl.u32 s5, $0x19;
	p0 =	por !p4, !p3  }
0x150: {  	v21 =	vor.u32 v4, v21;
	v22 =	vld.idx.msk [tilespmem:v51+s11+$0x0], $0xffff;
	s2 =	sadd.s32 s3, s0;
	s3 =	simm.s32 $0x1;
	p0 =	por !p0, !p0  }
0x151: {  	s2 =	sshrl.u32 s2, $0x7;
	s3 =	simm.s32 @!p0 $0x0  }
0x152: {  	s2 =	ssub.s32 s2, s3  }
0x153: {  	s2 =	sshll.u32 s2, $0x7  }
0x154: {  	[tilespmem:v23+s19+$0x0] =	vst.idx.msk $0xffff, v20;
	s2 =	sand.u32 $0x1FFFFF80, s2  }
0x155: {  	s6 =	simm.s32 $0x3280;
	[tilespmem:v21+s19+$0x0] =	vst.idx.msk $0xffff, v22;
	s2 =	sadd.s32 s23, s2  }
0x156: {  	[tilespmem:s6], [sflag:$0x4] =	stream.strided.gather [hbm4b:s2+s8], $0x1000, s10, s8, $0x38;
	[tilespmem:$0xC280] =	vst v63  }
0x157: {  	_ =	swait.ge [sflag:s21], $0x1000  }
0x158: {  	(v2sf) =	vpush v19, $0x4;
	_ =	sdelay $0xb  }
0x159: {  	s13 =	ssub.s32 s7, s13  }
0x15a: {  	s28 =	sadd.s32 $0xFFFFFFFD, s31;
	v20 =	vadd.s32 s13, v11  }
0x15b: {  	v54 =	vadd.s32 s13, v12;
	v53 =	vmov s28  }
0x15c: {  	v55 =	vshll.u32 v53, $0x3;
	[sflag:s21] =	ssyncset.done $0x0;
	s0 =	spop (v2sf)  }
0x15d: {  	v23 =	vand.u32 $0xC00, v55;
	v21 =	vand.u32 $0x7C, v53;
	[sflag:s21] =	ssyncadd.s32 $0xFFFFF000;
	s4 =	sand.u32 $0x7F, s0  }
0x15e: {  	v21 =	vor.u32 v21, v23;
	s5 =	sshra.s32 s0, $0x1F;
	p6 =	slt.s32 s0, $0x1;
	p5 =	sne.s32 s4, $0x0  }
0x15f: {  	v23 =	vor.u32 v3, v21;
	v20 =	vld.idx.msk [tilespmem:v20+s11+$0x0], $0xffff;
	s3 =	sshrl.u32 s5, $0x19;
	p0 =	por !p6, !p5  }
0x160: {  	v21 =	vor.u32 v4, v21;
	v22 =	vld.idx.msk [tilespmem:v54+s11+$0x0], $0xffff;
	s2 =	sadd.s32 s3, s0;
	s3 =	simm.s32 $0x1;
	p0 =	por !p0, !p0  }
0x161: {  	s2 =	sshrl.u32 s2, $0x7;
	s3 =	simm.s32 @!p0 $0x0  }
0x162: {  	s2 =	ssub.s32 s2, s3  }
0x163: {  	s2 =	sshll.u32 s2, $0x7  }
0x164: {  	[tilespmem:v23+s19+$0x0] =	vst.idx.msk $0xffff, v20;
	s2 =	sand.u32 $0x1FFFFF80, s2  }
0x165: {  	s6 =	simm.s32 $0x4280;
	[tilespmem:v21+s19+$0x0] =	vst.idx.msk $0xffff, v22;
	s2 =	sadd.s32 s23, s2  }
0x166: {  	[tilespmem:s6], [sflag:$0x5] =	stream.strided.gather [hbm4b:s2+s8], $0x1000, s10, s8, $0x38;
	[tilespmem:$0xC280] =	vst v63  }
0x167: {  	_ =	swait.ge [sflag:s25], $0x1000  }
0x168: {  	(v2sf) =	vpush v19, $0x5;
	_ =	sdelay $0xb  }
0x169: {  	s7 =	ssub.s32 s12, s15  }
0x16a: {  	s12 =	sadd.s32 $0xFFFFFFFE, s31;
	v20 =	vadd.s32 s7, v13  }
0x16b: {  	s15 =	simm.s32 $0x6;
	v56 =	vmov s12;
	v57 =	vadd.s32 s7, v14  }
0x16c: {  	v58 =	vshll.u32 v56, $0x3;
	[sflag:s15] =	ssyncset.done $0x0;
	s13 =	spop (v2sf)  }
0x16d: {  	v23 =	vand.u32 $0xC00, v58;
	v21 =	vand.u32 $0x7D, v56;
	[sflag:s15] =	ssyncadd.s32 $0xFFFFF000;
	s28 =	sand.u32 $0x7F, s13  }
0x16e: {  	v21 =	vor.u32 v21, v23;
	s0 =	sshra.s32 s13, $0x1F;
	p2 =	slt.s32 s13, $0x1;
	p1 =	sne.s32 s28, $0x0  }
0x16f: {  	v23 =	vor.u32 v3, v21;
	v20 =	vld.idx.msk [tilespmem:v20+s11+$0x0], $0xffff;
	s3 =	sshrl.u32 s0, $0x19;
	p0 =	por !p2, !p1  }
0x170: {  	v21 =	vor.u32 v4, v21;
	v22 =	vld.idx.msk [tilespmem:v57+s11+$0x0], $0xffff;
	s2 =	sadd.s32 s3, s13;
	s3 =	simm.s32 $0x1;
	p0 =	por !p0, !p0  }
0x171: {  	s2 =	sshrl.u32 s2, $0x7;
	s3 =	simm.s32 @!p0 $0x0  }
0x172: {  	s2 =	ssub.s32 s2, s3  }
0x173: {  	s2 =	sshll.u32 s2, $0x7  }
0x174: {  	[tilespmem:v23+s19+$0x0] =	vst.idx.msk $0xffff, v20;
	s2 =	sand.u32 $0x1FFFFF80, s2  }
0x175: {  	[tilespmem:v21+s19+$0x0] =	vst.idx.msk $0xffff, v22;
	s3 =	simm.s32 $0x5280;
	s2 =	sadd.s32 s23, s2  }
0x176: {  	[tilespmem:s3], [sflag:$0x6] =	stream.strided.gather [hbm4b:s2+s8], $0x1000, s10, s8, $0x38;
	[tilespmem:$0xC280] =	vst v63  }
0x177: {  	_ =	swait.ge [sflag:s26], $0x1000  }
0x178: {  	(v2sf) =	vpush v19, $0x6;
	_ =	sdelay $0xb  }
0x179: {  	s4 =	ssub.s32 s14, s17  }
0x17a: {  	s5 =	sadd.s32 $0xFFFFFFFF, s31;
	v20 =	vadd.s32 s4, v15  }
0x17b: {  	s17 =	simm.s32 $0x7;
	v59 =	vmov s5;
	v60 =	vadd.s32 s4, v16  }
0x17c: {  	v61 =	vshll.u32 v59, $0x3;
	[sflag:s17] =	ssyncset.done $0x0;
	s6 =	spop (v2sf)  }
0x17d: {  	v23 =	vand.u32 $0xC00, v61;
	v21 =	vand.u32 $0x7E, v59;
	[sflag:s17] =	ssyncadd.s32 $0xFFFFF000;
	s7 =	sand.u32 $0x7F, s6  }
0x17e: {  	v21 =	vor.u32 v21, v23;
	s12 =	sshra.s32 s6, $0x1F;
	p4 =	slt.s32 s6, $0x1;
	p3 =	sne.s32 s7, $0x0  }
0x17f: {  	v23 =	vor.u32 v3, v21;
	v20 =	vld.idx.msk [tilespmem:v20+s11+$0x0], $0xffff;
	s3 =	sshrl.u32 s12, $0x19;
	p0 =	por !p4, !p3  }
0x180: {  	v21 =	vor.u32 v4, v21;
	v22 =	vld.idx.msk [tilespmem:v60+s11+$0x0], $0xffff;
	s2 =	sadd.s32 s3, s6;
	s3 =	simm.s32 $0x1;
	p0 =	por !p0, !p0  }
0x181: {  	s2 =	sshrl.u32 s2, $0x7;
	s3 =	simm.s32 @!p0 $0x0  }
0x182: {  	s2 =	ssub.s32 s2, s3  }
0x183: {  	s2 =	sshll.u32 s2, $0x7  }
0x184: {  	[tilespmem:v23+s19+$0x0] =	vst.idx.msk $0xffff, v20;
	s2 =	sand.u32 $0x1FFFFF80, s2  }
0x185: {  	s13 =	simm.s32 $0x6280;
	[tilespmem:v21+s19+$0x0] =	vst.idx.msk $0xffff, v22;
	s2 =	sadd.s32 s23, s2  }
0x186: {  	[tilespmem:s13], [sflag:$0x7] =	stream.strided.gather [hbm4b:s2+s8], $0x1000, s10, s8, $0x38;
	[tilespmem:$0xC280] =	vst v63  }
0x187: {  	_ =	swait.ge [sflag:s24], $0x1000  }
0x188: {  	(v2sf) =	vpush v19, $0x7;
	_ =	sdelay $0xb  }
0x189: {  	s14 =	ssub.s32 s16, s18  }
0x18a: {  	v19 =	vadd.s32 s14, v17  }
0x18b: {  	v62 =	vadd.s32 s14, v18;
	v20 =	vmov s31  }
0x18c: {  	v63 =	vshll.u32 v20, $0x3;
	[sflag:s24] =	ssyncset.done $0x0;
	s16 =	spop (v2sf)  }
0x18d: {  	v20 =	vand.u32 $0x7F, v20;
	v22 =	vand.u32 $0xC00, v63;
	[sflag:s24] =	ssyncadd.s32 $0xFFFFF000;
	s18 =	sand.u32 $0x7F, s16  }
0x18e: {  	v20 =	vor.u32 v20, v22;
	s28 =	sshra.s32 s16, $0x1F;
	p6 =	slt.s32 s16, $0x1;
	p5 =	sne.s32 s18, $0x0  }
0x18f: {  	v22 =	vor.u32 v3, v20;
	v19 =	vld.idx.msk [tilespmem:v19+s11+$0x0], $0xffff;
	s3 =	sshrl.u32 s28, $0x19;
	p0 =	por !p6, !p5  }
0x190: {  	v20 =	vor.u32 v4, v20;
	v21 =	vld.idx.msk [tilespmem:v62+s11+$0x0], $0xffff;
	s2 =	sadd.s32 s3, s16;
	s3 =	simm.s32 $0x1;
	p0 =	por !p0, !p0  }
0x191: {  	s2 =	sshrl.u32 s2, $0x7;
	s3 =	simm.s32 @!p0 $0x0;
	p0 =	sne.s32 s31, $0x1FF  }
.Ltmp0:
0x192: {  	s2 =	ssub.s32 s2, s3;
	(pc) =	sbr.rel @p0 .LBB2_2-.Ltmp0, $4  }
0x193: {  	s2 =	sshll.u32 s2, $0x7  }
0x194: {  	s1 =	sadd.s32 $0x10, s1;
	[tilespmem:v22+s19+$0x0] =	vst.idx.msk $0xffff, v19;
	s2 =	sand.u32 $0x1FFFFF80, s2  }
0x195: {  	s22 =	simm.s32 $0x7280;
	[tilespmem:v20+s19+$0x0] =	vst.idx.msk $0xffff, v21;
	s31 =	sadd.s32 $0x10, s31;
	s2 =	sadd.s32 s23, s2  }
0x196: {  	[tilespmem:s22], [sflag:$0x8] =	stream.strided.gather [hbm4b:s2+s8], $0x1000, s10, s8, $0x38;
	[tilespmem:$0xC280] =	vst v63  }
0x197: {  	_ =	swait.ge [sflag:s20], $0x1000  }
0x198: {  	[sflag:s20] =	ssyncset.done $0x0  }
0x199: {  	s0 =	simm.s32 $0x2;
	[sflag:s20] =	ssyncadd.s32 $0xFFFFF000  }
0x19a: {  	_ =	swait.ge [sflag:s0], $0x1000  }
0x19b: {  	[sflag:s0] =	ssyncset.done $0x0  }
0x19c: {  	[sflag:s0] =	ssyncadd.s32 $0xFFFFF000  }
0x19d: {  	_ =	swait.ge [sflag:s29], $0x1000  }
0x19e: {  	[sflag:s29] =	ssyncset.done $0x0  }
0x19f: {  	[sflag:s29] =	ssyncadd.s32 $0xFFFFF000  }
0x1a0: {  	_ =	swait.ge [sflag:s30], $0x1000  }
0x1a1: {  	[sflag:s30] =	ssyncset.done $0x0  }
0x1a2: {  	s1 =	simm.s32 $0x5;
	[sflag:s30] =	ssyncadd.s32 $0xFFFFF000  }
0x1a3: {  	_ =	swait.ge [sflag:s1], $0x1000  }
0x1a4: {  	[sflag:s1] =	ssyncset.done $0x0  }
0x1a5: {  	[sflag:s1] =	ssyncadd.s32 $0xFFFFF000  }
0x1a6: {  	_ =	swait.ge [sflag:s15], $0x1000  }
0x1a7: {  	[sflag:s15] =	ssyncset.done $0x0  }
0x1a8: {  	[sflag:s15] =	ssyncadd.s32 $0xFFFFF000  }
0x1a9: {  	_ =	swait.ge [sflag:s17], $0x1000  }
0x1aa: {  	[sflag:s17] =	ssyncset.done $0x0  }
0x1ab: {  	s18 =	simm.s32 $0x8;
	[sflag:s17] =	ssyncadd.s32 $0xFFFFF000  }
0x1ac: {  	_ =	swait.ge [sflag:s18], $0x1000  }
0x1ad: {  	s2 =	simm.s32 $0x1000;
	[sflag:s18] =	ssyncset.done $0x0  }
0x1ae: {  	s3 =	simm.s32 $0x20000;
	s22 =	rddreg [dreg:$0x5];
	[sflag:s18] =	ssyncadd.s32 $0xFFFFF000  }
0x1af: {  	[hbm4b:s22+s2] =	stream.strided.scatter [tilespmem:s19], [sflag:$0x9], $0x4000, s3, s2, $0x38;
	[tilespmem:$0xC280] =	vst v63  }
0x1b0: {  	s3 =	simm.s32 $0x9  }
0x1b1: {  	_ =	swait.ge [sflag:s3], $0x4000  }
0x1b2: {  	s28 =	rddreg [dreg:$0x7]  }
0x1b3: {  	s31 =	rddreg [dreg:$0x6];
	s2 =	sadd.s32 $0x1, s28  }
0x1b4: {  	p0 =	sne.s32 s2, s31  }
.Ltmp1:
0x1b5: {  	_ = 	snop;
	(pc) =	sbr.rel @p0 .LBB2_1-.Ltmp1, $4  }
0x1b6: {  	_ = 	snop  }
0x1b7: {  	s4 =	simm.s32 $0x2280;
	s5 =	simm.s32 $0x3280  }
0x1b8: {  	s6 =	simm.s32 $0x4280;
	s7 =	simm.s32 $0x5280;
	[sflag:s3] =	ssyncset.done $0x0  }
0x1b9: {  	s12 =	simm.s32 $0x6280;
	s13 =	simm.s32 $0x7280;
	[sflag:s3] =	ssyncadd.s32 $0xFFFFC000  }
0x1ba: {  	_ =	sfence.sel $0x180000  }
0x1bb: {  	[bflag:$0x0] =	sbarrier.arrive $0xFFFF  }
0x1bc: {  	_ =	strace $0x90000047  }
0x1bd: {  	s0 =	stileid.u32;
	[bflag:$0x2] =	sbarrier.arrive $0xFFFF  }
0x1be: {  	p0 =	sne.s32 s0, $0x0;
	s0 =	rddreg [dreg:$0x3]  }
0x1bf: {  	s0 =	sadd.s32 @!p0 $0x100000, s0  }
0x1c0: {  	[sflag:s0] =	ssyncadd.tile.s32 @!p0 $0x1;
	_ =	shalt  }
.Lfunc_end2:
_tile_overlayer_lowered:
.L_overlay_start_2:
0x1c1: {  	(tag) =	ssettag $0x2  }
0x1c2: {  	s0 =	rddreg [dreg:$0x0];
	s2 =	stileid.u32  }
0x1c3: {  	s1 =	rddreg [dreg:$0x1];
	p0 =	sne.s32 s2, $0x0  }
0x1c4: {  	s3 =	rddreg [dreg:$0x2];
	[bflag:$0x3] =	sbarrier.arrive $0xFFFF;
	s2 =	simm.s32 @!p0 $0x1C09  }
0x1c5: {  	[timem:s3], [sflag:s2] =	dma.local @!p0 [hbm:s0], s1  }
0x1c6: {  	s0 =	simm.s32 @!p0 $0x9  }
0x1c7: {  	_ =	swait.ge @!p0 [sflag:s0], s1  }
0x1c8: {  	s1 =	ssub.s32 @!p0 $0x0, s1;
	[sflag:s0] =	ssyncset.done @!p0 $0x0  }
0x1c9: {  	[sflag:s0] =	ssyncadd.s32 @!p0 s1  }
0x1ca: {  	[bflag:$0x3] =	sbarrier.arrive $0xFFFF  }
0x1cb: {  	_ =	shalt  }

</sc_bundles>
